<compile_context>
chip_gen: v7x
topology: tpu7x:2x2x1
jax: 0.10.2.dev20260603
libtpu: 0.0.44.dev20260713+nightly
codegen_flags: <defaults>
</compile_context>

<pallas_src>
import jax
import jax.numpy as jnp
from jax import lax
from jax.experimental import pallas as pl
from jax.experimental.pallas import tpu as pltpu, tpu_sc as plsc

HID = 768
EH = 384
NL = 12
NB = 2
NH = 12
HD = 64
NE = 10000
E = 320000
R = 9
NBASES = 8
B = 16
LENT = 32
S = B * LENT

NC = 2
NS = 16
NW = NC * NS
EPT = E // NW
K = 64
ROWS = R * S
OPT = ROWS // NS
RPH = OPT // 2
CH = 1024
CAP = EPT + CH - EPT % CH


def _sc_body(espk_hbm, edst_hbm, ids_hbm, x_hbm,
             a2_hbm, cnt_hbm, xg_hbm, rep_hbm, lists_hbm, lcnt_hbm,
             slot_v, ids_v, esrc_v, edst_v,
             idxg2, rows_v, cnt_v, acc_v, pend_src, pend_row,
             idx16_v, rep_v, c128_v, sem):
    cid = lax.axis_index("c")
    sid = lax.axis_index("s")
    wid = sid * NC + cid
    lid = cid * NS + sid
    i32 = jnp.int32
    f32 = jnp.float32
    zero16 = jnp.zeros((16,), f32)
    iota16 = lax.broadcasted_iota(i32, (16,), 0)

    pltpu.sync_copy(ids_hbm, ids_v)

    def _init_slot(i, _):
        slot_v[pl.ds(i * 16, 16)] = jnp.full((16,), -1, i32)
        return _
    lax.fori_loop(0, NE // 16, _init_slot, None)

    def _scatter_ids(i, _):
        idv = ids_v[pl.ds(i * 16, 16)]
        plsc.store_scatter(slot_v, [idv], iota16 + i * 16)
        return _
    lax.fori_loop(0, S // 16, _scatter_ids, None)

    def _zero_cnt(i, _):
        cnt_v[pl.ds(i * 16, 16)] = zero16
        return _
    lax.fori_loop(0, ROWS // 16, _zero_cnt, None)

    myids = ids_v[pl.ds(wid * 16, 16)]
    idx16_v[...] = myids
    pltpu.async_copy(x_hbm.at[idx16_v], rows_v.at[pl.ds(0, 16)], sem).wait()
    pltpu.sync_copy(rows_v.at[pl.ds(0, 16)], xg_hbm.at[pl.ds(wid * 16, 16)])
    rep_v[...] = plsc.load_gather(slot_v, [myids])
    pltpu.sync_copy(rep_v, rep_hbm.at[pl.ds(wid * 16, 16)])

    pltpu.sync_copy(espk_hbm.at[pl.ds(wid * EPT, EPT)], esrc_v.at[pl.ds(0, EPT)])
    pltpu.sync_copy(edst_hbm.at[pl.ds(wid * EPT, EPT)], edst_v.at[pl.ds(0, EPT)])

    ones16 = jnp.full((16,), 1.0, f32)

    def _scan(i, ca):
        st16 = esrc_v[pl.ds(i * 16, 16)]
        s16 = lax.shift_right_logical(st16, 4)
        t16 = jnp.bitwise_and(st16, 15)
        d16 = edst_v[pl.ds(i * 16, 16)]
        sl16 = plsc.load_gather(slot_v, [d16])
        m = sl16 >= 0
        slotidx = t16 * S + sl16
        plsc.addupdate_scatter(cnt_v, [jnp.where(m, slotidx, 0)], ones16,
                               mask=m)
        plsc.store_compressed(esrc_v.at[pl.ds(ca, 16)], s16, mask=m)
        plsc.store_compressed(edst_v.at[pl.ds(ca, 16)], slotidx, mask=m)
        return ca + jnp.max(plsc.all_reduce_population_count(m))
    ca = lax.fori_loop(0, EPT // 16, _scan, jnp.int32(0))

    pltpu.sync_copy(esrc_v, lists_hbm.at[lid, 0])
    pltpu.sync_copy(edst_v, lists_hbm.at[lid, 1])
    idx16_v[...] = jnp.full((16,), 1, i32) * ca
    pltpu.sync_copy(idx16_v.at[pl.ds(0, 8)], lcnt_hbm.at[pl.ds(lid * 8, 8)])
    pltpu.sync_copy(cnt_v, cnt_hbm.at[wid])
    plsc.subcore_barrier()

    pltpu.sync_copy(lcnt_hbm.at[pl.ds(cid * NS * 8, 128)], c128_v)

    def _flush(n, base):
        for j in range(K // 16):
            v = pend_src[pl.ds(j * 16, 16)]
            ok = (iota16 + j * 16) < n
            idxg2[0, pl.ds(j * 16, 16)] = jnp.where(ok, v, 0)
        pltpu.async_copy(x_hbm.at[idxg2.at[0]], rows_v, sem).wait()

        def _addone(e, _):
            @pl.when(e < n)
            def _():
                rl = jnp.max(plsc.load_gather(pend_row,
                                              [jnp.full((16,), e, i32)]))
                rl = rl - base
                for cg in range(EH // 16):
                    plsc.addupdate(acc_v.at[rl, pl.ds(cg * 16, 16)],
                                   rows_v[e, pl.ds(cg * 16, 16)])
            return _
        lax.fori_loop(0, K, _addone, None)

    def _pass(p, _):
        base = sid * OPT + p * RPH

        def _zacc(i, _):
            for cg in range(EH // 16):
                acc_v[i, pl.ds(cg * 16, 16)] = zero16
            return _
        lax.fori_loop(0, RPH, _zacc, None)

        def _tbody(t, pc):
            nt = jnp.max(plsc.load_gather(c128_v,
                                          [jnp.full((16,), 8, i32) * t]))

            def _stage(c, pc):
                pltpu.sync_copy(lists_hbm.at[cid * NS + t, 0,
                                             pl.ds(c * CH, CH)],
                                esrc_v.at[pl.ds(0, CH)])
                pltpu.sync_copy(lists_hbm.at[cid * NS + t, 1,
                                             pl.ds(c * CH, CH)],
                                edst_v.at[pl.ds(0, CH)])
                rem = nt - c * CH

                def _collect(i, pc):
                    s16 = esrc_v[pl.ds(i * 16, 16)]
                    g16 = edst_v[pl.ds(i * 16, 16)]
                    mine = jnp.logical_and((i * 16 + iota16) < rem,
                                           jnp.logical_and(g16 >= base,
                                                           g16 < base + RPH))
                    plsc.store_compressed(pend_src.at[pl.ds(pc, 16)], s16,
                                          mask=mine)
                    plsc.store_compressed(pend_row.at[pl.ds(pc, 16)], g16,
                                          mask=mine)
                    pc2 = pc + jnp.max(plsc.all_reduce_population_count(mine))

                    @pl.when(pc2 >= K)
                    def _():
                        _flush(jnp.int32(K), base)
                        pend_src[pl.ds(0, 16)] = pend_src[pl.ds(K, 16)]
                        pend_row[pl.ds(0, 16)] = pend_row[pl.ds(K, 16)]
                    return jnp.where(pc2 >= K, pc2 - K, pc2)
                gc = jnp.minimum(CH // 16, (rem + 15) // 16)
                return lax.fori_loop(0, gc, _collect, pc)
            return lax.fori_loop(0, (nt + CH - 1) // CH, _stage, pc)

        pc = lax.fori_loop(0, NS, _tbody, jnp.int32(0))
        _flush(pc, base)
        pltpu.sync_copy(acc_v, a2_hbm.at[pl.ds(cid * ROWS + base, RPH)])
        return _
    lax.fori_loop(0, 2, _pass, None)


@jax.jit
def _sc_gather(espk, edst, ids, x):
    mesh = plsc.VectorSubcoreMesh(core_axis_name="c", subcore_axis_name="s")
    f = pl.kernel(
        _sc_body,
        out_type=(
            jax.ShapeDtypeStruct((NC * ROWS, EH), jnp.float32),
            jax.ShapeDtypeStruct((NW, ROWS), jnp.float32),
            jax.ShapeDtypeStruct((S, EH), jnp.float32),
            jax.ShapeDtypeStruct((S,), jnp.int32),
            jax.ShapeDtypeStruct((NW, 2, CAP), jnp.int32),
            jax.ShapeDtypeStruct((NW * 8,), jnp.int32),
        ),
        mesh=mesh,
        scratch_types=(
            pltpu.VMEM((NE,), jnp.int32),
            pltpu.VMEM((S,), jnp.int32),
            pltpu.VMEM((CAP,), jnp.int32),
            pltpu.VMEM((CAP,), jnp.int32),
            pltpu.VMEM((1, K), jnp.int32),
            pltpu.VMEM((K, EH), jnp.float32),
            pltpu.VMEM((ROWS,), jnp.float32),
            pltpu.VMEM((RPH, EH), jnp.float32),
            pltpu.VMEM((K + 16,), jnp.int32),
            pltpu.VMEM((K + 16,), jnp.int32),
            pltpu.VMEM((16,), jnp.int32),
            pltpu.VMEM((16,), jnp.int32),
            pltpu.VMEM((128,), jnp.int32),
            pltpu.SemaphoreType.DMA,
        ),
        compiler_params=pltpu.CompilerParams(needs_layout_passes=False),
    )
    return f(espk, edst, ids, x)


def _t1_body(a2_ref, cnt_ref, xg_ref, rep_ref, basis_ref, comp_ref,
             root_ref, bias_ref, e11_ref, e1b1_ref, e12_ref, e1b2_ref,
             e2w_ref, e2b_ref, p11_ref, p1b1_ref, p12_ref, p1b2_ref,
             out_ref):
    f32 = jnp.float32
    a2 = a2_ref[0:ROWS, :] + a2_ref[ROWS:2 * ROWS, :]
    xg = xg_ref[...]
    msg = jnp.zeros((S, EH), f32)
    for r in range(R):
        cnt_r = jnp.sum(cnt_ref[:, r, :], axis=0)
        inv = 1.0 / jnp.maximum(cnt_r, 1.0)
        a_r = a2[r * S:(r + 1) * S, :] * inv[:, None]
        w_r = comp_ref[r, 0] * basis_ref[0]
        for b in range(1, NBASES):
            w_r = w_r + comp_ref[r, b] * basis_ref[b]
        msg = msg + jnp.dot(a_r, w_r, preferred_element_type=f32)
    ent = (jnp.dot(xg, root_ref[...], preferred_element_type=f32)
           + bias_ref[...] + msg + xg)
    h = jnp.maximum(jnp.dot(ent, e11_ref[...], preferred_element_type=f32)
                    + e1b1_ref[...], 0.0)
    ent = ent + jnp.dot(h, e12_ref[...], preferred_element_type=f32) + e1b2_ref[...]
    ent3 = jnp.dot(ent, e2w_ref[...], preferred_element_type=f32) + e2b_ref[...]
    onehot = (rep_ref[...] == lax.broadcasted_iota(jnp.int32, (S, S), 1)
              ).astype(f32)
    pe0 = jnp.dot(onehot, ent3, preferred_element_type=f32)
    h = jnp.maximum(jnp.dot(pe0, p11_ref[...], preferred_element_type=f32)
                    + p1b1_ref[...], 0.0)
    out_ref[...] = (pe0 + jnp.dot(h, p12_ref[...], preferred_element_type=f32)
                    + p1b2_ref[...])


def _t2_body(pe1_ref, w_ref, b_ref, out_ref):
    y = jnp.dot(pe1_ref[...], w_ref[...], preferred_element_type=jnp.float32)
    y = y + b_ref[0]
    for h in range(NH):
        out_ref[0, 0, :, h, :, :] = y[:, h * HD:(h + 1) * HD].reshape(B, LENT, HD)


def kernel(node_embeds, basis, comp, root, bias,
           ep1_w1, ep1_b1, ep1_w2, ep1_b2, ep2_w, ep2_b,
           pp1_w1, pp1_b1, pp1_w2, pp1_b2, pp2_w, pp2_b,
           edge_index, edge_type, entity_ids, rec_labels):
    ids = entity_ids.reshape(-1)
    espk = edge_index[0] * 16 + edge_type
    a2, cnt, xg, rep, _, _ = _sc_gather(espk, edge_index[1], ids, node_embeds)

    vspec = pl.BlockSpec(memory_space=pltpu.VMEM)
    pe1 = pl.pallas_call(
        _t1_body,
        in_specs=[vspec, vspec, vspec, vspec, vspec,
                  pl.BlockSpec(memory_space=pltpu.SMEM),
                  vspec, vspec, vspec, vspec, vspec, vspec, vspec, vspec,
                  vspec, vspec, vspec, vspec],
        out_specs=vspec,
        out_shape=jax.ShapeDtypeStruct((S, HID), jnp.float32),
    )(a2, cnt.reshape(NW, R, S), xg, rep.reshape(S, 1), basis, comp,
      root, bias.reshape(1, EH),
      ep1_w1, ep1_b1.reshape(1, -1), ep1_w2, ep1_b2.reshape(1, -1),
      ep2_w, ep2_b.reshape(1, -1),
      pp1_w1, pp1_b1.reshape(1, -1), pp1_w2, pp1_b2.reshape(1, -1))

    out = pl.pallas_call(
        _t2_body,
        grid=(NL * NB,),
        in_specs=[
            pl.BlockSpec((S, HID), lambda i: (0, 0)),
            pl.BlockSpec((HID, HID), lambda i: (0, i)),
            pl.BlockSpec((1, 1, HID), lambda i: (i, 0, 0)),
        ],
        out_specs=pl.BlockSpec((1, 1, B, NH, LENT, HD),
                               lambda i: (i // 2, i % 2, 0, 0, 0, 0)),
        out_shape=jax.ShapeDtypeStruct((NL, NB, B, NH, LENT, HD), jnp.float32),
    )(pe1, pp2_w, pp2_b.reshape(NL * NB, 1, HID))
    return out

# --- scband reference (transcript-rebuilt; emitter-appended) ---
"""Pipeline reference for scband-kgprompt-42717744726057 (READ-ONLY COPY).

The authoritative reference and input builder live on the scoring server;
editing this copy changes nothing except your own understanding.
"""

import jax, jax.numpy as jnp
import numpy as np

HID = 768
EH = 384          # entity_hidden_size = hidden_size // 2
NH = 12           # n_head
HD = 64           # head_dim
NL = 12           # n_layer
NB = 2            # n_block
NE = 10000        # n_entity
EDGES = 320000    # n_nodes * avg_degree
R = 9             # num_relations + 1
NBASES = 8
B = 16
LENT = 32


def _glorot(key, shape):
    fan_in, fan_out = shape[-2], shape[-1]
    s = (2.0 / (fan_in + fan_out)) ** 0.5
    return jax.random.normal(key, shape, dtype=jnp.float32) * s


def setup_inputs(seed: int = 0):
    key = jax.random.key(seed)
    ks = jax.random.split(key, 24)
    inp = {}
    inp['node_embeds'] = _glorot(ks[0], (NE, EH))
    # RGCNConv with basis decomposition
    inp['basis'] = _glorot(ks[1], (NBASES, EH, EH))
    inp['comp'] = jax.random.normal(ks[2], (R, NBASES), dtype=jnp.float32) * (1.0 / NBASES) ** 0.5
    inp['root'] = _glorot(ks[3], (EH, EH))
    inp['bias'] = jnp.zeros((EH,), dtype=jnp.float32)
    # entity_proj1: Linear(EH, EH//2) -> ReLU -> Linear(EH//2, EH)
    inp['ep1_w1'] = _glorot(ks[4], (EH, EH // 2))
    inp['ep1_b1'] = jnp.zeros((EH // 2,), dtype=jnp.float32)
    inp['ep1_w2'] = _glorot(ks[5], (EH // 2, EH))
    inp['ep1_b2'] = jnp.zeros((EH,), dtype=jnp.float32)
    # entity_proj2: Linear(EH, HID)
    inp['ep2_w'] = _glorot(ks[6], (EH, HID))
    inp['ep2_b'] = jnp.zeros((HID,), dtype=jnp.float32)
    # prompt_proj1: Linear(HID, HID//2) -> ReLU -> Linear(HID//2, HID)
    inp['pp1_w1'] = _glorot(ks[7], (HID, HID // 2))
    inp['pp1_b1'] = jnp.zeros((HID // 2,), dtype=jnp.float32)
    inp['pp1_w2'] = _glorot(ks[8], (HID // 2, HID))
    inp['pp1_b2'] = jnp.zeros((HID,), dtype=jnp.float32)
    # prompt_proj2: Linear(HID, NL * NB * HID)
    inp['pp2_w'] = _glorot(ks[9], (HID, NL * NB * HID))
    inp['pp2_b'] = jnp.zeros((NL * NB * HID,), dtype=jnp.float32)
    # graph structure (frozen buffers in the torch module)
    inp['edge_index'] = jax.random.randint(ks[10], (2, EDGES), 0, NE, dtype=jnp.int32)
    inp['edge_type'] = jax.random.randint(ks[11], (EDGES,), 0, R, dtype=jnp.int32)
    # forward args
    inp['entity_ids'] = jax.random.randint(ks[12], (B, LENT), 0, NE, dtype=jnp.int32)
    inp['rec_labels'] = jax.random.randint(ks[13], (B,), 0, NE, dtype=jnp.int32)
    return inp


def _rgcn(x, edge_index, edge_type, basis, comp, root, bias):
    # PyG RGCNConv with basis decomposition, mean aggregation per relation
    src = edge_index[0]
    dst = edge_index[1]
    W = jnp.einsum('rb,bio->rio', comp, basis)  # [R, EH, EH]
    out = x @ root + bias
    for r in range(R):
        m = (edge_type == r).astype(jnp.float32)       # [E]
        hr = x @ W[r]                                   # [NE, EH]
        msg = jnp.take(hr, src, axis=0) * m[:, None]    # gather
        summed = jax.ops.segment_sum(msg, dst, num_segments=NE)  # scatter-add
        cnt = jax.ops.segment_sum(m, dst, num_segments=NE)
        out = out + summed / jnp.clip(cnt, 1.0, None)[:, None]
    return out


def reference(node_embeds, basis, comp, root, bias,
              ep1_w1, ep1_b1, ep1_w2, ep1_b2, ep2_w, ep2_b,
              pp1_w1, pp1_b1, pp1_w2, pp1_b2, pp2_w, pp2_b,
              edge_index, edge_type, entity_ids, rec_labels):
    # get_entity_embeds()
    ent = _rgcn(node_embeds, edge_index, edge_type, basis, comp, root, bias) + node_embeds
    ent = (jax.nn.relu(ent @ ep1_w1 + ep1_b1) @ ep1_w2 + ep1_b2) + ent
    ent = ent @ ep2_w + ep2_b                           # [NE, HID]
    rec_feats = jnp.take(ent, rec_labels, axis=0)       # gathered as in original (unused on entity-only path)
    pe = jnp.take(ent, entity_ids.reshape(-1), axis=0).reshape(B, LENT, HID)
    # prompt_proj1 residual + prompt_proj2
    pe = (jax.nn.relu(pe @ pp1_w1 + pp1_b1) @ pp1_w2 + pp1_b2) + pe
    pe = pe @ pp2_w + pp2_b                             # [B, LENT, NL*NB*HID]
    pe = pe.reshape(B, LENT, NL, NB, NH, HD).transpose(2, 3, 0, 4, 1, 5)
    return pe

if __name__ == "__main__":
    import jax
    _d = setup_inputs()
    print(jax.jit(kernel)(*tuple(_d.values())))

</pallas_src>

<mosaic_0001>
#map = affine_map<(d0, d1) -> (0)>
#map1 = affine_map<(d0, d1) -> (0, 0)>
#map2 = affine_map<(d0, d1) -> (0, 0, 0)>
module attributes {stable_mosaic.version = 14 : i64} {
  func.func @_sc_body(%arg0: i32, %arg1: i32, %arg2: memref<320000xi32, #tpu.memory_space<hbm>>, %arg3: memref<320000xi32, #tpu.memory_space<hbm>>, %arg4: memref<512xi32, #tpu.memory_space<hbm>>, %arg5: memref<10000x384xf32, #tpu.memory_space<hbm>>, %arg6: memref<9216x384xf32, #tpu.memory_space<hbm>>, %arg7: memref<32x4608xf32, #tpu.memory_space<hbm>>, %arg8: memref<512x384xf32, #tpu.memory_space<hbm>>, %arg9: memref<512xi32, #tpu.memory_space<hbm>>, %arg10: memref<32x2x10240xi32, #tpu.memory_space<hbm>>, %arg11: memref<256xi32, #tpu.memory_space<hbm>>, %arg12: memref<10000xi32, #tpu.memory_space<vmem>>, %arg13: memref<512xi32, #tpu.memory_space<vmem>>, %arg14: memref<10240xi32, #tpu.memory_space<vmem>>, %arg15: memref<10240xi32, #tpu.memory_space<vmem>>, %arg16: memref<1x64xi32, #tpu.memory_space<vmem>>, %arg17: memref<64x384xf32, #tpu.memory_space<vmem>>, %arg18: memref<4608xf32, #tpu.memory_space<vmem>>, %arg19: memref<144x384xf32, #tpu.memory_space<vmem>>, %arg20: memref<80xi32, #tpu.memory_space<vmem>>, %arg21: memref<80xi32, #tpu.memory_space<vmem>>, %arg22: memref<16xi32, #tpu.memory_space<vmem>>, %arg23: memref<16xi32, #tpu.memory_space<vmem>>, %arg24: memref<128xi32, #tpu.memory_space<vmem>>, %arg25: memref<!tpu.dma_semaphore, #tpu.memory_space<semaphore_mem>>) attributes {dimension_semantics = [#tpu.dimension_semantics<core_parallel>, #tpu.dimension_semantics<subcore_parallel>], iteration_bounds = array<i64: 2, 16>, scalar_prefetch = 0 : i64, scratch_operands = 14 : i64, tpu.core_type = #tpu.core_type<sc_vector_subcore>, window_params = [{transform_indices = #map}, {transform_indices = #map}, {transform_indices = #map}, {transform_indices = #map1}, {transform_indices = #map1}, {transform_indices = #map1}, {transform_indices = #map1}, {transform_indices = #map}, {transform_indices = #map2}, {transform_indices = #map}]} {
    %mul3A = arith.constant 2 : i32
    %mul3A_0 = arith.muli %arg1, %mul3A : i32
    %add3A = arith.addi %mul3A_0, %arg0 : i32
    %mul3A_1 = arith.constant 16 : i32
    %mul3A_2 = arith.muli %arg0, %mul3A_1 : i32
    %add3A_3 = arith.addi %mul3A_2, %arg1 : i32
    %broadcast_in_dim3A = arith.constant 0.000000e+00 : f32
    %broadcast_in_dim3A_4 = vector.broadcast %broadcast_in_dim3A : f32 to vector<16xf32>
    %iota3A = tpu.iota {dimensions = array<i32: 0>} : vector<16xi32>
    "tpu.region"() ({
      %run_scoped3A_70 = tpu.sem_alloc : memref<!tpu.dma_semaphore, #tpu.memory_space<semaphore_mem>>
      tpu.enqueue_dma source(%arg4 : memref<512xi32, #tpu.memory_space<hbm>>) target(%arg13 : memref<512xi32, #tpu.memory_space<vmem>>) target_semaphore(%run_scoped3A_70 : memref<!tpu.dma_semaphore, #tpu.memory_space<semaphore_mem>>)
      tpu.wait_dma2 semaphore(%run_scoped3A_70 : memref<!tpu.dma_semaphore, #tpu.memory_space<semaphore_mem>>) src(%arg4 : memref<512xi32, #tpu.memory_space<hbm>>) dst(%arg13 : memref<512xi32, #tpu.memory_space<vmem>>)
      tpu.yield
    }) : () -> ()
    %scan3A = arith.constant 0 : i32
    %scan3A_5 = arith.constant 625 : i32
    %scan3A_6 = arith.addi %scan3A, %scan3A_5 : i32
    %scan3A_7 = arith.constant 1 : i32
    scf.for %scan3A_70 = %scan3A to %scan3A_6 step %scan3A_7  : i32 {
      %broadcast_in_dim3A_71 = arith.constant -1 : i32
      %broadcast_in_dim3A_72 = vector.broadcast %broadcast_in_dim3A_71 : i32 to vector<16xi32>
      %mul3A_73 = arith.constant 16 : i32
      %mul3A_74 = arith.muli %scan3A_70, %mul3A_73 : i32
      %swap3A_75 = arith.index_cast %mul3A_74 : i32 to index
      %swap3A_76 = tpu.vector_load %arg12[%swap3A_75] {strides = array<i32>} : memref<10000xi32, #tpu.memory_space<vmem>>, vector<16xi32>,
      tpu.vector_store %arg12[%swap3A_75], %broadcast_in_dim3A_72 {strides = array<i32>} : memref<10000xi32, #tpu.memory_space<vmem>>, vector<16xi32>,
    }
    %scan3A_8 = arith.constant 625 : i32
    %scan3A_9 = arith.constant 0 : i32
    %scan3A_10 = arith.constant 32 : i32
    %scan3A_11 = arith.addi %scan3A_9, %scan3A_10 : i32
    %scan3A_12 = arith.constant 1 : i32
    scf.for %scan3A_70 = %scan3A_9 to %scan3A_11 step %scan3A_12  : i32 {
      %mul3A_71 = arith.constant 16 : i32
      %mul3A_72 = arith.muli %scan3A_70, %mul3A_71 : i32
      %get3A_73 = arith.index_cast %mul3A_72 : i32 to index
      %get3A_74 = tpu.vector_load %arg13[%get3A_73] {strides = array<i32>} : memref<512xi32, #tpu.memory_space<vmem>>, vector<16xi32>,
      %mul3A_75 = arith.constant 16 : i32
      %mul3A_76 = arith.muli %scan3A_70, %mul3A_75 : i32
      %add3A_77 = vector.broadcast %mul3A_76 : i32 to vector<16xi32>
      %add3A_78 = arith.addi %iota3A, %add3A_77 : vector<16xi32>
      tpu.vector_store_idx %arg12[%get3A_74], %add3A_78 : memref<10000xi32, #tpu.memory_space<vmem>>[vector<16xi32>], vector<16xi32>,
    }
    %scan3A_13 = arith.constant 32 : i32
    %scan3A_14 = arith.constant 0 : i32
    %scan3A_15 = arith.constant 288 : i32
    %scan3A_16 = arith.addi %scan3A_14, %scan3A_15 : i32
    %scan3A_17 = arith.constant 1 : i32
    scf.for %scan3A_70 = %scan3A_14 to %scan3A_16 step %scan3A_17  : i32 {
      %mul3A_71 = arith.constant 16 : i32
      %mul3A_72 = arith.muli %scan3A_70, %mul3A_71 : i32
      %swap3A_73 = arith.index_cast %mul3A_72 : i32 to index
      %swap3A_74 = tpu.vector_load %arg18[%swap3A_73] {strides = array<i32>} : memref<4608xf32, #tpu.memory_space<vmem>>, vector<16xf32>,
      tpu.vector_store %arg18[%swap3A_73], %broadcast_in_dim3A_4 {strides = array<i32>} : memref<4608xf32, #tpu.memory_space<vmem>>, vector<16xf32>,
    }
    %scan3A_18 = arith.constant 288 : i32
    %mul3A_19 = arith.constant 16 : i32
    %mul3A_20 = arith.muli %add3A, %mul3A_19 : i32
    %get3A = arith.index_cast %mul3A_20 : i32 to index
    %get3A_21 = tpu.vector_load %arg13[%get3A] {strides = array<i32>} : memref<512xi32, #tpu.memory_space<vmem>>, vector<16xi32>,
    %swap3A = arith.constant 0 : index
    %swap3A_22 = tpu.vector_load %arg22[%swap3A] {strides = array<i32>} : memref<16xi32, #tpu.memory_space<vmem>>, vector<16xi32>,
    tpu.vector_store %arg22[%swap3A], %get3A_21 {strides = array<i32>} : memref<16xi32, #tpu.memory_space<vmem>>, vector<16xi32>,
    %dma_start3A = arith.constant 0 : i32
    %dma_start3A_23 = arith.constant 0 : i32
    %dma_start3A_24 = tpu.memref_slice %arg17[%dma_start3A, %dma_start3A_23] : memref<64x384xf32, #tpu.memory_space<vmem>> -> memref<16x384xf32, #tpu.memory_space<vmem>>
    %dma_start3A_25 = arith.constant 0 : i32
    %dma_start3A_26 = arith.constant 0 : i32
    %dma_start3A_27 = tpu.memref_slice %arg5[%dma_start3A_25, %dma_start3A_26] : memref<10000x384xf32, #tpu.memory_space<hbm>> -> memref<10000x384xf32, #tpu.memory_space<hbm>>
    tpu.enqueue_indirect_dma source(%dma_start3A_27 : memref<10000x384xf32, #tpu.memory_space<hbm>>) target(%dma_start3A_24 : memref<16x384xf32, #tpu.memory_space<vmem>>) offsets(%arg22 : memref<16xi32, #tpu.memory_space<vmem>>) semaphore(%arg25 : memref<!tpu.dma_semaphore, #tpu.memory_space<semaphore_mem>>)
    %dma_wait3A = arith.constant 0 : i32
    %dma_wait3A_28 = arith.constant 0 : i32
    %dma_wait3A_29 = tpu.memref_slice %arg17[%dma_wait3A, %dma_wait3A_28] : memref<64x384xf32, #tpu.memory_space<vmem>> -> memref<16x384xf32, #tpu.memory_space<vmem>>
    %dma_wait3A_30 = arith.constant 0 : i32
    %dma_wait3A_31 = arith.constant 0 : i32
    %dma_wait3A_32 = tpu.memref_slice %arg5[%dma_wait3A_30, %dma_wait3A_31] : memref<10000x384xf32, #tpu.memory_space<hbm>> -> memref<10000x384xf32, #tpu.memory_space<hbm>>
    tpu.wait_indirect_dma semaphore(%arg25 : memref<!tpu.dma_semaphore, #tpu.memory_space<semaphore_mem>>) src(%dma_wait3A_32 : memref<10000x384xf32, #tpu.memory_space<hbm>>) dst(%dma_wait3A_29 : memref<16x384xf32, #tpu.memory_space<vmem>>)
    %mul3A_33 = arith.constant 16 : i32
    %mul3A_34 = arith.muli %add3A, %mul3A_33 : i32
    "tpu.region"() ({
      %run_scoped3A_70 = tpu.sem_alloc : memref<!tpu.dma_semaphore, #tpu.memory_space<semaphore_mem>>
      %dma_start3A_71 = arith.constant 0 : i32
      %dma_start3A_72 = arith.constant 0 : i32
      %dma_start3A_73 = tpu.memref_slice %arg17[%dma_start3A_71, %dma_start3A_72] : memref<64x384xf32, #tpu.memory_space<vmem>> -> memref<16x384xf32, #tpu.memory_space<vmem>>
      %dma_start3A_74 = arith.constant 0 : i32
      %dma_start3A_75 = tpu.memref_slice %arg8[%mul3A_34, %dma_start3A_74] : memref<512x384xf32, #tpu.memory_space<hbm>> -> memref<16x384xf32, #tpu.memory_space<hbm>>
      %dma_start3A_76 = arith.constant 0 : i32
      %dma_start3A_77 = tpu.memref_slice %arg8[%mul3A_34, %dma_start3A_76] : memref<512x384xf32, #tpu.memory_space<hbm>> -> memref<16x384xf32, #tpu.memory_space<hbm>>
      %dma_start3A_78 = arith.constant 0 : i32
      %dma_start3A_79 = arith.constant 0 : i32
      %dma_start3A_80 = tpu.memref_slice %arg17[%dma_start3A_78, %dma_start3A_79] : memref<64x384xf32, #tpu.memory_space<vmem>> -> memref<16x384xf32, #tpu.memory_space<vmem>>
      tpu.enqueue_dma source(%dma_start3A_80 : memref<16x384xf32, #tpu.memory_space<vmem>>) target(%dma_start3A_77 : memref<16x384xf32, #tpu.memory_space<hbm>>) target_semaphore(%run_scoped3A_70 : memref<!tpu.dma_semaphore, #tpu.memory_space<semaphore_mem>>)
      %dma_wait3A_81 = arith.constant 0 : i32
      %dma_wait3A_82 = arith.constant 0 : i32
      %dma_wait3A_83 = tpu.memref_slice %arg17[%dma_wait3A_81, %dma_wait3A_82] : memref<64x384xf32, #tpu.memory_space<vmem>> -> memref<16x384xf32, #tpu.memory_space<vmem>>
      %dma_wait3A_84 = arith.constant 0 : i32
      %dma_wait3A_85 = tpu.memref_slice %arg8[%mul3A_34, %dma_wait3A_84] : memref<512x384xf32, #tpu.memory_space<hbm>> -> memref<16x384xf32, #tpu.memory_space<hbm>>
      %dma_wait3A_86 = arith.constant 0 : i32
      %dma_wait3A_87 = tpu.memref_slice %arg8[%mul3A_34, %dma_wait3A_86] : memref<512x384xf32, #tpu.memory_space<hbm>> -> memref<16x384xf32, #tpu.memory_space<hbm>>
      %dma_wait3A_88 = arith.constant 0 : i32
      %dma_wait3A_89 = arith.constant 0 : i32
      %dma_wait3A_90 = tpu.memref_slice %arg17[%dma_wait3A_88, %dma_wait3A_89] : memref<64x384xf32, #tpu.memory_space<vmem>> -> memref<16x384xf32, #tpu.memory_space<vmem>>
      tpu.wait_dma2 semaphore(%run_scoped3A_70 : memref<!tpu.dma_semaphore, #tpu.memory_space<semaphore_mem>>) src(%dma_wait3A_90 : memref<16x384xf32, #tpu.memory_space<vmem>>) dst(%dma_wait3A_87 : memref<16x384xf32, #tpu.memory_space<hbm>>)
      tpu.yield
    }) : () -> ()
    %gather3A = tpu.vector_load_idx %arg12[%get3A_21] : memref<10000xi32, #tpu.memory_space<vmem>>[vector<16xi32>], vector<16xi32>,
    %swap3A_35 = arith.constant 0 : index
    %swap3A_36 = tpu.vector_load %arg23[%swap3A_35] {strides = array<i32>} : memref<16xi32, #tpu.memory_space<vmem>>, vector<16xi32>,
    tpu.vector_store %arg23[%swap3A_35], %gather3A {strides = array<i32>} : memref<16xi32, #tpu.memory_space<vmem>>, vector<16xi32>,
    %mul3A_37 = arith.constant 16 : i32
    %mul3A_38 = arith.muli %add3A, %mul3A_37 : i32
    "tpu.region"() ({
      %run_scoped3A_70 = tpu.sem_alloc : memref<!tpu.dma_semaphore, #tpu.memory_space<semaphore_mem>>
      %dma_start3A_71 = tpu.memref_slice %arg9[%mul3A_38] : memref<512xi32, #tpu.memory_space<hbm>> -> memref<16xi32, #tpu.memory_space<hbm>>
      %dma_start3A_72 = tpu.memref_slice %arg9[%mul3A_38] : memref<512xi32, #tpu.memory_space<hbm>> -> memref<16xi32, #tpu.memory_space<hbm>>
      tpu.enqueue_dma source(%arg23 : memref<16xi32, #tpu.memory_space<vmem>>) target(%dma_start3A_72 : memref<16xi32, #tpu.memory_space<hbm>>) target_semaphore(%run_scoped3A_70 : memref<!tpu.dma_semaphore, #tpu.memory_space<semaphore_mem>>)
      %dma_wait3A_73 = tpu.memref_slice %arg9[%mul3A_38] : memref<512xi32, #tpu.memory_space<hbm>> -> memref<16xi32, #tpu.memory_space<hbm>>
      %dma_wait3A_74 = tpu.memref_slice %arg9[%mul3A_38] : memref<512xi32, #tpu.memory_space<hbm>> -> memref<16xi32, #tpu.memory_space<hbm>>
      tpu.wait_dma2 semaphore(%run_scoped3A_70 : memref<!tpu.dma_semaphore, #tpu.memory_space<semaphore_mem>>) src(%arg23 : memref<16xi32, #tpu.memory_space<vmem>>) dst(%dma_wait3A_74 : memref<16xi32, #tpu.memory_space<hbm>>)
      tpu.yield
    }) : () -> ()
    %mul3A_39 = arith.constant 10000 : i32
    %mul3A_40 = arith.muli %add3A, %mul3A_39 : i32
    "tpu.region"() ({
      %run_scoped3A_70 = tpu.sem_alloc : memref<!tpu.dma_semaphore, #tpu.memory_space<semaphore_mem>>
      %dma_start3A_71 = arith.constant 0 : i32
      %dma_start3A_72 = tpu.memref_slice %arg14[%dma_start3A_71] : memref<10240xi32, #tpu.memory_space<vmem>> -> memref<10000xi32, #tpu.memory_space<vmem>>
      %dma_start3A_73 = tpu.memref_slice %arg2[%mul3A_40] : memref<320000xi32, #tpu.memory_space<hbm>> -> memref<10000xi32, #tpu.memory_space<hbm>>
      %dma_start3A_74 = arith.constant 0 : i32
      %dma_start3A_75 = tpu.memref_slice %arg14[%dma_start3A_74] : memref<10240xi32, #tpu.memory_space<vmem>> -> memref<10000xi32, #tpu.memory_space<vmem>>
      %dma_start3A_76 = tpu.memref_slice %arg2[%mul3A_40] : memref<320000xi32, #tpu.memory_space<hbm>> -> memref<10000xi32, #tpu.memory_space<hbm>>
      tpu.enqueue_dma source(%dma_start3A_76 : memref<10000xi32, #tpu.memory_space<hbm>>) target(%dma_start3A_75 : memref<10000xi32, #tpu.memory_space<vmem>>) target_semaphore(%run_scoped3A_70 : memref<!tpu.dma_semaphore, #tpu.memory_space<semaphore_mem>>)
      %dma_wait3A_77 = arith.constant 0 : i32
      %dma_wait3A_78 = tpu.memref_slice %arg14[%dma_wait3A_77] : memref<10240xi32, #tpu.memory_space<vmem>> -> memref<10000xi32, #tpu.memory_space<vmem>>
      %dma_wait3A_79 = tpu.memref_slice %arg2[%mul3A_40] : memref<320000xi32, #tpu.memory_space<hbm>> -> memref<10000xi32, #tpu.memory_space<hbm>>
      %dma_wait3A_80 = arith.constant 0 : i32
      %dma_wait3A_81 = tpu.memref_slice %arg14[%dma_wait3A_80] : memref<10240xi32, #tpu.memory_space<vmem>> -> memref<10000xi32, #tpu.memory_space<vmem>>
      %dma_wait3A_82 = tpu.memref_slice %arg2[%mul3A_40] : memref<320000xi32, #tpu.memory_space<hbm>> -> memref<10000xi32, #tpu.memory_space<hbm>>
      tpu.wait_dma2 semaphore(%run_scoped3A_70 : memref<!tpu.dma_semaphore, #tpu.memory_space<semaphore_mem>>) src(%dma_wait3A_82 : memref<10000xi32, #tpu.memory_space<hbm>>) dst(%dma_wait3A_81 : memref<10000xi32, #tpu.memory_space<vmem>>)
      tpu.yield
    }) : () -> ()
    %mul3A_41 = arith.constant 10000 : i32
    %mul3A_42 = arith.muli %add3A, %mul3A_41 : i32
    "tpu.region"() ({
      %run_scoped3A_70 = tpu.sem_alloc : memref<!tpu.dma_semaphore, #tpu.memory_space<semaphore_mem>>
      %dma_start3A_71 = arith.constant 0 : i32
      %dma_start3A_72 = tpu.memref_slice %arg15[%dma_start3A_71] : memref<10240xi32, #tpu.memory_space<vmem>> -> memref<10000xi32, #tpu.memory_space<vmem>>
      %dma_start3A_73 = tpu.memref_slice %arg3[%mul3A_42] : memref<320000xi32, #tpu.memory_space<hbm>> -> memref<10000xi32, #tpu.memory_space<hbm>>
      %dma_start3A_74 = arith.constant 0 : i32
      %dma_start3A_75 = tpu.memref_slice %arg15[%dma_start3A_74] : memref<10240xi32, #tpu.memory_space<vmem>> -> memref<10000xi32, #tpu.memory_space<vmem>>
      %dma_start3A_76 = tpu.memref_slice %arg3[%mul3A_42] : memref<320000xi32, #tpu.memory_space<hbm>> -> memref<10000xi32, #tpu.memory_space<hbm>>
      tpu.enqueue_dma source(%dma_start3A_76 : memref<10000xi32, #tpu.memory_space<hbm>>) target(%dma_start3A_75 : memref<10000xi32, #tpu.memory_space<vmem>>) target_semaphore(%run_scoped3A_70 : memref<!tpu.dma_semaphore, #tpu.memory_space<semaphore_mem>>)
      %dma_wait3A_77 = arith.constant 0 : i32
      %dma_wait3A_78 = tpu.memref_slice %arg15[%dma_wait3A_77] : memref<10240xi32, #tpu.memory_space<vmem>> -> memref<10000xi32, #tpu.memory_space<vmem>>
      %dma_wait3A_79 = tpu.memref_slice %arg3[%mul3A_42] : memref<320000xi32, #tpu.memory_space<hbm>> -> memref<10000xi32, #tpu.memory_space<hbm>>
      %dma_wait3A_80 = arith.constant 0 : i32
      %dma_wait3A_81 = tpu.memref_slice %arg15[%dma_wait3A_80] : memref<10240xi32, #tpu.memory_space<vmem>> -> memref<10000xi32, #tpu.memory_space<vmem>>
      %dma_wait3A_82 = tpu.memref_slice %arg3[%mul3A_42] : memref<320000xi32, #tpu.memory_space<hbm>> -> memref<10000xi32, #tpu.memory_space<hbm>>
      tpu.wait_dma2 semaphore(%run_scoped3A_70 : memref<!tpu.dma_semaphore, #tpu.memory_space<semaphore_mem>>) src(%dma_wait3A_82 : memref<10000xi32, #tpu.memory_space<hbm>>) dst(%dma_wait3A_81 : memref<10000xi32, #tpu.memory_space<vmem>>)
      tpu.yield
    }) : () -> ()
    %broadcast_in_dim3A_43 = arith.constant 1.000000e+00 : f32
    %broadcast_in_dim3A_44 = vector.broadcast %broadcast_in_dim3A_43 : f32 to vector<16xf32>
    %scan3A_45 = arith.constant 0 : i32
    %scan3A_46 = arith.constant 0 : i32
    %scan3A_47 = arith.constant 625 : i32
    %scan3A_48 = arith.addi %scan3A_46, %scan3A_47 : i32
    %scan3A_49 = arith.constant 1 : i32
    %scan3A_50 = scf.for %scan3A_70 = %scan3A_46 to %scan3A_48 step %scan3A_49 iter_args(%scan3A_71 = %scan3A_45) -> (i32)  : i32 {
      %mul3A_72 = arith.constant 16 : i32
      %mul3A_73 = arith.muli %scan3A_70, %mul3A_72 : i32
      %get3A_74 = arith.index_cast %mul3A_73 : i32 to index
      %get3A_75 = tpu.vector_load %arg14[%get3A_74] {strides = array<i32>} : memref<10240xi32, #tpu.memory_space<vmem>>, vector<16xi32>,
      %shift_right_logical3A = arith.constant 4 : i32
      %shift_right_logical3A_76 = vector.broadcast %shift_right_logical3A : i32 to vector<16xi32>
      %shift_right_logical3A_77 = arith.shrui %get3A_75, %shift_right_logical3A_76 : vector<16xi32>
      %and3A = arith.constant 15 : i32
      %and3A_78 = vector.broadcast %and3A : i32 to vector<16xi32>
      %and3A_79 = arith.andi %get3A_75, %and3A_78 : vector<16xi32>
      %mul3A_80 = arith.constant 16 : i32
      %mul3A_81 = arith.muli %scan3A_70, %mul3A_80 : i32
      %get3A_82 = arith.index_cast %mul3A_81 : i32 to index
      %get3A_83 = tpu.vector_load %arg15[%get3A_82] {strides = array<i32>} : memref<10240xi32, #tpu.memory_space<vmem>>, vector<16xi32>,
      %gather3A_84 = tpu.vector_load_idx %arg12[%get3A_83] : memref<10000xi32, #tpu.memory_space<vmem>>[vector<16xi32>], vector<16xi32>,
      %ge3A = arith.constant 0 : i32
      %ge3A_85 = vector.broadcast %ge3A : i32 to vector<16xi32>
      %ge3A_86 = arith.cmpi sge, %gather3A_84, %ge3A_85 : vector<16xi32>
      %mul3A_87 = arith.constant 512 : i32
      %mul3A_88 = vector.broadcast %mul3A_87 : i32 to vector<16xi32>
      %mul3A_89 = arith.muli %and3A_79, %mul3A_88 : vector<16xi32>
      %add3A_90 = arith.addi %mul3A_89, %gather3A_84 : vector<16xi32>
      %jit3A = arith.constant 0 : i32
      %broadcast_in_dim3A_91 = vector.broadcast %jit3A : i32 to vector<16xi32>
      %select_n3A = arith.select %ge3A_86, %add3A_90, %broadcast_in_dim3A_91 : vector<16xi1>, vector<16xi32>
      tpu.vector_store_idx %arg18[%select_n3A], %broadcast_in_dim3A_44 masked %ge3A_86 {add = true} : memref<4608xf32, #tpu.memory_space<vmem>>[vector<16xi32>], vector<16xf32>, vector<16xi1>
      %swap3A_92 = arith.index_cast %scan3A_71 : i32 to index
      %swap3A_93 = tpu.vector_load %arg14[%swap3A_92] masked %ge3A_86 {strides = array<i32>} : memref<10240xi32, #tpu.memory_space<vmem>>, vector<16xi32>, vector<16xi1>
      tpu.vector_store %arg14[%swap3A_92], %shift_right_logical3A_77 masked %ge3A_86 {strides = array<i32>} : memref<10240xi32, #tpu.memory_space<vmem>>, vector<16xi32>, vector<16xi1>
      %swap3A_94 = arith.index_cast %scan3A_71 : i32 to index
      %swap3A_95 = tpu.vector_load %arg15[%swap3A_94] masked %ge3A_86 {strides = array<i32>} : memref<10240xi32, #tpu.memory_space<vmem>>, vector<16xi32>, vector<16xi1>
      tpu.vector_store %arg15[%swap3A_94], %add3A_90 masked %ge3A_86 {strides = array<i32>} : memref<10240xi32, #tpu.memory_space<vmem>>, vector<16xi32>, vector<16xi1>
      %all_reduce_population_count3A = tpu.all_reduce %ge3A_86 {dim = 0 : i64, kind = #tpu.reduction_kind<sum>} : vector<16xi1> -> vector<16xi32>
      %reduce_max3A = arith.constant true
      %reduce_max3A_96 = vector.broadcast %reduce_max3A : i1 to vector<16xi1>
      %reduce_max3A_97 = arith.constant -2147483648 : i32
      %reduce_max3A_98 = vector.broadcast %reduce_max3A_97 : i32 to vector<16xi32>
      %reduce_max3A_99 = arith.xori %all_reduce_population_count3A, %reduce_max3A_98 : vector<16xi32>
      %reduce_max3A_100 = tpu.scan <max>, %reduce_max3A_99 masked %reduce_max3A_96 : vector<16xi32>, vector<16xi1> -> vector<16xi32>
      %reduce_max3A_101 = arith.xori %reduce_max3A_100, %reduce_max3A_98 : vector<16xi32>
      %reduce_max3A_102 = vector.extract %reduce_max3A_101[15] : i32 from vector<16xi32>
      %add3A_103 = arith.addi %scan3A_71, %reduce_max3A_102 : i32
      scf.yield %add3A_103 : i32
    }
    %scan3A_51 = arith.constant 625 : i32
    %run_scoped3A = arith.constant 0 : i32
    "tpu.region"() ({
      %run_scoped3A_70 = tpu.sem_alloc : memref<!tpu.dma_semaphore, #tpu.memory_space<semaphore_mem>>
      %dma_start3A_71 = arith.constant 0 : i32
      %dma_start3A_72 = tpu.memref_slice %arg10[%add3A_3, %run_scoped3A, %dma_start3A_71] : memref<32x2x10240xi32, #tpu.memory_space<hbm>> -> memref<1x1x10240xi32, #tpu.memory_space<hbm>>
      %dma_start3A_73 = tpu.memref_squeeze %dma_start3A_72 : memref<1x1x10240xi32, #tpu.memory_space<hbm>> -> memref<10240xi32, #tpu.memory_space<hbm>>
      %dma_start3A_74 = arith.constant 0 : i32
      %dma_start3A_75 = tpu.memref_slice %arg10[%add3A_3, %run_scoped3A, %dma_start3A_74] : memref<32x2x10240xi32, #tpu.memory_space<hbm>> -> memref<1x1x10240xi32, #tpu.memory_space<hbm>>
      %dma_start3A_76 = tpu.memref_squeeze %dma_start3A_75 : memref<1x1x10240xi32, #tpu.memory_space<hbm>> -> memref<10240xi32, #tpu.memory_space<hbm>>
      tpu.enqueue_dma source(%arg14 : memref<10240xi32, #tpu.memory_space<vmem>>) target(%dma_start3A_76 : memref<10240xi32, #tpu.memory_space<hbm>>) target_semaphore(%run_scoped3A_70 : memref<!tpu.dma_semaphore, #tpu.memory_space<semaphore_mem>>)
      %dma_wait3A_77 = arith.constant 0 : i32
      %dma_wait3A_78 = tpu.memref_slice %arg10[%add3A_3, %run_scoped3A, %dma_wait3A_77] : memref<32x2x10240xi32, #tpu.memory_space<hbm>> -> memref<1x1x10240xi32, #tpu.memory_space<hbm>>
      %dma_wait3A_79 = tpu.memref_squeeze %dma_wait3A_78 : memref<1x1x10240xi32, #tpu.memory_space<hbm>> -> memref<10240xi32, #tpu.memory_space<hbm>>
      %dma_wait3A_80 = arith.constant 0 : i32
      %dma_wait3A_81 = tpu.memref_slice %arg10[%add3A_3, %run_scoped3A, %dma_wait3A_80] : memref<32x2x10240xi32, #tpu.memory_space<hbm>> -> memref<1x1x10240xi32, #tpu.memory_space<hbm>>
      %dma_wait3A_82 = tpu.memref_squeeze %dma_wait3A_81 : memref<1x1x10240xi32, #tpu.memory_space<hbm>> -> memref<10240xi32, #tpu.memory_space<hbm>>
      tpu.wait_dma2 semaphore(%run_scoped3A_70 : memref<!tpu.dma_semaphore, #tpu.memory_space<semaphore_mem>>) src(%arg14 : memref<10240xi32, #tpu.memory_space<vmem>>) dst(%dma_wait3A_82 : memref<10240xi32, #tpu.memory_space<hbm>>)
      tpu.yield
    }) : () -> ()
    %run_scoped3A_52 = arith.constant 1 : i32
    "tpu.region"() ({
      %run_scoped3A_70 = tpu.sem_alloc : memref<!tpu.dma_semaphore, #tpu.memory_space<semaphore_mem>>
      %dma_start3A_71 = arith.constant 0 : i32
      %dma_start3A_72 = tpu.memref_slice %arg10[%add3A_3, %run_scoped3A_52, %dma_start3A_71] : memref<32x2x10240xi32, #tpu.memory_space<hbm>> -> memref<1x1x10240xi32, #tpu.memory_space<hbm>>
      %dma_start3A_73 = tpu.memref_squeeze %dma_start3A_72 : memref<1x1x10240xi32, #tpu.memory_space<hbm>> -> memref<10240xi32, #tpu.memory_space<hbm>>
      %dma_start3A_74 = arith.constant 0 : i32
      %dma_start3A_75 = tpu.memref_slice %arg10[%add3A_3, %run_scoped3A_52, %dma_start3A_74] : memref<32x2x10240xi32, #tpu.memory_space<hbm>> -> memref<1x1x10240xi32, #tpu.memory_space<hbm>>
      %dma_start3A_76 = tpu.memref_squeeze %dma_start3A_75 : memref<1x1x10240xi32, #tpu.memory_space<hbm>> -> memref<10240xi32, #tpu.memory_space<hbm>>
      tpu.enqueue_dma source(%arg15 : memref<10240xi32, #tpu.memory_space<vmem>>) target(%dma_start3A_76 : memref<10240xi32, #tpu.memory_space<hbm>>) target_semaphore(%run_scoped3A_70 : memref<!tpu.dma_semaphore, #tpu.memory_space<semaphore_mem>>)
      %dma_wait3A_77 = arith.constant 0 : i32
      %dma_wait3A_78 = tpu.memref_slice %arg10[%add3A_3, %run_scoped3A_52, %dma_wait3A_77] : memref<32x2x10240xi32, #tpu.memory_space<hbm>> -> memref<1x1x10240xi32, #tpu.memory_space<hbm>>
      %dma_wait3A_79 = tpu.memref_squeeze %dma_wait3A_78 : memref<1x1x10240xi32, #tpu.memory_space<hbm>> -> memref<10240xi32, #tpu.memory_space<hbm>>
      %dma_wait3A_80 = arith.constant 0 : i32
      %dma_wait3A_81 = tpu.memref_slice %arg10[%add3A_3, %run_scoped3A_52, %dma_wait3A_80] : memref<32x2x10240xi32, #tpu.memory_space<hbm>> -> memref<1x1x10240xi32, #tpu.memory_space<hbm>>
      %dma_wait3A_82 = tpu.memref_squeeze %dma_wait3A_81 : memref<1x1x10240xi32, #tpu.memory_space<hbm>> -> memref<10240xi32, #tpu.memory_space<hbm>>
      tpu.wait_dma2 semaphore(%run_scoped3A_70 : memref<!tpu.dma_semaphore, #tpu.memory_space<semaphore_mem>>) src(%arg15 : memref<10240xi32, #tpu.memory_space<vmem>>) dst(%dma_wait3A_82 : memref<10240xi32, #tpu.memory_space<hbm>>)
      tpu.yield
    }) : () -> ()
    %broadcast_in_dim3A_53 = arith.constant 1 : i32
    %broadcast_in_dim3A_54 = vector.broadcast %broadcast_in_dim3A_53 : i32 to vector<16xi32>
    %mul3A_55 = vector.broadcast %scan3A_50 : i32 to vector<16xi32>
    %mul3A_56 = arith.muli %broadcast_in_dim3A_54, %mul3A_55 : vector<16xi32>
    %swap3A_57 = arith.constant 0 : index
    %swap3A_58 = tpu.vector_load %arg22[%swap3A_57] {strides = array<i32>} : memref<16xi32, #tpu.memory_space<vmem>>, vector<16xi32>,
    tpu.vector_store %arg22[%swap3A_57], %mul3A_56 {strides = array<i32>} : memref<16xi32, #tpu.memory_space<vmem>>, vector<16xi32>,
    %mul3A_59 = arith.constant 8 : i32
    %mul3A_60 = arith.muli %add3A_3, %mul3A_59 : i32
    "tpu.region"() ({
      %run_scoped3A_70 = tpu.sem_alloc : memref<!tpu.dma_semaphore, #tpu.memory_space<semaphore_mem>>
      %dma_start3A_71 = arith.constant 0 : i32
      %dma_start3A_72 = tpu.memref_slice %arg22[%dma_start3A_71] : memref<16xi32, #tpu.memory_space<vmem>> -> memref<8xi32, #tpu.memory_space<vmem>>
      %dma_start3A_73 = tpu.memref_slice %arg11[%mul3A_60] : memref<256xi32, #tpu.memory_space<hbm>> -> memref<8xi32, #tpu.memory_space<hbm>>
      %dma_start3A_74 = tpu.memref_slice %arg11[%mul3A_60] : memref<256xi32, #tpu.memory_space<hbm>> -> memref<8xi32, #tpu.memory_space<hbm>>
      %dma_start3A_75 = arith.constant 0 : i32
      %dma_start3A_76 = tpu.memref_slice %arg22[%dma_start3A_75] : memref<16xi32, #tpu.memory_space<vmem>> -> memref<8xi32, #tpu.memory_space<vmem>>
      tpu.enqueue_dma source(%dma_start3A_76 : memref<8xi32, #tpu.memory_space<vmem>>) target(%dma_start3A_74 : memref<8xi32, #tpu.memory_space<hbm>>) target_semaphore(%run_scoped3A_70 : memref<!tpu.dma_semaphore, #tpu.memory_space<semaphore_mem>>)
      %dma_wait3A_77 = arith.constant 0 : i32
      %dma_wait3A_78 = tpu.memref_slice %arg22[%dma_wait3A_77] : memref<16xi32, #tpu.memory_space<vmem>> -> memref<8xi32, #tpu.memory_space<vmem>>
      %dma_wait3A_79 = tpu.memref_slice %arg11[%mul3A_60] : memref<256xi32, #tpu.memory_space<hbm>> -> memref<8xi32, #tpu.memory_space<hbm>>
      %dma_wait3A_80 = tpu.memref_slice %arg11[%mul3A_60] : memref<256xi32, #tpu.memory_space<hbm>> -> memref<8xi32, #tpu.memory_space<hbm>>
      %dma_wait3A_81 = arith.constant 0 : i32
      %dma_wait3A_82 = tpu.memref_slice %arg22[%dma_wait3A_81] : memref<16xi32, #tpu.memory_space<vmem>> -> memref<8xi32, #tpu.memory_space<vmem>>
      tpu.wait_dma2 semaphore(%run_scoped3A_70 : memref<!tpu.dma_semaphore, #tpu.memory_space<semaphore_mem>>) src(%dma_wait3A_82 : memref<8xi32, #tpu.memory_space<vmem>>) dst(%dma_wait3A_80 : memref<8xi32, #tpu.memory_space<hbm>>)
      tpu.yield
    }) : () -> ()
    "tpu.region"() ({
      %run_scoped3A_70 = tpu.sem_alloc : memref<!tpu.dma_semaphore, #tpu.memory_space<semaphore_mem>>
      %dma_start3A_71 = arith.constant 0 : i32
      %dma_start3A_72 = tpu.memref_slice %arg7[%add3A, %dma_start3A_71] : memref<32x4608xf32, #tpu.memory_space<hbm>> -> memref<1x4608xf32, #tpu.memory_space<hbm>>
      %dma_start3A_73 = tpu.memref_squeeze %dma_start3A_72 : memref<1x4608xf32, #tpu.memory_space<hbm>> -> memref<4608xf32, #tpu.memory_space<hbm>>
      %dma_start3A_74 = arith.constant 0 : i32
      %dma_start3A_75 = tpu.memref_slice %arg7[%add3A, %dma_start3A_74] : memref<32x4608xf32, #tpu.memory_space<hbm>> -> memref<1x4608xf32, #tpu.memory_space<hbm>>
      %dma_start3A_76 = tpu.memref_squeeze %dma_start3A_75 : memref<1x4608xf32, #tpu.memory_space<hbm>> -> memref<4608xf32, #tpu.memory_space<hbm>>
      tpu.enqueue_dma source(%arg18 : memref<4608xf32, #tpu.memory_space<vmem>>) target(%dma_start3A_76 : memref<4608xf32, #tpu.memory_space<hbm>>) target_semaphore(%run_scoped3A_70 : memref<!tpu.dma_semaphore, #tpu.memory_space<semaphore_mem>>)
      %dma_wait3A_77 = arith.constant 0 : i32
      %dma_wait3A_78 = tpu.memref_slice %arg7[%add3A, %dma_wait3A_77] : memref<32x4608xf32, #tpu.memory_space<hbm>> -> memref<1x4608xf32, #tpu.memory_space<hbm>>
      %dma_wait3A_79 = tpu.memref_squeeze %dma_wait3A_78 : memref<1x4608xf32, #tpu.memory_space<hbm>> -> memref<4608xf32, #tpu.memory_space<hbm>>
      %dma_wait3A_80 = arith.constant 0 : i32
      %dma_wait3A_81 = tpu.memref_slice %arg7[%add3A, %dma_wait3A_80] : memref<32x4608xf32, #tpu.memory_space<hbm>> -> memref<1x4608xf32, #tpu.memory_space<hbm>>
      %dma_wait3A_82 = tpu.memref_squeeze %dma_wait3A_81 : memref<1x4608xf32, #tpu.memory_space<hbm>> -> memref<4608xf32, #tpu.memory_space<hbm>>
      tpu.wait_dma2 semaphore(%run_scoped3A_70 : memref<!tpu.dma_semaphore, #tpu.memory_space<semaphore_mem>>) src(%arg18 : memref<4608xf32, #tpu.memory_space<vmem>>) dst(%dma_wait3A_82 : memref<4608xf32, #tpu.memory_space<hbm>>)
      tpu.yield
    }) : () -> ()
    %barrier3A = arith.constant 0 : index
    tpu.barrier barrier_id(%barrier3A)
    %mul3A_61 = arith.constant 16 : i32
    %mul3A_62 = arith.muli %arg0, %mul3A_61 : i32
    %mul3A_63 = arith.constant 8 : i32
    %mul3A_64 = arith.muli %mul3A_62, %mul3A_63 : i32
    "tpu.region"() ({
      %run_scoped3A_70 = tpu.sem_alloc : memref<!tpu.dma_semaphore, #tpu.memory_space<semaphore_mem>>
      %dma_start3A_71 = tpu.memref_slice %arg11[%mul3A_64] : memref<256xi32, #tpu.memory_space<hbm>> -> memref<128xi32, #tpu.memory_space<hbm>>
      %dma_start3A_72 = tpu.memref_slice %arg11[%mul3A_64] : memref<256xi32, #tpu.memory_space<hbm>> -> memref<128xi32, #tpu.memory_space<hbm>>
      tpu.enqueue_dma source(%dma_start3A_72 : memref<128xi32, #tpu.memory_space<hbm>>) target(%arg24 : memref<128xi32, #tpu.memory_space<vmem>>) target_semaphore(%run_scoped3A_70 : memref<!tpu.dma_semaphore, #tpu.memory_space<semaphore_mem>>)
      %dma_wait3A_73 = tpu.memref_slice %arg11[%mul3A_64] : memref<256xi32, #tpu.memory_space<hbm>> -> memref<128xi32, #tpu.memory_space<hbm>>
      %dma_wait3A_74 = tpu.memref_slice %arg11[%mul3A_64] : memref<256xi32, #tpu.memory_space<hbm>> -> memref<128xi32, #tpu.memory_space<hbm>>
      tpu.wait_dma2 semaphore(%run_scoped3A_70 : memref<!tpu.dma_semaphore, #tpu.memory_space<semaphore_mem>>) src(%dma_wait3A_74 : memref<128xi32, #tpu.memory_space<hbm>>) dst(%arg24 : memref<128xi32, #tpu.memory_space<vmem>>)
      tpu.yield
    }) : () -> ()
    %scan3A_65 = arith.constant 0 : i32
    %scan3A_66 = arith.constant 2 : i32
    %scan3A_67 = arith.addi %scan3A_65, %scan3A_66 : i32
    %scan3A_68 = arith.constant 1 : i32
    scf.for %scan3A_70 = %scan3A_65 to %scan3A_67 step %scan3A_68  : i32 {
      %mul3A_71 = arith.constant 288 : i32
      %mul3A_72 = arith.muli %arg1, %mul3A_71 : i32
      %mul3A_73 = arith.constant 144 : i32
      %mul3A_74 = arith.muli %scan3A_70, %mul3A_73 : i32
      %add3A_75 = arith.addi %mul3A_72, %mul3A_74 : i32
      %scan3A_76 = arith.constant 0 : i32
      %scan3A_77 = arith.constant 144 : i32
      %scan3A_78 = arith.addi %scan3A_76, %scan3A_77 : i32
      %scan3A_79 = arith.constant 1 : i32
      scf.for %scan3A_163 = %scan3A_76 to %scan3A_78 step %scan3A_79  : i32 {
        %swap3A_164 = arith.index_cast %scan3A_163 : i32 to index
        %swap3A_165 = arith.constant 0 : index
        %swap3A_166 = tpu.vector_load %arg19[%swap3A_164, %swap3A_165] {strides = array<i32>} : memref<144x384xf32, #tpu.memory_space<vmem>>, vector<16xf32>,
        tpu.vector_store %arg19[%swap3A_164, %swap3A_165], %broadcast_in_dim3A_4 {strides = array<i32>} : memref<144x384xf32, #tpu.memory_space<vmem>>, vector<16xf32>,
        %swap3A_167 = arith.index_cast %scan3A_163 : i32 to index
        %swap3A_168 = arith.constant 16 : index
        %swap3A_169 = tpu.vector_load %arg19[%swap3A_167, %swap3A_168] {strides = array<i32>} : memref<144x384xf32, #tpu.memory_space<vmem>>, vector<16xf32>,
        tpu.vector_store %arg19[%swap3A_167, %swap3A_168], %broadcast_in_dim3A_4 {strides = array<i32>} : memref<144x384xf32, #tpu.memory_space<vmem>>, vector<16xf32>,
        %swap3A_170 = arith.index_cast %scan3A_163 : i32 to index
        %swap3A_171 = arith.constant 32 : index
        %swap3A_172 = tpu.vector_load %arg19[%swap3A_170, %swap3A_171] {strides = array<i32>} : memref<144x384xf32, #tpu.memory_space<vmem>>, vector<16xf32>,
        tpu.vector_store %arg19[%swap3A_170, %swap3A_171], %broadcast_in_dim3A_4 {strides = array<i32>} : memref<144x384xf32, #tpu.memory_space<vmem>>, vector<16xf32>,
        %swap3A_173 = arith.index_cast %scan3A_163 : i32 to index
        %swap3A_174 = arith.constant 48 : index
        %swap3A_175 = tpu.vector_load %arg19[%swap3A_173, %swap3A_174] {strides = array<i32>} : memref<144x384xf32, #tpu.memory_space<vmem>>, vector<16xf32>,
        tpu.vector_store %arg19[%swap3A_173, %swap3A_174], %broadcast_in_dim3A_4 {strides = array<i32>} : memref<144x384xf32, #tpu.memory_space<vmem>>, vector<16xf32>,
        %swap3A_176 = arith.index_cast %scan3A_163 : i32 to index
        %swap3A_177 = arith.constant 64 : index
        %swap3A_178 = tpu.vector_load %arg19[%swap3A_176, %swap3A_177] {strides = array<i32>} : memref<144x384xf32, #tpu.memory_space<vmem>>, vector<16xf32>,
        tpu.vector_store %arg19[%swap3A_176, %swap3A_177], %broadcast_in_dim3A_4 {strides = array<i32>} : memref<144x384xf32, #tpu.memory_space<vmem>>, vector<16xf32>,
        %swap3A_179 = arith.index_cast %scan3A_163 : i32 to index
        %swap3A_180 = arith.constant 80 : index
        %swap3A_181 = tpu.vector_load %arg19[%swap3A_179, %swap3A_180] {strides = array<i32>} : memref<144x384xf32, #tpu.memory_space<vmem>>, vector<16xf32>,
        tpu.vector_store %arg19[%swap3A_179, %swap3A_180], %broadcast_in_dim3A_4 {strides = array<i32>} : memref<144x384xf32, #tpu.memory_space<vmem>>, vector<16xf32>,
        %swap3A_182 = arith.index_cast %scan3A_163 : i32 to index
        %swap3A_183 = arith.constant 96 : index
        %swap3A_184 = tpu.vector_load %arg19[%swap3A_182, %swap3A_183] {strides = array<i32>} : memref<144x384xf32, #tpu.memory_space<vmem>>, vector<16xf32>,
        tpu.vector_store %arg19[%swap3A_182, %swap3A_183], %broadcast_in_dim3A_4 {strides = array<i32>} : memref<144x384xf32, #tpu.memory_space<vmem>>, vector<16xf32>,
        %swap3A_185 = arith.index_cast %scan3A_163 : i32 to index
        %swap3A_186 = arith.constant 112 : index
        %swap3A_187 = tpu.vector_load %arg19[%swap3A_185, %swap3A_186] {strides = array<i32>} : memref<144x384xf32, #tpu.memory_space<vmem>>, vector<16xf32>,
        tpu.vector_store %arg19[%swap3A_185, %swap3A_186], %broadcast_in_dim3A_4 {strides = array<i32>} : memref<144x384xf32, #tpu.memory_space<vmem>>, vector<16xf32>,
        %swap3A_188 = arith.index_cast %scan3A_163 : i32 to index
        %swap3A_189 = arith.constant 128 : index
        %swap3A_190 = tpu.vector_load %arg19[%swap3A_188, %swap3A_189] {strides = array<i32>} : memref<144x384xf32, #tpu.memory_space<vmem>>, vector<16xf32>,
        tpu.vector_store %arg19[%swap3A_188, %swap3A_189], %broadcast_in_dim3A_4 {strides = array<i32>} : memref<144x384xf32, #tpu.memory_space<vmem>>, vector<16xf32>,
        %swap3A_191 = arith.index_cast %scan3A_163 : i32 to index
        %swap3A_192 = arith.constant 144 : index
        %swap3A_193 = tpu.vector_load %arg19[%swap3A_191, %swap3A_192] {strides = array<i32>} : memref<144x384xf32, #tpu.memory_space<vmem>>, vector<16xf32>,
        tpu.vector_store %arg19[%swap3A_191, %swap3A_192], %broadcast_in_dim3A_4 {strides = array<i32>} : memref<144x384xf32, #tpu.memory_space<vmem>>, vector<16xf32>,
        %swap3A_194 = arith.index_cast %scan3A_163 : i32 to index
        %swap3A_195 = arith.constant 160 : index
        %swap3A_196 = tpu.vector_load %arg19[%swap3A_194, %swap3A_195] {strides = array<i32>} : memref<144x384xf32, #tpu.memory_space<vmem>>, vector<16xf32>,
        tpu.vector_store %arg19[%swap3A_194, %swap3A_195], %broadcast_in_dim3A_4 {strides = array<i32>} : memref<144x384xf32, #tpu.memory_space<vmem>>, vector<16xf32>,
        %swap3A_197 = arith.index_cast %scan3A_163 : i32 to index
        %swap3A_198 = arith.constant 176 : index
        %swap3A_199 = tpu.vector_load %arg19[%swap3A_197, %swap3A_198] {strides = array<i32>} : memref<144x384xf32, #tpu.memory_space<vmem>>, vector<16xf32>,
        tpu.vector_store %arg19[%swap3A_197, %swap3A_198], %broadcast_in_dim3A_4 {strides = array<i32>} : memref<144x384xf32, #tpu.memory_space<vmem>>, vector<16xf32>,
        %swap3A_200 = arith.index_cast %scan3A_163 : i32 to index
        %swap3A_201 = arith.constant 192 : index
        %swap3A_202 = tpu.vector_load %arg19[%swap3A_200, %swap3A_201] {strides = array<i32>} : memref<144x384xf32, #tpu.memory_space<vmem>>, vector<16xf32>,
        tpu.vector_store %arg19[%swap3A_200, %swap3A_201], %broadcast_in_dim3A_4 {strides = array<i32>} : memref<144x384xf32, #tpu.memory_space<vmem>>, vector<16xf32>,
        %swap3A_203 = arith.index_cast %scan3A_163 : i32 to index
        %swap3A_204 = arith.constant 208 : index
        %swap3A_205 = tpu.vector_load %arg19[%swap3A_203, %swap3A_204] {strides = array<i32>} : memref<144x384xf32, #tpu.memory_space<vmem>>, vector<16xf32>,
        tpu.vector_store %arg19[%swap3A_203, %swap3A_204], %broadcast_in_dim3A_4 {strides = array<i32>} : memref<144x384xf32, #tpu.memory_space<vmem>>, vector<16xf32>,
        %swap3A_206 = arith.index_cast %scan3A_163 : i32 to index
        %swap3A_207 = arith.constant 224 : index
        %swap3A_208 = tpu.vector_load %arg19[%swap3A_206, %swap3A_207] {strides = array<i32>} : memref<144x384xf32, #tpu.memory_space<vmem>>, vector<16xf32>,
        tpu.vector_store %arg19[%swap3A_206, %swap3A_207], %broadcast_in_dim3A_4 {strides = array<i32>} : memref<144x384xf32, #tpu.memory_space<vmem>>, vector<16xf32>,
        %swap3A_209 = arith.index_cast %scan3A_163 : i32 to index
        %swap3A_210 = arith.constant 240 : index
        %swap3A_211 = tpu.vector_load %arg19[%swap3A_209, %swap3A_210] {strides = array<i32>} : memref<144x384xf32, #tpu.memory_space<vmem>>, vector<16xf32>,
        tpu.vector_store %arg19[%swap3A_209, %swap3A_210], %broadcast_in_dim3A_4 {strides = array<i32>} : memref<144x384xf32, #tpu.memory_space<vmem>>, vector<16xf32>,
        %swap3A_212 = arith.index_cast %scan3A_163 : i32 to index
        %swap3A_213 = arith.constant 256 : index
        %swap3A_214 = tpu.vector_load %arg19[%swap3A_212, %swap3A_213] {strides = array<i32>} : memref<144x384xf32, #tpu.memory_space<vmem>>, vector<16xf32>,
        tpu.vector_store %arg19[%swap3A_212, %swap3A_213], %broadcast_in_dim3A_4 {strides = array<i32>} : memref<144x384xf32, #tpu.memory_space<vmem>>, vector<16xf32>,
        %swap3A_215 = arith.index_cast %scan3A_163 : i32 to index
        %swap3A_216 = arith.constant 272 : index
        %swap3A_217 = tpu.vector_load %arg19[%swap3A_215, %swap3A_216] {strides = array<i32>} : memref<144x384xf32, #tpu.memory_space<vmem>>, vector<16xf32>,
        tpu.vector_store %arg19[%swap3A_215, %swap3A_216], %broadcast_in_dim3A_4 {strides = array<i32>} : memref<144x384xf32, #tpu.memory_space<vmem>>, vector<16xf32>,
        %swap3A_218 = arith.index_cast %scan3A_163 : i32 to index
        %swap3A_219 = arith.constant 288 : index
        %swap3A_220 = tpu.vector_load %arg19[%swap3A_218, %swap3A_219] {strides = array<i32>} : memref<144x384xf32, #tpu.memory_space<vmem>>, vector<16xf32>,
        tpu.vector_store %arg19[%swap3A_218, %swap3A_219], %broadcast_in_dim3A_4 {strides = array<i32>} : memref<144x384xf32, #tpu.memory_space<vmem>>, vector<16xf32>,
        %swap3A_221 = arith.index_cast %scan3A_163 : i32 to index
        %swap3A_222 = arith.constant 304 : index
        %swap3A_223 = tpu.vector_load %arg19[%swap3A_221, %swap3A_222] {strides = array<i32>} : memref<144x384xf32, #tpu.memory_space<vmem>>, vector<16xf32>,
        tpu.vector_store %arg19[%swap3A_221, %swap3A_222], %broadcast_in_dim3A_4 {strides = array<i32>} : memref<144x384xf32, #tpu.memory_space<vmem>>, vector<16xf32>,
        %swap3A_224 = arith.index_cast %scan3A_163 : i32 to index
        %swap3A_225 = arith.constant 320 : index
        %swap3A_226 = tpu.vector_load %arg19[%swap3A_224, %swap3A_225] {strides = array<i32>} : memref<144x384xf32, #tpu.memory_space<vmem>>, vector<16xf32>,
        tpu.vector_store %arg19[%swap3A_224, %swap3A_225], %broadcast_in_dim3A_4 {strides = array<i32>} : memref<144x384xf32, #tpu.memory_space<vmem>>, vector<16xf32>,
        %swap3A_227 = arith.index_cast %scan3A_163 : i32 to index
        %swap3A_228 = arith.constant 336 : index
        %swap3A_229 = tpu.vector_load %arg19[%swap3A_227, %swap3A_228] {strides = array<i32>} : memref<144x384xf32, #tpu.memory_space<vmem>>, vector<16xf32>,
        tpu.vector_store %arg19[%swap3A_227, %swap3A_228], %broadcast_in_dim3A_4 {strides = array<i32>} : memref<144x384xf32, #tpu.memory_space<vmem>>, vector<16xf32>,
        %swap3A_230 = arith.index_cast %scan3A_163 : i32 to index
        %swap3A_231 = arith.constant 352 : index
        %swap3A_232 = tpu.vector_load %arg19[%swap3A_230, %swap3A_231] {strides = array<i32>} : memref<144x384xf32, #tpu.memory_space<vmem>>, vector<16xf32>,
        tpu.vector_store %arg19[%swap3A_230, %swap3A_231], %broadcast_in_dim3A_4 {strides = array<i32>} : memref<144x384xf32, #tpu.memory_space<vmem>>, vector<16xf32>,
        %swap3A_233 = arith.index_cast %scan3A_163 : i32 to index
        %swap3A_234 = arith.constant 368 : index
        %swap3A_235 = tpu.vector_load %arg19[%swap3A_233, %swap3A_234] {strides = array<i32>} : memref<144x384xf32, #tpu.memory_space<vmem>>, vector<16xf32>,
        tpu.vector_store %arg19[%swap3A_233, %swap3A_234], %broadcast_in_dim3A_4 {strides = array<i32>} : memref<144x384xf32, #tpu.memory_space<vmem>>, vector<16xf32>,
      }
      %scan3A_80 = arith.constant 144 : i32
      %scan3A_81 = arith.constant 0 : i32
      %scan3A_82 = arith.constant 0 : i32
      %scan3A_83 = arith.constant 16 : i32
      %scan3A_84 = arith.addi %scan3A_82, %scan3A_83 : i32
      %scan3A_85 = arith.constant 1 : i32
      %scan3A_86 = scf.for %scan3A_163 = %scan3A_82 to %scan3A_84 step %scan3A_85 iter_args(%scan3A_164 = %scan3A_81) -> (i32)  : i32 {
        %broadcast_in_dim3A_165 = arith.constant 8 : i32
        %broadcast_in_dim3A_166 = vector.broadcast %broadcast_in_dim3A_165 : i32 to vector<16xi32>
        %mul3A_167 = vector.broadcast %scan3A_163 : i32 to vector<16xi32>
        %mul3A_168 = arith.muli %broadcast_in_dim3A_166, %mul3A_167 : vector<16xi32>
        %gather3A_169 = tpu.vector_load_idx %arg24[%mul3A_168] : memref<128xi32, #tpu.memory_space<vmem>>[vector<16xi32>], vector<16xi32>,
        %reduce_max3A = arith.constant true
        %reduce_max3A_170 = vector.broadcast %reduce_max3A : i1 to vector<16xi1>
        %reduce_max3A_171 = arith.constant -2147483648 : i32
        %reduce_max3A_172 = vector.broadcast %reduce_max3A_171 : i32 to vector<16xi32>
        %reduce_max3A_173 = arith.xori %gather3A_169, %reduce_max3A_172 : vector<16xi32>
        %reduce_max3A_174 = tpu.scan <max>, %reduce_max3A_173 masked %reduce_max3A_170 : vector<16xi32>, vector<16xi1> -> vector<16xi32>
        %reduce_max3A_175 = arith.xori %reduce_max3A_174, %reduce_max3A_172 : vector<16xi32>
        %reduce_max3A_176 = vector.extract %reduce_max3A_175[15] : i32 from vector<16xi32>
        %add3A_177 = arith.constant 1024 : i32
        %add3A_178 = arith.addi %reduce_max3A_176, %add3A_177 : i32
        %sub3A = arith.constant 1 : i32
        %sub3A_179 = arith.subi %add3A_178, %sub3A : i32
        %jit3A_180 = arith.constant 1024 : i32
        %div3A = arith.divsi %sub3A_179, %jit3A_180 : i32
        %sign3A = arith.constant 0 : i32
        %sign3A_181 = arith.cmpi sgt, %sub3A_179, %sign3A : i32
        %sign3A_182 = arith.extui %sign3A_181 : i1 to i32
        %sign3A_183 = arith.constant 0 : i32
        %sign3A_184 = arith.cmpi slt, %sub3A_179, %sign3A_183 : i32
        %sign3A_185 = arith.extui %sign3A_184 : i1 to i32
        %sign3A_186 = arith.subi %sign3A_182, %sign3A_185 : i32
        %sign3A_187 = arith.constant 0 : i32
        %sign3A_188 = arith.cmpi sgt, %jit3A_180, %sign3A_187 : i32
        %sign3A_189 = arith.extui %sign3A_188 : i1 to i32
        %sign3A_190 = arith.constant 0 : i32
        %sign3A_191 = arith.cmpi slt, %jit3A_180, %sign3A_190 : i32
        %sign3A_192 = arith.extui %sign3A_191 : i1 to i32
        %sign3A_193 = arith.subi %sign3A_189, %sign3A_192 : i32
        %ne3A = arith.cmpi ne, %sign3A_186, %sign3A_193 : i32
        %rem3A = arith.remsi %sub3A_179, %jit3A_180 : i32
        %ne3A_194 = arith.constant 0 : i32
        %ne3A_195 = arith.cmpi ne, %rem3A, %ne3A_194 : i32
        %and3A = arith.andi %ne3A, %ne3A_195 : i1
        %sub3A_196 = arith.constant 1 : i32
        %sub3A_197 = arith.subi %div3A, %sub3A_196 : i32
        %select_n3A_198 = arith.select %and3A, %sub3A_197, %div3A : i32
        %while3A = arith.constant 0 : i32
        %while3A_199 = arith.subi %select_n3A_198, %while3A : i32
        %while3A_200 = arith.addi %while3A, %while3A_199 : i32
        %while3A_201 = arith.constant 1 : i32
        %while3A_202 = arith.divsi %while3A_199, %while3A_201 : i32
        %while3A_203 = arith.muli %while3A_202, %while3A_201 : i32
        %while3A_204 = arith.addi %while3A, %while3A_203 : i32
        %while3A_205 = arith.constant 1 : i32
        %while3A_206 = scf.for %while3A_209 = %while3A to %while3A_204 step %while3A_205 iter_args(%while3A_210 = %scan3A_164) -> (i32)  : i32 {
          %mul3A_211 = arith.constant 16 : i32
          %mul3A_212 = arith.muli %arg0, %mul3A_211 : i32
          %add3A_213 = arith.addi %mul3A_212, %scan3A_163 : i32
          %mul3A_214 = arith.constant 1024 : i32
          %mul3A_215 = arith.muli %while3A_209, %mul3A_214 : i32
          %run_scoped3A_216 = arith.constant 0 : i32
          "tpu.region"() ({
            %run_scoped3A_264 = tpu.sem_alloc : memref<!tpu.dma_semaphore, #tpu.memory_space<semaphore_mem>>
            %dma_start3A_265 = arith.constant 0 : i32
            %dma_start3A_266 = tpu.memref_slice %arg14[%dma_start3A_265] : memref<10240xi32, #tpu.memory_space<vmem>> -> memref<1024xi32, #tpu.memory_space<vmem>>
            %dma_start3A_267 = tpu.memref_slice %arg10[%add3A_213, %run_scoped3A_216, %mul3A_215] : memref<32x2x10240xi32, #tpu.memory_space<hbm>> -> memref<1x1x1024xi32, #tpu.memory_space<hbm>>
            %dma_start3A_268 = tpu.memref_squeeze %dma_start3A_267 : memref<1x1x1024xi32, #tpu.memory_space<hbm>> -> memref<1024xi32, #tpu.memory_space<hbm>>
            %dma_start3A_269 = arith.constant 0 : i32
            %dma_start3A_270 = tpu.memref_slice %arg14[%dma_start3A_269] : memref<10240xi32, #tpu.memory_space<vmem>> -> memref<1024xi32, #tpu.memory_space<vmem>>
            %dma_start3A_271 = tpu.memref_slice %arg10[%add3A_213, %run_scoped3A_216, %mul3A_215] : memref<32x2x10240xi32, #tpu.memory_space<hbm>> -> memref<1x1x1024xi32, #tpu.memory_space<hbm>>
            %dma_start3A_272 = tpu.memref_squeeze %dma_start3A_271 : memref<1x1x1024xi32, #tpu.memory_space<hbm>> -> memref<1024xi32, #tpu.memory_space<hbm>>
            tpu.enqueue_dma source(%dma_start3A_272 : memref<1024xi32, #tpu.memory_space<hbm>>) target(%dma_start3A_270 : memref<1024xi32, #tpu.memory_space<vmem>>) target_semaphore(%run_scoped3A_264 : memref<!tpu.dma_semaphore, #tpu.memory_space<semaphore_mem>>)
            %dma_wait3A_273 = arith.constant 0 : i32
            %dma_wait3A_274 = tpu.memref_slice %arg14[%dma_wait3A_273] : memref<10240xi32, #tpu.memory_space<vmem>> -> memref<1024xi32, #tpu.memory_space<vmem>>
            %dma_wait3A_275 = tpu.memref_slice %arg10[%add3A_213, %run_scoped3A_216, %mul3A_215] : memref<32x2x10240xi32, #tpu.memory_space<hbm>> -> memref<1x1x1024xi32, #tpu.memory_space<hbm>>
            %dma_wait3A_276 = tpu.memref_squeeze %dma_wait3A_275 : memref<1x1x1024xi32, #tpu.memory_space<hbm>> -> memref<1024xi32, #tpu.memory_space<hbm>>
            %dma_wait3A_277 = arith.constant 0 : i32
            %dma_wait3A_278 = tpu.memref_slice %arg14[%dma_wait3A_277] : memref<10240xi32, #tpu.memory_space<vmem>> -> memref<1024xi32, #tpu.memory_space<vmem>>
            %dma_wait3A_279 = tpu.memref_slice %arg10[%add3A_213, %run_scoped3A_216, %mul3A_215] : memref<32x2x10240xi32, #tpu.memory_space<hbm>> -> memref<1x1x1024xi32, #tpu.memory_space<hbm>>
            %dma_wait3A_280 = tpu.memref_squeeze %dma_wait3A_279 : memref<1x1x1024xi32, #tpu.memory_space<hbm>> -> memref<1024xi32, #tpu.memory_space<hbm>>
            tpu.wait_dma2 semaphore(%run_scoped3A_264 : memref<!tpu.dma_semaphore, #tpu.memory_space<semaphore_mem>>) src(%dma_wait3A_280 : memref<1024xi32, #tpu.memory_space<hbm>>) dst(%dma_wait3A_278 : memref<1024xi32, #tpu.memory_space<vmem>>)
            tpu.yield
          }) : () -> ()
          %mul3A_217 = arith.constant 16 : i32
          %mul3A_218 = arith.muli %arg0, %mul3A_217 : i32
          %add3A_219 = arith.addi %mul3A_218, %scan3A_163 : i32
          %mul3A_220 = arith.constant 1024 : i32
          %mul3A_221 = arith.muli %while3A_209, %mul3A_220 : i32
          %run_scoped3A_222 = arith.constant 1 : i32
          "tpu.region"() ({
            %run_scoped3A_264 = tpu.sem_alloc : memref<!tpu.dma_semaphore, #tpu.memory_space<semaphore_mem>>
            %dma_start3A_265 = arith.constant 0 : i32
            %dma_start3A_266 = tpu.memref_slice %arg15[%dma_start3A_265] : memref<10240xi32, #tpu.memory_space<vmem>> -> memref<1024xi32, #tpu.memory_space<vmem>>
            %dma_start3A_267 = tpu.memref_slice %arg10[%add3A_219, %run_scoped3A_222, %mul3A_221] : memref<32x2x10240xi32, #tpu.memory_space<hbm>> -> memref<1x1x1024xi32, #tpu.memory_space<hbm>>
            %dma_start3A_268 = tpu.memref_squeeze %dma_start3A_267 : memref<1x1x1024xi32, #tpu.memory_space<hbm>> -> memref<1024xi32, #tpu.memory_space<hbm>>
            %dma_start3A_269 = arith.constant 0 : i32
            %dma_start3A_270 = tpu.memref_slice %arg15[%dma_start3A_269] : memref<10240xi32, #tpu.memory_space<vmem>> -> memref<1024xi32, #tpu.memory_space<vmem>>
            %dma_start3A_271 = tpu.memref_slice %arg10[%add3A_219, %run_scoped3A_222, %mul3A_221] : memref<32x2x10240xi32, #tpu.memory_space<hbm>> -> memref<1x1x1024xi32, #tpu.memory_space<hbm>>
            %dma_start3A_272 = tpu.memref_squeeze %dma_start3A_271 : memref<1x1x1024xi32, #tpu.memory_space<hbm>> -> memref<1024xi32, #tpu.memory_space<hbm>>
            tpu.enqueue_dma source(%dma_start3A_272 : memref<1024xi32, #tpu.memory_space<hbm>>) target(%dma_start3A_270 : memref<1024xi32, #tpu.memory_space<vmem>>) target_semaphore(%run_scoped3A_264 : memref<!tpu.dma_semaphore, #tpu.memory_space<semaphore_mem>>)
            %dma_wait3A_273 = arith.constant 0 : i32
            %dma_wait3A_274 = tpu.memref_slice %arg15[%dma_wait3A_273] : memref<10240xi32, #tpu.memory_space<vmem>> -> memref<1024xi32, #tpu.memory_space<vmem>>
            %dma_wait3A_275 = tpu.memref_slice %arg10[%add3A_219, %run_scoped3A_222, %mul3A_221] : memref<32x2x10240xi32, #tpu.memory_space<hbm>> -> memref<1x1x1024xi32, #tpu.memory_space<hbm>>
            %dma_wait3A_276 = tpu.memref_squeeze %dma_wait3A_275 : memref<1x1x1024xi32, #tpu.memory_space<hbm>> -> memref<1024xi32, #tpu.memory_space<hbm>>
            %dma_wait3A_277 = arith.constant 0 : i32
            %dma_wait3A_278 = tpu.memref_slice %arg15[%dma_wait3A_277] : memref<10240xi32, #tpu.memory_space<vmem>> -> memref<1024xi32, #tpu.memory_space<vmem>>
            %dma_wait3A_279 = tpu.memref_slice %arg10[%add3A_219, %run_scoped3A_222, %mul3A_221] : memref<32x2x10240xi32, #tpu.memory_space<hbm>> -> memref<1x1x1024xi32, #tpu.memory_space<hbm>>
            %dma_wait3A_280 = tpu.memref_squeeze %dma_wait3A_279 : memref<1x1x1024xi32, #tpu.memory_space<hbm>> -> memref<1024xi32, #tpu.memory_space<hbm>>
            tpu.wait_dma2 semaphore(%run_scoped3A_264 : memref<!tpu.dma_semaphore, #tpu.memory_space<semaphore_mem>>) src(%dma_wait3A_280 : memref<1024xi32, #tpu.memory_space<hbm>>) dst(%dma_wait3A_278 : memref<1024xi32, #tpu.memory_space<vmem>>)
            tpu.yield
          }) : () -> ()
          %mul3A_223 = arith.constant 1024 : i32
          %mul3A_224 = arith.muli %while3A_209, %mul3A_223 : i32
          %sub3A_225 = arith.subi %reduce_max3A_176, %mul3A_224 : i32
          %add3A_226 = arith.constant 15 : i32
          %add3A_227 = arith.addi %sub3A_225, %add3A_226 : i32
          %jit3A_228 = arith.constant 16 : i32
          %div3A_229 = arith.divsi %add3A_227, %jit3A_228 : i32
          %sign3A_230 = arith.constant 0 : i32
          %sign3A_231 = arith.cmpi sgt, %add3A_227, %sign3A_230 : i32
          %sign3A_232 = arith.extui %sign3A_231 : i1 to i32
          %sign3A_233 = arith.constant 0 : i32
          %sign3A_234 = arith.cmpi slt, %add3A_227, %sign3A_233 : i32
          %sign3A_235 = arith.extui %sign3A_234 : i1 to i32
          %sign3A_236 = arith.subi %sign3A_232, %sign3A_235 : i32
          %sign3A_237 = arith.constant 0 : i32
          %sign3A_238 = arith.cmpi sgt, %jit3A_228, %sign3A_237 : i32
          %sign3A_239 = arith.extui %sign3A_238 : i1 to i32
          %sign3A_240 = arith.constant 0 : i32
          %sign3A_241 = arith.cmpi slt, %jit3A_228, %sign3A_240 : i32
          %sign3A_242 = arith.extui %sign3A_241 : i1 to i32
          %sign3A_243 = arith.subi %sign3A_239, %sign3A_242 : i32
          %ne3A_244 = arith.cmpi ne, %sign3A_236, %sign3A_243 : i32
          %rem3A_245 = arith.remsi %add3A_227, %jit3A_228 : i32
          %ne3A_246 = arith.constant 0 : i32
          %ne3A_247 = arith.cmpi ne, %rem3A_245, %ne3A_246 : i32
          %and3A_248 = arith.andi %ne3A_244, %ne3A_247 : i1
          %sub3A_249 = arith.constant 1 : i32
          %sub3A_250 = arith.subi %div3A_229, %sub3A_249 : i32
          %select_n3A_251 = arith.select %and3A_248, %sub3A_250, %div3A_229 : i32
          %min3A = arith.constant 64 : i32
          %min3A_252 = arith.minsi %min3A, %select_n3A_251 : i32
          %while3A_253 = arith.constant 0 : i32
          %while3A_254 = arith.subi %min3A_252, %while3A_253 : i32
          %while3A_255 = arith.addi %while3A_253, %while3A_254 : i32
          %while3A_256 = arith.constant 1 : i32
          %while3A_257 = arith.divsi %while3A_254, %while3A_256 : i32
          %while3A_258 = arith.muli %while3A_257, %while3A_256 : i32
          %while3A_259 = arith.addi %while3A_253, %while3A_258 : i32
          %while3A_260 = arith.constant 1 : i32
          %while3A_261 = scf.for %while3A_264 = %while3A_253 to %while3A_259 step %while3A_260 iter_args(%while3A_265 = %while3A_210) -> (i32)  : i32 {
            %mul3A_266 = arith.constant 16 : i32
            %mul3A_267 = arith.muli %while3A_264, %mul3A_266 : i32
            %get3A_268 = arith.index_cast %mul3A_267 : i32 to index
            %get3A_269 = tpu.vector_load %arg14[%get3A_268] {strides = array<i32>} : memref<10240xi32, #tpu.memory_space<vmem>>, vector<16xi32>,
            %mul3A_270 = arith.constant 16 : i32
            %mul3A_271 = arith.muli %while3A_264, %mul3A_270 : i32
            %get3A_272 = arith.index_cast %mul3A_271 : i32 to index
            %get3A_273 = tpu.vector_load %arg15[%get3A_272] {strides = array<i32>} : memref<10240xi32, #tpu.memory_space<vmem>>, vector<16xi32>,
            %mul3A_274 = arith.constant 16 : i32
            %mul3A_275 = arith.muli %while3A_264, %mul3A_274 : i32
            %add3A_276 = vector.broadcast %mul3A_275 : i32 to vector<16xi32>
            %add3A_277 = arith.addi %add3A_276, %iota3A : vector<16xi32>
            %lt3A_278 = vector.broadcast %sub3A_225 : i32 to vector<16xi32>
            %lt3A_279 = arith.cmpi slt, %add3A_277, %lt3A_278 : vector<16xi32>
            %ge3A = vector.broadcast %add3A_75 : i32 to vector<16xi32>
            %ge3A_280 = arith.cmpi sge, %get3A_273, %ge3A : vector<16xi32>
            %add3A_281 = arith.constant 144 : i32
            %add3A_282 = arith.addi %add3A_75, %add3A_281 : i32
            %lt3A_283 = vector.broadcast %add3A_282 : i32 to vector<16xi32>
            %lt3A_284 = arith.cmpi slt, %get3A_273, %lt3A_283 : vector<16xi32>
            %and3A_285 = arith.andi %ge3A_280, %lt3A_284 : vector<16xi1>
            %and3A_286 = arith.andi %lt3A_279, %and3A_285 : vector<16xi1>
            %swap3A_287 = arith.index_cast %while3A_265 : i32 to index
            %swap3A_288 = tpu.vector_load %arg20[%swap3A_287] masked %and3A_286 {strides = array<i32>} : memref<80xi32, #tpu.memory_space<vmem>>, vector<16xi32>, vector<16xi1>
            tpu.vector_store %arg20[%swap3A_287], %get3A_269 masked %and3A_286 {strides = array<i32>} : memref<80xi32, #tpu.memory_space<vmem>>, vector<16xi32>, vector<16xi1>
            %swap3A_289 = arith.index_cast %while3A_265 : i32 to index
            %swap3A_290 = tpu.vector_load %arg21[%swap3A_289] masked %and3A_286 {strides = array<i32>} : memref<80xi32, #tpu.memory_space<vmem>>, vector<16xi32>, vector<16xi1>
            tpu.vector_store %arg21[%swap3A_289], %get3A_273 masked %and3A_286 {strides = array<i32>} : memref<80xi32, #tpu.memory_space<vmem>>, vector<16xi32>, vector<16xi1>
            %all_reduce_population_count3A = tpu.all_reduce %and3A_286 {dim = 0 : i64, kind = #tpu.reduction_kind<sum>} : vector<16xi1> -> vector<16xi32>
            %reduce_max3A_291 = arith.constant true
            %reduce_max3A_292 = vector.broadcast %reduce_max3A_291 : i1 to vector<16xi1>
            %reduce_max3A_293 = arith.constant -2147483648 : i32
            %reduce_max3A_294 = vector.broadcast %reduce_max3A_293 : i32 to vector<16xi32>
            %reduce_max3A_295 = arith.xori %all_reduce_population_count3A, %reduce_max3A_294 : vector<16xi32>
            %reduce_max3A_296 = tpu.scan <max>, %reduce_max3A_295 masked %reduce_max3A_292 : vector<16xi32>, vector<16xi1> -> vector<16xi32>
            %reduce_max3A_297 = arith.xori %reduce_max3A_296, %reduce_max3A_294 : vector<16xi32>
            %reduce_max3A_298 = vector.extract %reduce_max3A_297[15] : i32 from vector<16xi32>
            %add3A_299 = arith.addi %while3A_265, %reduce_max3A_298 : i32
            %ge3A_300 = arith.constant 64 : i32
            %ge3A_301 = arith.cmpi sge, %add3A_299, %ge3A_300 : i32
            %convert_element_type3A = arith.extui %ge3A_301 : i1 to i32
            %cond3A = arith.constant 0 : i32
            %cond3A_302 = arith.cmpi ne, %convert_element_type3A, %cond3A : i32
            scf.if %cond3A_302 {
              %get3A_308 = arith.constant 0 : index
              %get3A_309 = tpu.vector_load %arg20[%get3A_308] {strides = array<i32>} : memref<80xi32, #tpu.memory_space<vmem>>, vector<16xi32>,
              %add3A_310 = arith.constant 0 : i32
              %add3A_311 = vector.broadcast %add3A_310 : i32 to vector<16xi32>
              %add3A_312 = arith.addi %iota3A, %add3A_311 : vector<16xi32>
              %lt3A_313 = arith.constant 64 : i32
              %lt3A_314 = vector.broadcast %lt3A_313 : i32 to vector<16xi32>
              %lt3A_315 = arith.cmpi slt, %add3A_312, %lt3A_314 : vector<16xi32>
              %jit3A_316 = arith.constant 0 : i32
              %broadcast_in_dim3A_317 = vector.broadcast %jit3A_316 : i32 to vector<16xi32>
              %select_n3A_318 = arith.select %lt3A_315, %get3A_309, %broadcast_in_dim3A_317 : vector<16xi1>, vector<16xi32>
              %swap3A_319 = arith.constant 0 : i32
              %swap3A_320 = arith.index_cast %swap3A_319 : i32 to index
              %swap3A_321 = arith.constant 0 : index
              %swap3A_322 = tpu.vector_load %arg16[%swap3A_320, %swap3A_321] {strides = array<i32>} : memref<1x64xi32, #tpu.memory_space<vmem>>, vector<16xi32>,
              tpu.vector_store %arg16[%swap3A_320, %swap3A_321], %select_n3A_318 {strides = array<i32>} : memref<1x64xi32, #tpu.memory_space<vmem>>, vector<16xi32>,
              %get3A_323 = arith.constant 16 : index
              %get3A_324 = tpu.vector_load %arg20[%get3A_323] {strides = array<i32>} : memref<80xi32, #tpu.memory_space<vmem>>, vector<16xi32>,
              %add3A_325 = arith.constant 16 : i32
              %add3A_326 = vector.broadcast %add3A_325 : i32 to vector<16xi32>
              %add3A_327 = arith.addi %iota3A, %add3A_326 : vector<16xi32>
              %lt3A_328 = arith.constant 64 : i32
              %lt3A_329 = vector.broadcast %lt3A_328 : i32 to vector<16xi32>
              %lt3A_330 = arith.cmpi slt, %add3A_327, %lt3A_329 : vector<16xi32>
              %jit3A_331 = arith.constant 0 : i32
              %broadcast_in_dim3A_332 = vector.broadcast %jit3A_331 : i32 to vector<16xi32>
              %select_n3A_333 = arith.select %lt3A_330, %get3A_324, %broadcast_in_dim3A_332 : vector<16xi1>, vector<16xi32>
              %swap3A_334 = arith.constant 0 : i32
              %swap3A_335 = arith.index_cast %swap3A_334 : i32 to index
              %swap3A_336 = arith.constant 16 : index
              %swap3A_337 = tpu.vector_load %arg16[%swap3A_335, %swap3A_336] {strides = array<i32>} : memref<1x64xi32, #tpu.memory_space<vmem>>, vector<16xi32>,
              tpu.vector_store %arg16[%swap3A_335, %swap3A_336], %select_n3A_333 {strides = array<i32>} : memref<1x64xi32, #tpu.memory_space<vmem>>, vector<16xi32>,
              %get3A_338 = arith.constant 32 : index
              %get3A_339 = tpu.vector_load %arg20[%get3A_338] {strides = array<i32>} : memref<80xi32, #tpu.memory_space<vmem>>, vector<16xi32>,
              %add3A_340 = arith.constant 32 : i32
              %add3A_341 = vector.broadcast %add3A_340 : i32 to vector<16xi32>
              %add3A_342 = arith.addi %iota3A, %add3A_341 : vector<16xi32>
              %lt3A_343 = arith.constant 64 : i32
              %lt3A_344 = vector.broadcast %lt3A_343 : i32 to vector<16xi32>
              %lt3A_345 = arith.cmpi slt, %add3A_342, %lt3A_344 : vector<16xi32>
              %jit3A_346 = arith.constant 0 : i32
              %broadcast_in_dim3A_347 = vector.broadcast %jit3A_346 : i32 to vector<16xi32>
              %select_n3A_348 = arith.select %lt3A_345, %get3A_339, %broadcast_in_dim3A_347 : vector<16xi1>, vector<16xi32>
              %swap3A_349 = arith.constant 0 : i32
              %swap3A_350 = arith.index_cast %swap3A_349 : i32 to index
              %swap3A_351 = arith.constant 32 : index
              %swap3A_352 = tpu.vector_load %arg16[%swap3A_350, %swap3A_351] {strides = array<i32>} : memref<1x64xi32, #tpu.memory_space<vmem>>, vector<16xi32>,
              tpu.vector_store %arg16[%swap3A_350, %swap3A_351], %select_n3A_348 {strides = array<i32>} : memref<1x64xi32, #tpu.memory_space<vmem>>, vector<16xi32>,
              %get3A_353 = arith.constant 48 : index
              %get3A_354 = tpu.vector_load %arg20[%get3A_353] {strides = array<i32>} : memref<80xi32, #tpu.memory_space<vmem>>, vector<16xi32>,
              %add3A_355 = arith.constant 48 : i32
              %add3A_356 = vector.broadcast %add3A_355 : i32 to vector<16xi32>
              %add3A_357 = arith.addi %iota3A, %add3A_356 : vector<16xi32>
              %lt3A_358 = arith.constant 64 : i32
              %lt3A_359 = vector.broadcast %lt3A_358 : i32 to vector<16xi32>
              %lt3A_360 = arith.cmpi slt, %add3A_357, %lt3A_359 : vector<16xi32>
              %jit3A_361 = arith.constant 0 : i32
              %broadcast_in_dim3A_362 = vector.broadcast %jit3A_361 : i32 to vector<16xi32>
              %select_n3A_363 = arith.select %lt3A_360, %get3A_354, %broadcast_in_dim3A_362 : vector<16xi1>, vector<16xi32>
              %swap3A_364 = arith.constant 0 : i32
              %swap3A_365 = arith.index_cast %swap3A_364 : i32 to index
              %swap3A_366 = arith.constant 48 : index
              %swap3A_367 = tpu.vector_load %arg16[%swap3A_365, %swap3A_366] {strides = array<i32>} : memref<1x64xi32, #tpu.memory_space<vmem>>, vector<16xi32>,
              tpu.vector_store %arg16[%swap3A_365, %swap3A_366], %select_n3A_363 {strides = array<i32>} : memref<1x64xi32, #tpu.memory_space<vmem>>, vector<16xi32>,
              %dma_start3A_368 = arith.constant 0 : i32
              %dma_start3A_369 = arith.constant 0 : i32
              %dma_start3A_370 = tpu.memref_slice %arg16[%dma_start3A_368, %dma_start3A_369] : memref<1x64xi32, #tpu.memory_space<vmem>> -> memref<1x64xi32, #tpu.memory_space<vmem>>
              %dma_start3A_371 = tpu.memref_squeeze %dma_start3A_370 : memref<1x64xi32, #tpu.memory_space<vmem>> -> memref<64xi32, #tpu.memory_space<vmem>>
              %dma_start3A_372 = arith.constant 0 : i32
              %dma_start3A_373 = arith.constant 0 : i32
              %dma_start3A_374 = tpu.memref_slice %arg5[%dma_start3A_372, %dma_start3A_373] : memref<10000x384xf32, #tpu.memory_space<hbm>> -> memref<10000x384xf32, #tpu.memory_space<hbm>>
              tpu.enqueue_indirect_dma source(%dma_start3A_374 : memref<10000x384xf32, #tpu.memory_space<hbm>>) target(%arg17 : memref<64x384xf32, #tpu.memory_space<vmem>>) offsets(%dma_start3A_371 : memref<64xi32, #tpu.memory_space<vmem>>) semaphore(%arg25 : memref<!tpu.dma_semaphore, #tpu.memory_space<semaphore_mem>>)
              %dma_wait3A_375 = arith.constant 0 : i32
              %dma_wait3A_376 = arith.constant 0 : i32
              %dma_wait3A_377 = tpu.memref_slice %arg16[%dma_wait3A_375, %dma_wait3A_376] : memref<1x64xi32, #tpu.memory_space<vmem>> -> memref<1x64xi32, #tpu.memory_space<vmem>>
              %dma_wait3A_378 = tpu.memref_squeeze %dma_wait3A_377 : memref<1x64xi32, #tpu.memory_space<vmem>> -> memref<64xi32, #tpu.memory_space<vmem>>
              %dma_wait3A_379 = arith.constant 0 : i32
              %dma_wait3A_380 = arith.constant 0 : i32
              %dma_wait3A_381 = tpu.memref_slice %arg5[%dma_wait3A_379, %dma_wait3A_380] : memref<10000x384xf32, #tpu.memory_space<hbm>> -> memref<10000x384xf32, #tpu.memory_space<hbm>>
              tpu.wait_indirect_dma semaphore(%arg25 : memref<!tpu.dma_semaphore, #tpu.memory_space<semaphore_mem>>) src(%dma_wait3A_381 : memref<10000x384xf32, #tpu.memory_space<hbm>>) dst(%arg17 : memref<64x384xf32, #tpu.memory_space<vmem>>)
              %scan3A_382 = arith.constant 64 : i32
              %scan3A_383 = arith.constant 0 : i32
              %scan3A_384 = arith.constant 64 : i32
              %scan3A_385 = arith.addi %scan3A_383, %scan3A_384 : i32
              %scan3A_386 = arith.constant 1 : i32
              scf.for %scan3A_396 = %scan3A_383 to %scan3A_385 step %scan3A_386  : i32 {
                %lt3A_397 = arith.cmpi slt, %scan3A_396, %scan3A_382 : i32
                %convert_element_type3A_398 = arith.extui %lt3A_397 : i1 to i32
                %cond3A_399 = arith.constant 0 : i32
                %cond3A_400 = arith.cmpi ne, %convert_element_type3A_398, %cond3A_399 : i32
                scf.if %cond3A_400 {
                  %broadcast_in_dim3A_401 = vector.broadcast %scan3A_396 : i32 to vector<16xi32>
                  %gather3A_402 = tpu.vector_load_idx %arg21[%broadcast_in_dim3A_401] : memref<80xi32, #tpu.memory_space<vmem>>[vector<16xi32>], vector<16xi32>,
                  %reduce_max3A_403 = arith.constant true
                  %reduce_max3A_404 = vector.broadcast %reduce_max3A_403 : i1 to vector<16xi1>
                  %reduce_max3A_405 = arith.constant -2147483648 : i32
                  %reduce_max3A_406 = vector.broadcast %reduce_max3A_405 : i32 to vector<16xi32>
                  %reduce_max3A_407 = arith.xori %gather3A_402, %reduce_max3A_406 : vector<16xi32>
                  %reduce_max3A_408 = tpu.scan <max>, %reduce_max3A_407 masked %reduce_max3A_404 : vector<16xi32>, vector<16xi1> -> vector<16xi32>
                  %reduce_max3A_409 = arith.xori %reduce_max3A_408, %reduce_max3A_406 : vector<16xi32>
                  %reduce_max3A_410 = vector.extract %reduce_max3A_409[15] : i32 from vector<16xi32>
                  %sub3A_411 = arith.subi %reduce_max3A_410, %add3A_75 : i32
                  %get3A_412 = arith.index_cast %scan3A_396 : i32 to index
                  %get3A_413 = arith.constant 0 : index
                  %get3A_414 = tpu.vector_load %arg17[%get3A_412, %get3A_413] {strides = array<i32>} : memref<64x384xf32, #tpu.memory_space<vmem>>, vector<16xf32>,
                  %swap3A_415 = arith.index_cast %sub3A_411 : i32 to index
                  %swap3A_416 = arith.constant 0 : index
                  %swap3A_417 = tpu.vector_load %arg19[%swap3A_415, %swap3A_416] {strides = array<i32>} : memref<144x384xf32, #tpu.memory_space<vmem>>, vector<16xf32>,
                  tpu.vector_store %arg19[%swap3A_415, %swap3A_416], %get3A_414 {add = true, strides = array<i32>} : memref<144x384xf32, #tpu.memory_space<vmem>>, vector<16xf32>,
                  %get3A_418 = arith.index_cast %scan3A_396 : i32 to index
                  %get3A_419 = arith.constant 16 : index
                  %get3A_420 = tpu.vector_load %arg17[%get3A_418, %get3A_419] {strides = array<i32>} : memref<64x384xf32, #tpu.memory_space<vmem>>, vector<16xf32>,
                  %swap3A_421 = arith.index_cast %sub3A_411 : i32 to index
                  %swap3A_422 = arith.constant 16 : index
                  %swap3A_423 = tpu.vector_load %arg19[%swap3A_421, %swap3A_422] {strides = array<i32>} : memref<144x384xf32, #tpu.memory_space<vmem>>, vector<16xf32>,
                  tpu.vector_store %arg19[%swap3A_421, %swap3A_422], %get3A_420 {add = true, strides = array<i32>} : memref<144x384xf32, #tpu.memory_space<vmem>>, vector<16xf32>,
                  %get3A_424 = arith.index_cast %scan3A_396 : i32 to index
                  %get3A_425 = arith.constant 32 : index
                  %get3A_426 = tpu.vector_load %arg17[%get3A_424, %get3A_425] {strides = array<i32>} : memref<64x384xf32, #tpu.memory_space<vmem>>, vector<16xf32>,
                  %swap3A_427 = arith.index_cast %sub3A_411 : i32 to index
                  %swap3A_428 = arith.constant 32 : index
                  %swap3A_429 = tpu.vector_load %arg19[%swap3A_427, %swap3A_428] {strides = array<i32>} : memref<144x384xf32, #tpu.memory_space<vmem>>, vector<16xf32>,
                  tpu.vector_store %arg19[%swap3A_427, %swap3A_428], %get3A_426 {add = true, strides = array<i32>} : memref<144x384xf32, #tpu.memory_space<vmem>>, vector<16xf32>,
                  %get3A_430 = arith.index_cast %scan3A_396 : i32 to index
                  %get3A_431 = arith.constant 48 : index
                  %get3A_432 = tpu.vector_load %arg17[%get3A_430, %get3A_431] {strides = array<i32>} : memref<64x384xf32, #tpu.memory_space<vmem>>, vector<16xf32>,
                  %swap3A_433 = arith.index_cast %sub3A_411 : i32 to index
                  %swap3A_434 = arith.constant 48 : index
                  %swap3A_435 = tpu.vector_load %arg19[%swap3A_433, %swap3A_434] {strides = array<i32>} : memref<144x384xf32, #tpu.memory_space<vmem>>, vector<16xf32>,
                  tpu.vector_store %arg19[%swap3A_433, %swap3A_434], %get3A_432 {add = true, strides = array<i32>} : memref<144x384xf32, #tpu.memory_space<vmem>>, vector<16xf32>,
                  %get3A_436 = arith.index_cast %scan3A_396 : i32 to index
                  %get3A_437 = arith.constant 64 : index
                  %get3A_438 = tpu.vector_load %arg17[%get3A_436, %get3A_437] {strides = array<i32>} : memref<64x384xf32, #tpu.memory_space<vmem>>, vector<16xf32>,
                  %swap3A_439 = arith.index_cast %sub3A_411 : i32 to index
                  %swap3A_440 = arith.constant 64 : index
                  %swap3A_441 = tpu.vector_load %arg19[%swap3A_439, %swap3A_440] {strides = array<i32>} : memref<144x384xf32, #tpu.memory_space<vmem>>, vector<16xf32>,
                  tpu.vector_store %arg19[%swap3A_439, %swap3A_440], %get3A_438 {add = true, strides = array<i32>} : memref<144x384xf32, #tpu.memory_space<vmem>>, vector<16xf32>,
                  %get3A_442 = arith.index_cast %scan3A_396 : i32 to index
                  %get3A_443 = arith.constant 80 : index
                  %get3A_444 = tpu.vector_load %arg17[%get3A_442, %get3A_443] {strides = array<i32>} : memref<64x384xf32, #tpu.memory_space<vmem>>, vector<16xf32>,
                  %swap3A_445 = arith.index_cast %sub3A_411 : i32 to index
                  %swap3A_446 = arith.constant 80 : index
                  %swap3A_447 = tpu.vector_load %arg19[%swap3A_445, %swap3A_446] {strides = array<i32>} : memref<144x384xf32, #tpu.memory_space<vmem>>, vector<16xf32>,
                  tpu.vector_store %arg19[%swap3A_445, %swap3A_446], %get3A_444 {add = true, strides = array<i32>} : memref<144x384xf32, #tpu.memory_space<vmem>>, vector<16xf32>,
                  %get3A_448 = arith.index_cast %scan3A_396 : i32 to index
                  %get3A_449 = arith.constant 96 : index
                  %get3A_450 = tpu.vector_load %arg17[%get3A_448, %get3A_449] {strides = array<i32>} : memref<64x384xf32, #tpu.memory_space<vmem>>, vector<16xf32>,
                  %swap3A_451 = arith.index_cast %sub3A_411 : i32 to index
                  %swap3A_452 = arith.constant 96 : index
                  %swap3A_453 = tpu.vector_load %arg19[%swap3A_451, %swap3A_452] {strides = array<i32>} : memref<144x384xf32, #tpu.memory_space<vmem>>, vector<16xf32>,
                  tpu.vector_store %arg19[%swap3A_451, %swap3A_452], %get3A_450 {add = true, strides = array<i32>} : memref<144x384xf32, #tpu.memory_space<vmem>>, vector<16xf32>,
                  %get3A_454 = arith.index_cast %scan3A_396 : i32 to index
                  %get3A_455 = arith.constant 112 : index
                  %get3A_456 = tpu.vector_load %arg17[%get3A_454, %get3A_455] {strides = array<i32>} : memref<64x384xf32, #tpu.memory_space<vmem>>, vector<16xf32>,
                  %swap3A_457 = arith.index_cast %sub3A_411 : i32 to index
                  %swap3A_458 = arith.constant 112 : index
                  %swap3A_459 = tpu.vector_load %arg19[%swap3A_457, %swap3A_458] {strides = array<i32>} : memref<144x384xf32, #tpu.memory_space<vmem>>, vector<16xf32>,
                  tpu.vector_store %arg19[%swap3A_457, %swap3A_458], %get3A_456 {add = true, strides = array<i32>} : memref<144x384xf32, #tpu.memory_space<vmem>>, vector<16xf32>,
                  %get3A_460 = arith.index_cast %scan3A_396 : i32 to index
                  %get3A_461 = arith.constant 128 : index
                  %get3A_462 = tpu.vector_load %arg17[%get3A_460, %get3A_461] {strides = array<i32>} : memref<64x384xf32, #tpu.memory_space<vmem>>, vector<16xf32>,
                  %swap3A_463 = arith.index_cast %sub3A_411 : i32 to index
                  %swap3A_464 = arith.constant 128 : index
                  %swap3A_465 = tpu.vector_load %arg19[%swap3A_463, %swap3A_464] {strides = array<i32>} : memref<144x384xf32, #tpu.memory_space<vmem>>, vector<16xf32>,
                  tpu.vector_store %arg19[%swap3A_463, %swap3A_464], %get3A_462 {add = true, strides = array<i32>} : memref<144x384xf32, #tpu.memory_space<vmem>>, vector<16xf32>,
                  %get3A_466 = arith.index_cast %scan3A_396 : i32 to index
                  %get3A_467 = arith.constant 144 : index
                  %get3A_468 = tpu.vector_load %arg17[%get3A_466, %get3A_467] {strides = array<i32>} : memref<64x384xf32, #tpu.memory_space<vmem>>, vector<16xf32>,
                  %swap3A_469 = arith.index_cast %sub3A_411 : i32 to index
                  %swap3A_470 = arith.constant 144 : index
                  %swap3A_471 = tpu.vector_load %arg19[%swap3A_469, %swap3A_470] {strides = array<i32>} : memref<144x384xf32, #tpu.memory_space<vmem>>, vector<16xf32>,
                  tpu.vector_store %arg19[%swap3A_469, %swap3A_470], %get3A_468 {add = true, strides = array<i32>} : memref<144x384xf32, #tpu.memory_space<vmem>>, vector<16xf32>,
                  %get3A_472 = arith.index_cast %scan3A_396 : i32 to index
                  %get3A_473 = arith.constant 160 : index
                  %get3A_474 = tpu.vector_load %arg17[%get3A_472, %get3A_473] {strides = array<i32>} : memref<64x384xf32, #tpu.memory_space<vmem>>, vector<16xf32>,
                  %swap3A_475 = arith.index_cast %sub3A_411 : i32 to index
                  %swap3A_476 = arith.constant 160 : index
                  %swap3A_477 = tpu.vector_load %arg19[%swap3A_475, %swap3A_476] {strides = array<i32>} : memref<144x384xf32, #tpu.memory_space<vmem>>, vector<16xf32>,
                  tpu.vector_store %arg19[%swap3A_475, %swap3A_476], %get3A_474 {add = true, strides = array<i32>} : memref<144x384xf32, #tpu.memory_space<vmem>>, vector<16xf32>,
                  %get3A_478 = arith.index_cast %scan3A_396 : i32 to index
                  %get3A_479 = arith.constant 176 : index
                  %get3A_480 = tpu.vector_load %arg17[%get3A_478, %get3A_479] {strides = array<i32>} : memref<64x384xf32, #tpu.memory_space<vmem>>, vector<16xf32>,
                  %swap3A_481 = arith.index_cast %sub3A_411 : i32 to index
                  %swap3A_482 = arith.constant 176 : index
                  %swap3A_483 = tpu.vector_load %arg19[%swap3A_481, %swap3A_482] {strides = array<i32>} : memref<144x384xf32, #tpu.memory_space<vmem>>, vector<16xf32>,
                  tpu.vector_store %arg19[%swap3A_481, %swap3A_482], %get3A_480 {add = true, strides = array<i32>} : memref<144x384xf32, #tpu.memory_space<vmem>>, vector<16xf32>,
                  %get3A_484 = arith.index_cast %scan3A_396 : i32 to index
                  %get3A_485 = arith.constant 192 : index
                  %get3A_486 = tpu.vector_load %arg17[%get3A_484, %get3A_485] {strides = array<i32>} : memref<64x384xf32, #tpu.memory_space<vmem>>, vector<16xf32>,
                  %swap3A_487 = arith.index_cast %sub3A_411 : i32 to index
                  %swap3A_488 = arith.constant 192 : index
                  %swap3A_489 = tpu.vector_load %arg19[%swap3A_487, %swap3A_488] {strides = array<i32>} : memref<144x384xf32, #tpu.memory_space<vmem>>, vector<16xf32>,
                  tpu.vector_store %arg19[%swap3A_487, %swap3A_488], %get3A_486 {add = true, strides = array<i32>} : memref<144x384xf32, #tpu.memory_space<vmem>>, vector<16xf32>,
                  %get3A_490 = arith.index_cast %scan3A_396 : i32 to index
                  %get3A_491 = arith.constant 208 : index
                  %get3A_492 = tpu.vector_load %arg17[%get3A_490, %get3A_491] {strides = array<i32>} : memref<64x384xf32, #tpu.memory_space<vmem>>, vector<16xf32>,
                  %swap3A_493 = arith.index_cast %sub3A_411 : i32 to index
                  %swap3A_494 = arith.constant 208 : index
                  %swap3A_495 = tpu.vector_load %arg19[%swap3A_493, %swap3A_494] {strides = array<i32>} : memref<144x384xf32, #tpu.memory_space<vmem>>, vector<16xf32>,
                  tpu.vector_store %arg19[%swap3A_493, %swap3A_494], %get3A_492 {add = true, strides = array<i32>} : memref<144x384xf32, #tpu.memory_space<vmem>>, vector<16xf32>,
                  %get3A_496 = arith.index_cast %scan3A_396 : i32 to index
                  %get3A_497 = arith.constant 224 : index
                  %get3A_498 = tpu.vector_load %arg17[%get3A_496, %get3A_497] {strides = array<i32>} : memref<64x384xf32, #tpu.memory_space<vmem>>, vector<16xf32>,
                  %swap3A_499 = arith.index_cast %sub3A_411 : i32 to index
                  %swap3A_500 = arith.constant 224 : index
                  %swap3A_501 = tpu.vector_load %arg19[%swap3A_499, %swap3A_500] {strides = array<i32>} : memref<144x384xf32, #tpu.memory_space<vmem>>, vector<16xf32>,
                  tpu.vector_store %arg19[%swap3A_499, %swap3A_500], %get3A_498 {add = true, strides = array<i32>} : memref<144x384xf32, #tpu.memory_space<vmem>>, vector<16xf32>,
                  %get3A_502 = arith.index_cast %scan3A_396 : i32 to index
                  %get3A_503 = arith.constant 240 : index
                  %get3A_504 = tpu.vector_load %arg17[%get3A_502, %get3A_503] {strides = array<i32>} : memref<64x384xf32, #tpu.memory_space<vmem>>, vector<16xf32>,
                  %swap3A_505 = arith.index_cast %sub3A_411 : i32 to index
                  %swap3A_506 = arith.constant 240 : index
                  %swap3A_507 = tpu.vector_load %arg19[%swap3A_505, %swap3A_506] {strides = array<i32>} : memref<144x384xf32, #tpu.memory_space<vmem>>, vector<16xf32>,
                  tpu.vector_store %arg19[%swap3A_505, %swap3A_506], %get3A_504 {add = true, strides = array<i32>} : memref<144x384xf32, #tpu.memory_space<vmem>>, vector<16xf32>,
                  %get3A_508 = arith.index_cast %scan3A_396 : i32 to index
                  %get3A_509 = arith.constant 256 : index
                  %get3A_510 = tpu.vector_load %arg17[%get3A_508, %get3A_509] {strides = array<i32>} : memref<64x384xf32, #tpu.memory_space<vmem>>, vector<16xf32>,
                  %swap3A_511 = arith.index_cast %sub3A_411 : i32 to index
                  %swap3A_512 = arith.constant 256 : index
                  %swap3A_513 = tpu.vector_load %arg19[%swap3A_511, %swap3A_512] {strides = array<i32>} : memref<144x384xf32, #tpu.memory_space<vmem>>, vector<16xf32>,
                  tpu.vector_store %arg19[%swap3A_511, %swap3A_512], %get3A_510 {add = true, strides = array<i32>} : memref<144x384xf32, #tpu.memory_space<vmem>>, vector<16xf32>,
                  %get3A_514 = arith.index_cast %scan3A_396 : i32 to index
                  %get3A_515 = arith.constant 272 : index
                  %get3A_516 = tpu.vector_load %arg17[%get3A_514, %get3A_515] {strides = array<i32>} : memref<64x384xf32, #tpu.memory_space<vmem>>, vector<16xf32>,
                  %swap3A_517 = arith.index_cast %sub3A_411 : i32 to index
                  %swap3A_518 = arith.constant 272 : index
                  %swap3A_519 = tpu.vector_load %arg19[%swap3A_517, %swap3A_518] {strides = array<i32>} : memref<144x384xf32, #tpu.memory_space<vmem>>, vector<16xf32>,
                  tpu.vector_store %arg19[%swap3A_517, %swap3A_518], %get3A_516 {add = true, strides = array<i32>} : memref<144x384xf32, #tpu.memory_space<vmem>>, vector<16xf32>,
                  %get3A_520 = arith.index_cast %scan3A_396 : i32 to index
                  %get3A_521 = arith.constant 288 : index
                  %get3A_522 = tpu.vector_load %arg17[%get3A_520, %get3A_521] {strides = array<i32>} : memref<64x384xf32, #tpu.memory_space<vmem>>, vector<16xf32>,
                  %swap3A_523 = arith.index_cast %sub3A_411 : i32 to index
                  %swap3A_524 = arith.constant 288 : index
                  %swap3A_525 = tpu.vector_load %arg19[%swap3A_523, %swap3A_524] {strides = array<i32>} : memref<144x384xf32, #tpu.memory_space<vmem>>, vector<16xf32>,
                  tpu.vector_store %arg19[%swap3A_523, %swap3A_524], %get3A_522 {add = true, strides = array<i32>} : memref<144x384xf32, #tpu.memory_space<vmem>>, vector<16xf32>,
                  %get3A_526 = arith.index_cast %scan3A_396 : i32 to index
                  %get3A_527 = arith.constant 304 : index
                  %get3A_528 = tpu.vector_load %arg17[%get3A_526, %get3A_527] {strides = array<i32>} : memref<64x384xf32, #tpu.memory_space<vmem>>, vector<16xf32>,
                  %swap3A_529 = arith.index_cast %sub3A_411 : i32 to index
                  %swap3A_530 = arith.constant 304 : index
                  %swap3A_531 = tpu.vector_load %arg19[%swap3A_529, %swap3A_530] {strides = array<i32>} : memref<144x384xf32, #tpu.memory_space<vmem>>, vector<16xf32>,
                  tpu.vector_store %arg19[%swap3A_529, %swap3A_530], %get3A_528 {add = true, strides = array<i32>} : memref<144x384xf32, #tpu.memory_space<vmem>>, vector<16xf32>,
                  %get3A_532 = arith.index_cast %scan3A_396 : i32 to index
                  %get3A_533 = arith.constant 320 : index
                  %get3A_534 = tpu.vector_load %arg17[%get3A_532, %get3A_533] {strides = array<i32>} : memref<64x384xf32, #tpu.memory_space<vmem>>, vector<16xf32>,
                  %swap3A_535 = arith.index_cast %sub3A_411 : i32 to index
                  %swap3A_536 = arith.constant 320 : index
                  %swap3A_537 = tpu.vector_load %arg19[%swap3A_535, %swap3A_536] {strides = array<i32>} : memref<144x384xf32, #tpu.memory_space<vmem>>, vector<16xf32>,
                  tpu.vector_store %arg19[%swap3A_535, %swap3A_536], %get3A_534 {add = true, strides = array<i32>} : memref<144x384xf32, #tpu.memory_space<vmem>>, vector<16xf32>,
                  %get3A_538 = arith.index_cast %scan3A_396 : i32 to index
                  %get3A_539 = arith.constant 336 : index
                  %get3A_540 = tpu.vector_load %arg17[%get3A_538, %get3A_539] {strides = array<i32>} : memref<64x384xf32, #tpu.memory_space<vmem>>, vector<16xf32>,
                  %swap3A_541 = arith.index_cast %sub3A_411 : i32 to index
                  %swap3A_542 = arith.constant 336 : index
                  %swap3A_543 = tpu.vector_load %arg19[%swap3A_541, %swap3A_542] {strides = array<i32>} : memref<144x384xf32, #tpu.memory_space<vmem>>, vector<16xf32>,
                  tpu.vector_store %arg19[%swap3A_541, %swap3A_542], %get3A_540 {add = true, strides = array<i32>} : memref<144x384xf32, #tpu.memory_space<vmem>>, vector<16xf32>,
                  %get3A_544 = arith.index_cast %scan3A_396 : i32 to index
                  %get3A_545 = arith.constant 352 : index
                  %get3A_546 = tpu.vector_load %arg17[%get3A_544, %get3A_545] {strides = array<i32>} : memref<64x384xf32, #tpu.memory_space<vmem>>, vector<16xf32>,
                  %swap3A_547 = arith.index_cast %sub3A_411 : i32 to index
                  %swap3A_548 = arith.constant 352 : index
                  %swap3A_549 = tpu.vector_load %arg19[%swap3A_547, %swap3A_548] {strides = array<i32>} : memref<144x384xf32, #tpu.memory_space<vmem>>, vector<16xf32>,
                  tpu.vector_store %arg19[%swap3A_547, %swap3A_548], %get3A_546 {add = true, strides = array<i32>} : memref<144x384xf32, #tpu.memory_space<vmem>>, vector<16xf32>,
                  %get3A_550 = arith.index_cast %scan3A_396 : i32 to index
                  %get3A_551 = arith.constant 368 : index
                  %get3A_552 = tpu.vector_load %arg17[%get3A_550, %get3A_551] {strides = array<i32>} : memref<64x384xf32, #tpu.memory_space<vmem>>, vector<16xf32>,
                  %swap3A_553 = arith.index_cast %sub3A_411 : i32 to index
                  %swap3A_554 = arith.constant 368 : index
                  %swap3A_555 = tpu.vector_load %arg19[%swap3A_553, %swap3A_554] {strides = array<i32>} : memref<144x384xf32, #tpu.memory_space<vmem>>, vector<16xf32>,
                  tpu.vector_store %arg19[%swap3A_553, %swap3A_554], %get3A_552 {add = true, strides = array<i32>} : memref<144x384xf32, #tpu.memory_space<vmem>>, vector<16xf32>,
                } else {
                }
              }
              %scan3A_387 = arith.constant 64 : i32
              %get3A_388 = arith.constant 64 : index
              %get3A_389 = tpu.vector_load %arg20[%get3A_388] {strides = array<i32>} : memref<80xi32, #tpu.memory_space<vmem>>, vector<16xi32>,
              %swap3A_390 = arith.constant 0 : index
              %swap3A_391 = tpu.vector_load %arg20[%swap3A_390] {strides = array<i32>} : memref<80xi32, #tpu.memory_space<vmem>>, vector<16xi32>,
              tpu.vector_store %arg20[%swap3A_390], %get3A_389 {strides = array<i32>} : memref<80xi32, #tpu.memory_space<vmem>>, vector<16xi32>,
              %get3A_392 = arith.constant 64 : index
              %get3A_393 = tpu.vector_load %arg21[%get3A_392] {strides = array<i32>} : memref<80xi32, #tpu.memory_space<vmem>>, vector<16xi32>,
              %swap3A_394 = arith.constant 0 : index
              %swap3A_395 = tpu.vector_load %arg21[%swap3A_394] {strides = array<i32>} : memref<80xi32, #tpu.memory_space<vmem>>, vector<16xi32>,
              tpu.vector_store %arg21[%swap3A_394], %get3A_393 {strides = array<i32>} : memref<80xi32, #tpu.memory_space<vmem>>, vector<16xi32>,
            } else {
            }
            %ge3A_303 = arith.constant 64 : i32
            %ge3A_304 = arith.cmpi sge, %add3A_299, %ge3A_303 : i32
            %sub3A_305 = arith.constant 64 : i32
            %sub3A_306 = arith.subi %add3A_299, %sub3A_305 : i32
            %select_n3A_307 = arith.select %ge3A_304, %sub3A_306, %add3A_299 : i32
            scf.yield %select_n3A_307 : i32
          }
          %while3A_262 = arith.constant 1 : i32
          %while3A_263 = scf.for %while3A_264 = %while3A_259 to %while3A_255 step %while3A_262 iter_args(%while3A_265 = %while3A_261) -> (i32)  : i32 {
            %mul3A_266 = arith.constant 16 : i32
            %mul3A_267 = arith.muli %while3A_264, %mul3A_266 : i32
            %get3A_268 = arith.index_cast %mul3A_267 : i32 to index
            %get3A_269 = tpu.vector_load %arg14[%get3A_268] {strides = array<i32>} : memref<10240xi32, #tpu.memory_space<vmem>>, vector<16xi32>,
            %mul3A_270 = arith.constant 16 : i32
            %mul3A_271 = arith.muli %while3A_264, %mul3A_270 : i32
            %get3A_272 = arith.index_cast %mul3A_271 : i32 to index
            %get3A_273 = tpu.vector_load %arg15[%get3A_272] {strides = array<i32>} : memref<10240xi32, #tpu.memory_space<vmem>>, vector<16xi32>,
            %mul3A_274 = arith.constant 16 : i32
            %mul3A_275 = arith.muli %while3A_264, %mul3A_274 : i32
            %add3A_276 = vector.broadcast %mul3A_275 : i32 to vector<16xi32>
            %add3A_277 = arith.addi %add3A_276, %iota3A : vector<16xi32>
            %lt3A_278 = vector.broadcast %sub3A_225 : i32 to vector<16xi32>
            %lt3A_279 = arith.cmpi slt, %add3A_277, %lt3A_278 : vector<16xi32>
            %ge3A = vector.broadcast %add3A_75 : i32 to vector<16xi32>
            %ge3A_280 = arith.cmpi sge, %get3A_273, %ge3A : vector<16xi32>
            %add3A_281 = arith.constant 144 : i32
            %add3A_282 = arith.addi %add3A_75, %add3A_281 : i32
            %lt3A_283 = vector.broadcast %add3A_282 : i32 to vector<16xi32>
            %lt3A_284 = arith.cmpi slt, %get3A_273, %lt3A_283 : vector<16xi32>
            %and3A_285 = arith.andi %ge3A_280, %lt3A_284 : vector<16xi1>
            %and3A_286 = arith.andi %lt3A_279, %and3A_285 : vector<16xi1>
            %swap3A_287 = arith.index_cast %while3A_265 : i32 to index
            %swap3A_288 = tpu.vector_load %arg20[%swap3A_287] masked %and3A_286 {strides = array<i32>} : memref<80xi32, #tpu.memory_space<vmem>>, vector<16xi32>, vector<16xi1>
            tpu.vector_store %arg20[%swap3A_287], %get3A_269 masked %and3A_286 {strides = array<i32>} : memref<80xi32, #tpu.memory_space<vmem>>, vector<16xi32>, vector<16xi1>
            %swap3A_289 = arith.index_cast %while3A_265 : i32 to index
            %swap3A_290 = tpu.vector_load %arg21[%swap3A_289] masked %and3A_286 {strides = array<i32>} : memref<80xi32, #tpu.memory_space<vmem>>, vector<16xi32>, vector<16xi1>
            tpu.vector_store %arg21[%swap3A_289], %get3A_273 masked %and3A_286 {strides = array<i32>} : memref<80xi32, #tpu.memory_space<vmem>>, vector<16xi32>, vector<16xi1>
            %all_reduce_population_count3A = tpu.all_reduce %and3A_286 {dim = 0 : i64, kind = #tpu.reduction_kind<sum>} : vector<16xi1> -> vector<16xi32>
            %reduce_max3A_291 = arith.constant true
            %reduce_max3A_292 = vector.broadcast %reduce_max3A_291 : i1 to vector<16xi1>
            %reduce_max3A_293 = arith.constant -2147483648 : i32
            %reduce_max3A_294 = vector.broadcast %reduce_max3A_293 : i32 to vector<16xi32>
            %reduce_max3A_295 = arith.xori %all_reduce_population_count3A, %reduce_max3A_294 : vector<16xi32>
            %reduce_max3A_296 = tpu.scan <max>, %reduce_max3A_295 masked %reduce_max3A_292 : vector<16xi32>, vector<16xi1> -> vector<16xi32>
            %reduce_max3A_297 = arith.xori %reduce_max3A_296, %reduce_max3A_294 : vector<16xi32>
            %reduce_max3A_298 = vector.extract %reduce_max3A_297[15] : i32 from vector<16xi32>
            %add3A_299 = arith.addi %while3A_265, %reduce_max3A_298 : i32
            %ge3A_300 = arith.constant 64 : i32
            %ge3A_301 = arith.cmpi sge, %add3A_299, %ge3A_300 : i32
            %convert_element_type3A = arith.extui %ge3A_301 : i1 to i32
            %cond3A = arith.constant 0 : i32
            %cond3A_302 = arith.cmpi ne, %convert_element_type3A, %cond3A : i32
            scf.if %cond3A_302 {
              %get3A_308 = arith.constant 0 : index
              %get3A_309 = tpu.vector_load %arg20[%get3A_308] {strides = array<i32>} : memref<80xi32, #tpu.memory_space<vmem>>, vector<16xi32>,
              %add3A_310 = arith.constant 0 : i32
              %add3A_311 = vector.broadcast %add3A_310 : i32 to vector<16xi32>
              %add3A_312 = arith.addi %iota3A, %add3A_311 : vector<16xi32>
              %lt3A_313 = arith.constant 64 : i32
              %lt3A_314 = vector.broadcast %lt3A_313 : i32 to vector<16xi32>
              %lt3A_315 = arith.cmpi slt, %add3A_312, %lt3A_314 : vector<16xi32>
              %jit3A_316 = arith.constant 0 : i32
              %broadcast_in_dim3A_317 = vector.broadcast %jit3A_316 : i32 to vector<16xi32>
              %select_n3A_318 = arith.select %lt3A_315, %get3A_309, %broadcast_in_dim3A_317 : vector<16xi1>, vector<16xi32>
              %swap3A_319 = arith.constant 0 : i32
              %swap3A_320 = arith.index_cast %swap3A_319 : i32 to index
              %swap3A_321 = arith.constant 0 : index
              %swap3A_322 = tpu.vector_load %arg16[%swap3A_320, %swap3A_321] {strides = array<i32>} : memref<1x64xi32, #tpu.memory_space<vmem>>, vector<16xi32>,
              tpu.vector_store %arg16[%swap3A_320, %swap3A_321], %select_n3A_318 {strides = array<i32>} : memref<1x64xi32, #tpu.memory_space<vmem>>, vector<16xi32>,
              %get3A_323 = arith.constant 16 : index
              %get3A_324 = tpu.vector_load %arg20[%get3A_323] {strides = array<i32>} : memref<80xi32, #tpu.memory_space<vmem>>, vector<16xi32>,
              %add3A_325 = arith.constant 16 : i32
              %add3A_326 = vector.broadcast %add3A_325 : i32 to vector<16xi32>
              %add3A_327 = arith.addi %iota3A, %add3A_326 : vector<16xi32>
              %lt3A_328 = arith.constant 64 : i32
              %lt3A_329 = vector.broadcast %lt3A_328 : i32 to vector<16xi32>
              %lt3A_330 = arith.cmpi slt, %add3A_327, %lt3A_329 : vector<16xi32>
              %jit3A_331 = arith.constant 0 : i32
              %broadcast_in_dim3A_332 = vector.broadcast %jit3A_331 : i32 to vector<16xi32>
              %select_n3A_333 = arith.select %lt3A_330, %get3A_324, %broadcast_in_dim3A_332 : vector<16xi1>, vector<16xi32>
              %swap3A_334 = arith.constant 0 : i32
              %swap3A_335 = arith.index_cast %swap3A_334 : i32 to index
              %swap3A_336 = arith.constant 16 : index
              %swap3A_337 = tpu.vector_load %arg16[%swap3A_335, %swap3A_336] {strides = array<i32>} : memref<1x64xi32, #tpu.memory_space<vmem>>, vector<16xi32>,
              tpu.vector_store %arg16[%swap3A_335, %swap3A_336], %select_n3A_333 {strides = array<i32>} : memref<1x64xi32, #tpu.memory_space<vmem>>, vector<16xi32>,
              %get3A_338 = arith.constant 32 : index
              %get3A_339 = tpu.vector_load %arg20[%get3A_338] {strides = array<i32>} : memref<80xi32, #tpu.memory_space<vmem>>, vector<16xi32>,
              %add3A_340 = arith.constant 32 : i32
              %add3A_341 = vector.broadcast %add3A_340 : i32 to vector<16xi32>
              %add3A_342 = arith.addi %iota3A, %add3A_341 : vector<16xi32>
              %lt3A_343 = arith.constant 64 : i32
              %lt3A_344 = vector.broadcast %lt3A_343 : i32 to vector<16xi32>
              %lt3A_345 = arith.cmpi slt, %add3A_342, %lt3A_344 : vector<16xi32>
              %jit3A_346 = arith.constant 0 : i32
              %broadcast_in_dim3A_347 = vector.broadcast %jit3A_346 : i32 to vector<16xi32>
              %select_n3A_348 = arith.select %lt3A_345, %get3A_339, %broadcast_in_dim3A_347 : vector<16xi1>, vector<16xi32>
              %swap3A_349 = arith.constant 0 : i32
              %swap3A_350 = arith.index_cast %swap3A_349 : i32 to index
              %swap3A_351 = arith.constant 32 : index
              %swap3A_352 = tpu.vector_load %arg16[%swap3A_350, %swap3A_351] {strides = array<i32>} : memref<1x64xi32, #tpu.memory_space<vmem>>, vector<16xi32>,
              tpu.vector_store %arg16[%swap3A_350, %swap3A_351], %select_n3A_348 {strides = array<i32>} : memref<1x64xi32, #tpu.memory_space<vmem>>, vector<16xi32>,
              %get3A_353 = arith.constant 48 : index
              %get3A_354 = tpu.vector_load %arg20[%get3A_353] {strides = array<i32>} : memref<80xi32, #tpu.memory_space<vmem>>, vector<16xi32>,
              %add3A_355 = arith.constant 48 : i32
              %add3A_356 = vector.broadcast %add3A_355 : i32 to vector<16xi32>
              %add3A_357 = arith.addi %iota3A, %add3A_356 : vector<16xi32>
              %lt3A_358 = arith.constant 64 : i32
              %lt3A_359 = vector.broadcast %lt3A_358 : i32 to vector<16xi32>
              %lt3A_360 = arith.cmpi slt, %add3A_357, %lt3A_359 : vector<16xi32>
              %jit3A_361 = arith.constant 0 : i32
              %broadcast_in_dim3A_362 = vector.broadcast %jit3A_361 : i32 to vector<16xi32>
              %select_n3A_363 = arith.select %lt3A_360, %get3A_354, %broadcast_in_dim3A_362 : vector<16xi1>, vector<16xi32>
              %swap3A_364 = arith.constant 0 : i32
              %swap3A_365 = arith.index_cast %swap3A_364 : i32 to index
              %swap3A_366 = arith.constant 48 : index
              %swap3A_367 = tpu.vector_load %arg16[%swap3A_365, %swap3A_366] {strides = array<i32>} : memref<1x64xi32, #tpu.memory_space<vmem>>, vector<16xi32>,
              tpu.vector_store %arg16[%swap3A_365, %swap3A_366], %select_n3A_363 {strides = array<i32>} : memref<1x64xi32, #tpu.memory_space<vmem>>, vector<16xi32>,
              %dma_start3A_368 = arith.constant 0 : i32
              %dma_start3A_369 = arith.constant 0 : i32
              %dma_start3A_370 = tpu.memref_slice %arg16[%dma_start3A_368, %dma_start3A_369] : memref<1x64xi32, #tpu.memory_space<vmem>> -> memref<1x64xi32, #tpu.memory_space<vmem>>
              %dma_start3A_371 = tpu.memref_squeeze %dma_start3A_370 : memref<1x64xi32, #tpu.memory_space<vmem>> -> memref<64xi32, #tpu.memory_space<vmem>>
              %dma_start3A_372 = arith.constant 0 : i32
              %dma_start3A_373 = arith.constant 0 : i32
              %dma_start3A_374 = tpu.memref_slice %arg5[%dma_start3A_372, %dma_start3A_373] : memref<10000x384xf32, #tpu.memory_space<hbm>> -> memref<10000x384xf32, #tpu.memory_space<hbm>>
              tpu.enqueue_indirect_dma source(%dma_start3A_374 : memref<10000x384xf32, #tpu.memory_space<hbm>>) target(%arg17 : memref<64x384xf32, #tpu.memory_space<vmem>>) offsets(%dma_start3A_371 : memref<64xi32, #tpu.memory_space<vmem>>) semaphore(%arg25 : memref<!tpu.dma_semaphore, #tpu.memory_space<semaphore_mem>>)
              %dma_wait3A_375 = arith.constant 0 : i32
              %dma_wait3A_376 = arith.constant 0 : i32
              %dma_wait3A_377 = tpu.memref_slice %arg16[%dma_wait3A_375, %dma_wait3A_376] : memref<1x64xi32, #tpu.memory_space<vmem>> -> memref<1x64xi32, #tpu.memory_space<vmem>>
              %dma_wait3A_378 = tpu.memref_squeeze %dma_wait3A_377 : memref<1x64xi32, #tpu.memory_space<vmem>> -> memref<64xi32, #tpu.memory_space<vmem>>
              %dma_wait3A_379 = arith.constant 0 : i32
              %dma_wait3A_380 = arith.constant 0 : i32
              %dma_wait3A_381 = tpu.memref_slice %arg5[%dma_wait3A_379, %dma_wait3A_380] : memref<10000x384xf32, #tpu.memory_space<hbm>> -> memref<10000x384xf32, #tpu.memory_space<hbm>>
              tpu.wait_indirect_dma semaphore(%arg25 : memref<!tpu.dma_semaphore, #tpu.memory_space<semaphore_mem>>) src(%dma_wait3A_381 : memref<10000x384xf32, #tpu.memory_space<hbm>>) dst(%arg17 : memref<64x384xf32, #tpu.memory_space<vmem>>)
              %scan3A_382 = arith.constant 64 : i32
              %scan3A_383 = arith.constant 0 : i32
              %scan3A_384 = arith.constant 64 : i32
              %scan3A_385 = arith.addi %scan3A_383, %scan3A_384 : i32
              %scan3A_386 = arith.constant 1 : i32
              scf.for %scan3A_396 = %scan3A_383 to %scan3A_385 step %scan3A_386  : i32 {
                %lt3A_397 = arith.cmpi slt, %scan3A_396, %scan3A_382 : i32
                %convert_element_type3A_398 = arith.extui %lt3A_397 : i1 to i32
                %cond3A_399 = arith.constant 0 : i32
                %cond3A_400 = arith.cmpi ne, %convert_element_type3A_398, %cond3A_399 : i32
                scf.if %cond3A_400 {
                  %broadcast_in_dim3A_401 = vector.broadcast %scan3A_396 : i32 to vector<16xi32>
                  %gather3A_402 = tpu.vector_load_idx %arg21[%broadcast_in_dim3A_401] : memref<80xi32, #tpu.memory_space<vmem>>[vector<16xi32>], vector<16xi32>,
                  %reduce_max3A_403 = arith.constant true
                  %reduce_max3A_404 = vector.broadcast %reduce_max3A_403 : i1 to vector<16xi1>
                  %reduce_max3A_405 = arith.constant -2147483648 : i32
                  %reduce_max3A_406 = vector.broadcast %reduce_max3A_405 : i32 to vector<16xi32>
                  %reduce_max3A_407 = arith.xori %gather3A_402, %reduce_max3A_406 : vector<16xi32>
                  %reduce_max3A_408 = tpu.scan <max>, %reduce_max3A_407 masked %reduce_max3A_404 : vector<16xi32>, vector<16xi1> -> vector<16xi32>
                  %reduce_max3A_409 = arith.xori %reduce_max3A_408, %reduce_max3A_406 : vector<16xi32>
                  %reduce_max3A_410 = vector.extract %reduce_max3A_409[15] : i32 from vector<16xi32>
                  %sub3A_411 = arith.subi %reduce_max3A_410, %add3A_75 : i32
                  %get3A_412 = arith.index_cast %scan3A_396 : i32 to index
                  %get3A_413 = arith.constant 0 : index
                  %get3A_414 = tpu.vector_load %arg17[%get3A_412, %get3A_413] {strides = array<i32>} : memref<64x384xf32, #tpu.memory_space<vmem>>, vector<16xf32>,
                  %swap3A_415 = arith.index_cast %sub3A_411 : i32 to index
                  %swap3A_416 = arith.constant 0 : index
                  %swap3A_417 = tpu.vector_load %arg19[%swap3A_415, %swap3A_416] {strides = array<i32>} : memref<144x384xf32, #tpu.memory_space<vmem>>, vector<16xf32>,
                  tpu.vector_store %arg19[%swap3A_415, %swap3A_416], %get3A_414 {add = true, strides = array<i32>} : memref<144x384xf32, #tpu.memory_space<vmem>>, vector<16xf32>,
                  %get3A_418 = arith.index_cast %scan3A_396 : i32 to index
                  %get3A_419 = arith.constant 16 : index
                  %get3A_420 = tpu.vector_load %arg17[%get3A_418, %get3A_419] {strides = array<i32>} : memref<64x384xf32, #tpu.memory_space<vmem>>, vector<16xf32>,
                  %swap3A_421 = arith.index_cast %sub3A_411 : i32 to index
                  %swap3A_422 = arith.constant 16 : index
                  %swap3A_423 = tpu.vector_load %arg19[%swap3A_421, %swap3A_422] {strides = array<i32>} : memref<144x384xf32, #tpu.memory_space<vmem>>, vector<16xf32>,
                  tpu.vector_store %arg19[%swap3A_421, %swap3A_422], %get3A_420 {add = true, strides = array<i32>} : memref<144x384xf32, #tpu.memory_space<vmem>>, vector<16xf32>,
                  %get3A_424 = arith.index_cast %scan3A_396 : i32 to index
                  %get3A_425 = arith.constant 32 : index
                  %get3A_426 = tpu.vector_load %arg17[%get3A_424, %get3A_425] {strides = array<i32>} : memref<64x384xf32, #tpu.memory_space<vmem>>, vector<16xf32>,
                  %swap3A_427 = arith.index_cast %sub3A_411 : i32 to index
                  %swap3A_428 = arith.constant 32 : index
                  %swap3A_429 = tpu.vector_load %arg19[%swap3A_427, %swap3A_428] {strides = array<i32>} : memref<144x384xf32, #tpu.memory_space<vmem>>, vector<16xf32>,
                  tpu.vector_store %arg19[%swap3A_427, %swap3A_428], %get3A_426 {add = true, strides = array<i32>} : memref<144x384xf32, #tpu.memory_space<vmem>>, vector<16xf32>,
                  %get3A_430 = arith.index_cast %scan3A_396 : i32 to index
                  %get3A_431 = arith.constant 48 : index
                  %get3A_432 = tpu.vector_load %arg17[%get3A_430, %get3A_431] {strides = array<i32>} : memref<64x384xf32, #tpu.memory_space<vmem>>, vector<16xf32>,
                  %swap3A_433 = arith.index_cast %sub3A_411 : i32 to index
                  %swap3A_434 = arith.constant 48 : index
                  %swap3A_435 = tpu.vector_load %arg19[%swap3A_433, %swap3A_434] {strides = array<i32>} : memref<144x384xf32, #tpu.memory_space<vmem>>, vector<16xf32>,
                  tpu.vector_store %arg19[%swap3A_433, %swap3A_434], %get3A_432 {add = true, strides = array<i32>} : memref<144x384xf32, #tpu.memory_space<vmem>>, vector<16xf32>,
                  %get3A_436 = arith.index_cast %scan3A_396 : i32 to index
                  %get3A_437 = arith.constant 64 : index
                  %get3A_438 = tpu.vector_load %arg17[%get3A_436, %get3A_437] {strides = array<i32>} : memref<64x384xf32, #tpu.memory_space<vmem>>, vector<16xf32>,
                  %swap3A_439 = arith.index_cast %sub3A_411 : i32 to index
                  %swap3A_440 = arith.constant 64 : index
                  %swap3A_441 = tpu.vector_load %arg19[%swap3A_439, %swap3A_440] {strides = array<i32>} : memref<144x384xf32, #tpu.memory_space<vmem>>, vector<16xf32>,
                  tpu.vector_store %arg19[%swap3A_439, %swap3A_440], %get3A_438 {add = true, strides = array<i32>} : memref<144x384xf32, #tpu.memory_space<vmem>>, vector<16xf32>,
                  %get3A_442 = arith.index_cast %scan3A_396 : i32 to index
                  %get3A_443 = arith.constant 80 : index
                  %get3A_444 = tpu.vector_load %arg17[%get3A_442, %get3A_443] {strides = array<i32>} : memref<64x384xf32, #tpu.memory_space<vmem>>, vector<16xf32>,
                  %swap3A_445 = arith.index_cast %sub3A_411 : i32 to index
                  %swap3A_446 = arith.constant 80 : index
                  %swap3A_447 = tpu.vector_load %arg19[%swap3A_445, %swap3A_446] {strides = array<i32>} : memref<144x384xf32, #tpu.memory_space<vmem>>, vector<16xf32>,
                  tpu.vector_store %arg19[%swap3A_445, %swap3A_446], %get3A_444 {add = true, strides = array<i32>} : memref<144x384xf32, #tpu.memory_space<vmem>>, vector<16xf32>,
                  %get3A_448 = arith.index_cast %scan3A_396 : i32 to index
                  %get3A_449 = arith.constant 96 : index
                  %get3A_450 = tpu.vector_load %arg17[%get3A_448, %get3A_449] {strides = array<i32>} : memref<64x384xf32, #tpu.memory_space<vmem>>, vector<16xf32>,
                  %swap3A_451 = arith.index_cast %sub3A_411 : i32 to index
                  %swap3A_452 = arith.constant 96 : index
                  %swap3A_453 = tpu.vector_load %arg19[%swap3A_451, %swap3A_452] {strides = array<i32>} : memref<144x384xf32, #tpu.memory_space<vmem>>, vector<16xf32>,
                  tpu.vector_store %arg19[%swap3A_451, %swap3A_452], %get3A_450 {add = true, strides = array<i32>} : memref<144x384xf32, #tpu.memory_space<vmem>>, vector<16xf32>,
                  %get3A_454 = arith.index_cast %scan3A_396 : i32 to index
                  %get3A_455 = arith.constant 112 : index
                  %get3A_456 = tpu.vector_load %arg17[%get3A_454, %get3A_455] {strides = array<i32>} : memref<64x384xf32, #tpu.memory_space<vmem>>, vector<16xf32>,
                  %swap3A_457 = arith.index_cast %sub3A_411 : i32 to index
                  %swap3A_458 = arith.constant 112 : index
                  %swap3A_459 = tpu.vector_load %arg19[%swap3A_457, %swap3A_458] {strides = array<i32>} : memref<144x384xf32, #tpu.memory_space<vmem>>, vector<16xf32>,
                  tpu.vector_store %arg19[%swap3A_457, %swap3A_458], %get3A_456 {add = true, strides = array<i32>} : memref<144x384xf32, #tpu.memory_space<vmem>>, vector<16xf32>,
                  %get3A_460 = arith.index_cast %scan3A_396 : i32 to index
                  %get3A_461 = arith.constant 128 : index
                  %get3A_462 = tpu.vector_load %arg17[%get3A_460, %get3A_461] {strides = array<i32>} : memref<64x384xf32, #tpu.memory_space<vmem>>, vector<16xf32>,
                  %swap3A_463 = arith.index_cast %sub3A_411 : i32 to index
                  %swap3A_464 = arith.constant 128 : index
                  %swap3A_465 = tpu.vector_load %arg19[%swap3A_463, %swap3A_464] {strides = array<i32>} : memref<144x384xf32, #tpu.memory_space<vmem>>, vector<16xf32>,
                  tpu.vector_store %arg19[%swap3A_463, %swap3A_464], %get3A_462 {add = true, strides = array<i32>} : memref<144x384xf32, #tpu.memory_space<vmem>>, vector<16xf32>,
                  %get3A_466 = arith.index_cast %scan3A_396 : i32 to index
                  %get3A_467 = arith.constant 144 : index
                  %get3A_468 = tpu.vector_load %arg17[%get3A_466, %get3A_467] {strides = array<i32>} : memref<64x384xf32, #tpu.memory_space<vmem>>, vector<16xf32>,
                  %swap3A_469 = arith.index_cast %sub3A_411 : i32 to index
                  %swap3A_470 = arith.constant 144 : index
                  %swap3A_471 = tpu.vector_load %arg19[%swap3A_469, %swap3A_470] {strides = array<i32>} : memref<144x384xf32, #tpu.memory_space<vmem>>, vector<16xf32>,
                  tpu.vector_store %arg19[%swap3A_469, %swap3A_470], %get3A_468 {add = true, strides = array<i32>} : memref<144x384xf32, #tpu.memory_space<vmem>>, vector<16xf32>,
                  %get3A_472 = arith.index_cast %scan3A_396 : i32 to index
                  %get3A_473 = arith.constant 160 : index
                  %get3A_474 = tpu.vector_load %arg17[%get3A_472, %get3A_473] {strides = array<i32>} : memref<64x384xf32, #tpu.memory_space<vmem>>, vector<16xf32>,
                  %swap3A_475 = arith.index_cast %sub3A_411 : i32 to index
                  %swap3A_476 = arith.constant 160 : index
                  %swap3A_477 = tpu.vector_load %arg19[%swap3A_475, %swap3A_476] {strides = array<i32>} : memref<144x384xf32, #tpu.memory_space<vmem>>, vector<16xf32>,
                  tpu.vector_store %arg19[%swap3A_475, %swap3A_476], %get3A_474 {add = true, strides = array<i32>} : memref<144x384xf32, #tpu.memory_space<vmem>>, vector<16xf32>,
                  %get3A_478 = arith.index_cast %scan3A_396 : i32 to index
                  %get3A_479 = arith.constant 176 : index
                  %get3A_480 = tpu.vector_load %arg17[%get3A_478, %get3A_479] {strides = array<i32>} : memref<64x384xf32, #tpu.memory_space<vmem>>, vector<16xf32>,
                  %swap3A_481 = arith.index_cast %sub3A_411 : i32 to index
                  %swap3A_482 = arith.constant 176 : index
                  %swap3A_483 = tpu.vector_load %arg19[%swap3A_481, %swap3A_482] {strides = array<i32>} : memref<144x384xf32, #tpu.memory_space<vmem>>, vector<16xf32>,
                  tpu.vector_store %arg19[%swap3A_481, %swap3A_482], %get3A_480 {add = true, strides = array<i32>} : memref<144x384xf32, #tpu.memory_space<vmem>>, vector<16xf32>,
                  %get3A_484 = arith.index_cast %scan3A_396 : i32 to index
                  %get3A_485 = arith.constant 192 : index
                  %get3A_486 = tpu.vector_load %arg17[%get3A_484, %get3A_485] {strides = array<i32>} : memref<64x384xf32, #tpu.memory_space<vmem>>, vector<16xf32>,
                  %swap3A_487 = arith.index_cast %sub3A_411 : i32 to index
                  %swap3A_488 = arith.constant 192 : index
                  %swap3A_489 = tpu.vector_load %arg19[%swap3A_487, %swap3A_488] {strides = array<i32>} : memref<144x384xf32, #tpu.memory_space<vmem>>, vector<16xf32>,
                  tpu.vector_store %arg19[%swap3A_487, %swap3A_488], %get3A_486 {add = true, strides = array<i32>} : memref<144x384xf32, #tpu.memory_space<vmem>>, vector<16xf32>,
                  %get3A_490 = arith.index_cast %scan3A_396 : i32 to index
                  %get3A_491 = arith.constant 208 : index
                  %get3A_492 = tpu.vector_load %arg17[%get3A_490, %get3A_491] {strides = array<i32>} : memref<64x384xf32, #tpu.memory_space<vmem>>, vector<16xf32>,
                  %swap3A_493 = arith.index_cast %sub3A_411 : i32 to index
                  %swap3A_494 = arith.constant 208 : index
                  %swap3A_495 = tpu.vector_load %arg19[%swap3A_493, %swap3A_494] {strides = array<i32>} : memref<144x384xf32, #tpu.memory_space<vmem>>, vector<16xf32>,
                  tpu.vector_store %arg19[%swap3A_493, %swap3A_494], %get3A_492 {add = true, strides = array<i32>} : memref<144x384xf32, #tpu.memory_space<vmem>>, vector<16xf32>,
                  %get3A_496 = arith.index_cast %scan3A_396 : i32 to index
                  %get3A_497 = arith.constant 224 : index
                  %get3A_498 = tpu.vector_load %arg17[%get3A_496, %get3A_497] {strides = array<i32>} : memref<64x384xf32, #tpu.memory_space<vmem>>, vector<16xf32>,
                  %swap3A_499 = arith.index_cast %sub3A_411 : i32 to index
                  %swap3A_500 = arith.constant 224 : index
                  %swap3A_501 = tpu.vector_load %arg19[%swap3A_499, %swap3A_500] {strides = array<i32>} : memref<144x384xf32, #tpu.memory_space<vmem>>, vector<16xf32>,
                  tpu.vector_store %arg19[%swap3A_499, %swap3A_500], %get3A_498 {add = true, strides = array<i32>} : memref<144x384xf32, #tpu.memory_space<vmem>>, vector<16xf32>,
                  %get3A_502 = arith.index_cast %scan3A_396 : i32 to index
                  %get3A_503 = arith.constant 240 : index
                  %get3A_504 = tpu.vector_load %arg17[%get3A_502, %get3A_503] {strides = array<i32>} : memref<64x384xf32, #tpu.memory_space<vmem>>, vector<16xf32>,
                  %swap3A_505 = arith.index_cast %sub3A_411 : i32 to index
                  %swap3A_506 = arith.constant 240 : index
                  %swap3A_507 = tpu.vector_load %arg19[%swap3A_505, %swap3A_506] {strides = array<i32>} : memref<144x384xf32, #tpu.memory_space<vmem>>, vector<16xf32>,
                  tpu.vector_store %arg19[%swap3A_505, %swap3A_506], %get3A_504 {add = true, strides = array<i32>} : memref<144x384xf32, #tpu.memory_space<vmem>>, vector<16xf32>,
                  %get3A_508 = arith.index_cast %scan3A_396 : i32 to index
                  %get3A_509 = arith.constant 256 : index
                  %get3A_510 = tpu.vector_load %arg17[%get3A_508, %get3A_509] {strides = array<i32>} : memref<64x384xf32, #tpu.memory_space<vmem>>, vector<16xf32>,
                  %swap3A_511 = arith.index_cast %sub3A_411 : i32 to index
                  %swap3A_512 = arith.constant 256 : index
                  %swap3A_513 = tpu.vector_load %arg19[%swap3A_511, %swap3A_512] {strides = array<i32>} : memref<144x384xf32, #tpu.memory_space<vmem>>, vector<16xf32>,
                  tpu.vector_store %arg19[%swap3A_511, %swap3A_512], %get3A_510 {add = true, strides = array<i32>} : memref<144x384xf32, #tpu.memory_space<vmem>>, vector<16xf32>,
                  %get3A_514 = arith.index_cast %scan3A_396 : i32 to index
                  %get3A_515 = arith.constant 272 : index
                  %get3A_516 = tpu.vector_load %arg17[%get3A_514, %get3A_515] {strides = array<i32>} : memref<64x384xf32, #tpu.memory_space<vmem>>, vector<16xf32>,
                  %swap3A_517 = arith.index_cast %sub3A_411 : i32 to index
                  %swap3A_518 = arith.constant 272 : index
                  %swap3A_519 = tpu.vector_load %arg19[%swap3A_517, %swap3A_518] {strides = array<i32>} : memref<144x384xf32, #tpu.memory_space<vmem>>, vector<16xf32>,
                  tpu.vector_store %arg19[%swap3A_517, %swap3A_518], %get3A_516 {add = true, strides = array<i32>} : memref<144x384xf32, #tpu.memory_space<vmem>>, vector<16xf32>,
                  %get3A_520 = arith.index_cast %scan3A_396 : i32 to index
                  %get3A_521 = arith.constant 288 : index
                  %get3A_522 = tpu.vector_load %arg17[%get3A_520, %get3A_521] {strides = array<i32>} : memref<64x384xf32, #tpu.memory_space<vmem>>, vector<16xf32>,
                  %swap3A_523 = arith.index_cast %sub3A_411 : i32 to index
                  %swap3A_524 = arith.constant 288 : index
                  %swap3A_525 = tpu.vector_load %arg19[%swap3A_523, %swap3A_524] {strides = array<i32>} : memref<144x384xf32, #tpu.memory_space<vmem>>, vector<16xf32>,
                  tpu.vector_store %arg19[%swap3A_523, %swap3A_524], %get3A_522 {add = true, strides = array<i32>} : memref<144x384xf32, #tpu.memory_space<vmem>>, vector<16xf32>,
                  %get3A_526 = arith.index_cast %scan3A_396 : i32 to index
                  %get3A_527 = arith.constant 304 : index
                  %get3A_528 = tpu.vector_load %arg17[%get3A_526, %get3A_527] {strides = array<i32>} : memref<64x384xf32, #tpu.memory_space<vmem>>, vector<16xf32>,
                  %swap3A_529 = arith.index_cast %sub3A_411 : i32 to index
                  %swap3A_530 = arith.constant 304 : index
                  %swap3A_531 = tpu.vector_load %arg19[%swap3A_529, %swap3A_530] {strides = array<i32>} : memref<144x384xf32, #tpu.memory_space<vmem>>, vector<16xf32>,
                  tpu.vector_store %arg19[%swap3A_529, %swap3A_530], %get3A_528 {add = true, strides = array<i32>} : memref<144x384xf32, #tpu.memory_space<vmem>>, vector<16xf32>,
                  %get3A_532 = arith.index_cast %scan3A_396 : i32 to index
                  %get3A_533 = arith.constant 320 : index
                  %get3A_534 = tpu.vector_load %arg17[%get3A_532, %get3A_533] {strides = array<i32>} : memref<64x384xf32, #tpu.memory_space<vmem>>, vector<16xf32>,
                  %swap3A_535 = arith.index_cast %sub3A_411 : i32 to index
                  %swap3A_536 = arith.constant 320 : index
                  %swap3A_537 = tpu.vector_load %arg19[%swap3A_535, %swap3A_536] {strides = array<i32>} : memref<144x384xf32, #tpu.memory_space<vmem>>, vector<16xf32>,
                  tpu.vector_store %arg19[%swap3A_535, %swap3A_536], %get3A_534 {add = true, strides = array<i32>} : memref<144x384xf32, #tpu.memory_space<vmem>>, vector<16xf32>,
                  %get3A_538 = arith.index_cast %scan3A_396 : i32 to index
                  %get3A_539 = arith.constant 336 : index
                  %get3A_540 = tpu.vector_load %arg17[%get3A_538, %get3A_539] {strides = array<i32>} : memref<64x384xf32, #tpu.memory_space<vmem>>, vector<16xf32>,
                  %swap3A_541 = arith.index_cast %sub3A_411 : i32 to index
                  %swap3A_542 = arith.constant 336 : index
                  %swap3A_543 = tpu.vector_load %arg19[%swap3A_541, %swap3A_542] {strides = array<i32>} : memref<144x384xf32, #tpu.memory_space<vmem>>, vector<16xf32>,
                  tpu.vector_store %arg19[%swap3A_541, %swap3A_542], %get3A_540 {add = true, strides = array<i32>} : memref<144x384xf32, #tpu.memory_space<vmem>>, vector<16xf32>,
                  %get3A_544 = arith.index_cast %scan3A_396 : i32 to index
                  %get3A_545 = arith.constant 352 : index
                  %get3A_546 = tpu.vector_load %arg17[%get3A_544, %get3A_545] {strides = array<i32>} : memref<64x384xf32, #tpu.memory_space<vmem>>, vector<16xf32>,
                  %swap3A_547 = arith.index_cast %sub3A_411 : i32 to index
                  %swap3A_548 = arith.constant 352 : index
                  %swap3A_549 = tpu.vector_load %arg19[%swap3A_547, %swap3A_548] {strides = array<i32>} : memref<144x384xf32, #tpu.memory_space<vmem>>, vector<16xf32>,
                  tpu.vector_store %arg19[%swap3A_547, %swap3A_548], %get3A_546 {add = true, strides = array<i32>} : memref<144x384xf32, #tpu.memory_space<vmem>>, vector<16xf32>,
                  %get3A_550 = arith.index_cast %scan3A_396 : i32 to index
                  %get3A_551 = arith.constant 368 : index
                  %get3A_552 = tpu.vector_load %arg17[%get3A_550, %get3A_551] {strides = array<i32>} : memref<64x384xf32, #tpu.memory_space<vmem>>, vector<16xf32>,
                  %swap3A_553 = arith.index_cast %sub3A_411 : i32 to index
                  %swap3A_554 = arith.constant 368 : index
                  %swap3A_555 = tpu.vector_load %arg19[%swap3A_553, %swap3A_554] {strides = array<i32>} : memref<144x384xf32, #tpu.memory_space<vmem>>, vector<16xf32>,
                  tpu.vector_store %arg19[%swap3A_553, %swap3A_554], %get3A_552 {add = true, strides = array<i32>} : memref<144x384xf32, #tpu.memory_space<vmem>>, vector<16xf32>,
                } else {
                }
              }
              %scan3A_387 = arith.constant 64 : i32
              %get3A_388 = arith.constant 64 : index
              %get3A_389 = tpu.vector_load %arg20[%get3A_388] {strides = array<i32>} : memref<80xi32, #tpu.memory_space<vmem>>, vector<16xi32>,
              %swap3A_390 = arith.constant 0 : index
              %swap3A_391 = tpu.vector_load %arg20[%swap3A_390] {strides = array<i32>} : memref<80xi32, #tpu.memory_space<vmem>>, vector<16xi32>,
              tpu.vector_store %arg20[%swap3A_390], %get3A_389 {strides = array<i32>} : memref<80xi32, #tpu.memory_space<vmem>>, vector<16xi32>,
              %get3A_392 = arith.constant 64 : index
              %get3A_393 = tpu.vector_load %arg21[%get3A_392] {strides = array<i32>} : memref<80xi32, #tpu.memory_space<vmem>>, vector<16xi32>,
              %swap3A_394 = arith.constant 0 : index
              %swap3A_395 = tpu.vector_load %arg21[%swap3A_394] {strides = array<i32>} : memref<80xi32, #tpu.memory_space<vmem>>, vector<16xi32>,
              tpu.vector_store %arg21[%swap3A_394], %get3A_393 {strides = array<i32>} : memref<80xi32, #tpu.memory_space<vmem>>, vector<16xi32>,
            } else {
            }
            %ge3A_303 = arith.constant 64 : i32
            %ge3A_304 = arith.cmpi sge, %add3A_299, %ge3A_303 : i32
            %sub3A_305 = arith.constant 64 : i32
            %sub3A_306 = arith.subi %add3A_299, %sub3A_305 : i32
            %select_n3A_307 = arith.select %ge3A_304, %sub3A_306, %add3A_299 : i32
            scf.yield %select_n3A_307 : i32
          }
          scf.yield %while3A_263 : i32
        }
        %while3A_207 = arith.constant 1 : i32
        %while3A_208 = scf.for %while3A_209 = %while3A_204 to %while3A_200 step %while3A_207 iter_args(%while3A_210 = %while3A_206) -> (i32)  : i32 {
          %mul3A_211 = arith.constant 16 : i32
          %mul3A_212 = arith.muli %arg0, %mul3A_211 : i32
          %add3A_213 = arith.addi %mul3A_212, %scan3A_163 : i32
          %mul3A_214 = arith.constant 1024 : i32
          %mul3A_215 = arith.muli %while3A_209, %mul3A_214 : i32
          %run_scoped3A_216 = arith.constant 0 : i32
          "tpu.region"() ({
            %run_scoped3A_264 = tpu.sem_alloc : memref<!tpu.dma_semaphore, #tpu.memory_space<semaphore_mem>>
            %dma_start3A_265 = arith.constant 0 : i32
            %dma_start3A_266 = tpu.memref_slice %arg14[%dma_start3A_265] : memref<10240xi32, #tpu.memory_space<vmem>> -> memref<1024xi32, #tpu.memory_space<vmem>>
            %dma_start3A_267 = tpu.memref_slice %arg10[%add3A_213, %run_scoped3A_216, %mul3A_215] : memref<32x2x10240xi32, #tpu.memory_space<hbm>> -> memref<1x1x1024xi32, #tpu.memory_space<hbm>>
            %dma_start3A_268 = tpu.memref_squeeze %dma_start3A_267 : memref<1x1x1024xi32, #tpu.memory_space<hbm>> -> memref<1024xi32, #tpu.memory_space<hbm>>
            %dma_start3A_269 = arith.constant 0 : i32
            %dma_start3A_270 = tpu.memref_slice %arg14[%dma_start3A_269] : memref<10240xi32, #tpu.memory_space<vmem>> -> memref<1024xi32, #tpu.memory_space<vmem>>
            %dma_start3A_271 = tpu.memref_slice %arg10[%add3A_213, %run_scoped3A_216, %mul3A_215] : memref<32x2x10240xi32, #tpu.memory_space<hbm>> -> memref<1x1x1024xi32, #tpu.memory_space<hbm>>
            %dma_start3A_272 = tpu.memref_squeeze %dma_start3A_271 : memref<1x1x1024xi32, #tpu.memory_space<hbm>> -> memref<1024xi32, #tpu.memory_space<hbm>>
            tpu.enqueue_dma source(%dma_start3A_272 : memref<1024xi32, #tpu.memory_space<hbm>>) target(%dma_start3A_270 : memref<1024xi32, #tpu.memory_space<vmem>>) target_semaphore(%run_scoped3A_264 : memref<!tpu.dma_semaphore, #tpu.memory_space<semaphore_mem>>)
            %dma_wait3A_273 = arith.constant 0 : i32
            %dma_wait3A_274 = tpu.memref_slice %arg14[%dma_wait3A_273] : memref<10240xi32, #tpu.memory_space<vmem>> -> memref<1024xi32, #tpu.memory_space<vmem>>
            %dma_wait3A_275 = tpu.memref_slice %arg10[%add3A_213, %run_scoped3A_216, %mul3A_215] : memref<32x2x10240xi32, #tpu.memory_space<hbm>> -> memref<1x1x1024xi32, #tpu.memory_space<hbm>>
            %dma_wait3A_276 = tpu.memref_squeeze %dma_wait3A_275 : memref<1x1x1024xi32, #tpu.memory_space<hbm>> -> memref<1024xi32, #tpu.memory_space<hbm>>
            %dma_wait3A_277 = arith.constant 0 : i32
            %dma_wait3A_278 = tpu.memref_slice %arg14[%dma_wait3A_277] : memref<10240xi32, #tpu.memory_space<vmem>> -> memref<1024xi32, #tpu.memory_space<vmem>>
            %dma_wait3A_279 = tpu.memref_slice %arg10[%add3A_213, %run_scoped3A_216, %mul3A_215] : memref<32x2x10240xi32, #tpu.memory_space<hbm>> -> memref<1x1x1024xi32, #tpu.memory_space<hbm>>
            %dma_wait3A_280 = tpu.memref_squeeze %dma_wait3A_279 : memref<1x1x1024xi32, #tpu.memory_space<hbm>> -> memref<1024xi32, #tpu.memory_space<hbm>>
            tpu.wait_dma2 semaphore(%run_scoped3A_264 : memref<!tpu.dma_semaphore, #tpu.memory_space<semaphore_mem>>) src(%dma_wait3A_280 : memref<1024xi32, #tpu.memory_space<hbm>>) dst(%dma_wait3A_278 : memref<1024xi32, #tpu.memory_space<vmem>>)
            tpu.yield
          }) : () -> ()
          %mul3A_217 = arith.constant 16 : i32
          %mul3A_218 = arith.muli %arg0, %mul3A_217 : i32
          %add3A_219 = arith.addi %mul3A_218, %scan3A_163 : i32
          %mul3A_220 = arith.constant 1024 : i32
          %mul3A_221 = arith.muli %while3A_209, %mul3A_220 : i32
          %run_scoped3A_222 = arith.constant 1 : i32
          "tpu.region"() ({
            %run_scoped3A_264 = tpu.sem_alloc : memref<!tpu.dma_semaphore, #tpu.memory_space<semaphore_mem>>
            %dma_start3A_265 = arith.constant 0 : i32
            %dma_start3A_266 = tpu.memref_slice %arg15[%dma_start3A_265] : memref<10240xi32, #tpu.memory_space<vmem>> -> memref<1024xi32, #tpu.memory_space<vmem>>
            %dma_start3A_267 = tpu.memref_slice %arg10[%add3A_219, %run_scoped3A_222, %mul3A_221] : memref<32x2x10240xi32, #tpu.memory_space<hbm>> -> memref<1x1x1024xi32, #tpu.memory_space<hbm>>
            %dma_start3A_268 = tpu.memref_squeeze %dma_start3A_267 : memref<1x1x1024xi32, #tpu.memory_space<hbm>> -> memref<1024xi32, #tpu.memory_space<hbm>>
            %dma_start3A_269 = arith.constant 0 : i32
            %dma_start3A_270 = tpu.memref_slice %arg15[%dma_start3A_269] : memref<10240xi32, #tpu.memory_space<vmem>> -> memref<1024xi32, #tpu.memory_space<vmem>>
            %dma_start3A_271 = tpu.memref_slice %arg10[%add3A_219, %run_scoped3A_222, %mul3A_221] : memref<32x2x10240xi32, #tpu.memory_space<hbm>> -> memref<1x1x1024xi32, #tpu.memory_space<hbm>>
            %dma_start3A_272 = tpu.memref_squeeze %dma_start3A_271 : memref<1x1x1024xi32, #tpu.memory_space<hbm>> -> memref<1024xi32, #tpu.memory_space<hbm>>
            tpu.enqueue_dma source(%dma_start3A_272 : memref<1024xi32, #tpu.memory_space<hbm>>) target(%dma_start3A_270 : memref<1024xi32, #tpu.memory_space<vmem>>) target_semaphore(%run_scoped3A_264 : memref<!tpu.dma_semaphore, #tpu.memory_space<semaphore_mem>>)
            %dma_wait3A_273 = arith.constant 0 : i32
            %dma_wait3A_274 = tpu.memref_slice %arg15[%dma_wait3A_273] : memref<10240xi32, #tpu.memory_space<vmem>> -> memref<1024xi32, #tpu.memory_space<vmem>>
            %dma_wait3A_275 = tpu.memref_slice %arg10[%add3A_219, %run_scoped3A_222, %mul3A_221] : memref<32x2x10240xi32, #tpu.memory_space<hbm>> -> memref<1x1x1024xi32, #tpu.memory_space<hbm>>
            %dma_wait3A_276 = tpu.memref_squeeze %dma_wait3A_275 : memref<1x1x1024xi32, #tpu.memory_space<hbm>> -> memref<1024xi32, #tpu.memory_space<hbm>>
            %dma_wait3A_277 = arith.constant 0 : i32
            %dma_wait3A_278 = tpu.memref_slice %arg15[%dma_wait3A_277] : memref<10240xi32, #tpu.memory_space<vmem>> -> memref<1024xi32, #tpu.memory_space<vmem>>
            %dma_wait3A_279 = tpu.memref_slice %arg10[%add3A_219, %run_scoped3A_222, %mul3A_221] : memref<32x2x10240xi32, #tpu.memory_space<hbm>> -> memref<1x1x1024xi32, #tpu.memory_space<hbm>>
            %dma_wait3A_280 = tpu.memref_squeeze %dma_wait3A_279 : memref<1x1x1024xi32, #tpu.memory_space<hbm>> -> memref<1024xi32, #tpu.memory_space<hbm>>
            tpu.wait_dma2 semaphore(%run_scoped3A_264 : memref<!tpu.dma_semaphore, #tpu.memory_space<semaphore_mem>>) src(%dma_wait3A_280 : memref<1024xi32, #tpu.memory_space<hbm>>) dst(%dma_wait3A_278 : memref<1024xi32, #tpu.memory_space<vmem>>)
            tpu.yield
          }) : () -> ()
          %mul3A_223 = arith.constant 1024 : i32
          %mul3A_224 = arith.muli %while3A_209, %mul3A_223 : i32
          %sub3A_225 = arith.subi %reduce_max3A_176, %mul3A_224 : i32
          %add3A_226 = arith.constant 15 : i32
          %add3A_227 = arith.addi %sub3A_225, %add3A_226 : i32
          %jit3A_228 = arith.constant 16 : i32
          %div3A_229 = arith.divsi %add3A_227, %jit3A_228 : i32
          %sign3A_230 = arith.constant 0 : i32
          %sign3A_231 = arith.cmpi sgt, %add3A_227, %sign3A_230 : i32
          %sign3A_232 = arith.extui %sign3A_231 : i1 to i32
          %sign3A_233 = arith.constant 0 : i32
          %sign3A_234 = arith.cmpi slt, %add3A_227, %sign3A_233 : i32
          %sign3A_235 = arith.extui %sign3A_234 : i1 to i32
          %sign3A_236 = arith.subi %sign3A_232, %sign3A_235 : i32
          %sign3A_237 = arith.constant 0 : i32
          %sign3A_238 = arith.cmpi sgt, %jit3A_228, %sign3A_237 : i32
          %sign3A_239 = arith.extui %sign3A_238 : i1 to i32
          %sign3A_240 = arith.constant 0 : i32
          %sign3A_241 = arith.cmpi slt, %jit3A_228, %sign3A_240 : i32
          %sign3A_242 = arith.extui %sign3A_241 : i1 to i32
          %sign3A_243 = arith.subi %sign3A_239, %sign3A_242 : i32
          %ne3A_244 = arith.cmpi ne, %sign3A_236, %sign3A_243 : i32
          %rem3A_245 = arith.remsi %add3A_227, %jit3A_228 : i32
          %ne3A_246 = arith.constant 0 : i32
          %ne3A_247 = arith.cmpi ne, %rem3A_245, %ne3A_246 : i32
          %and3A_248 = arith.andi %ne3A_244, %ne3A_247 : i1
          %sub3A_249 = arith.constant 1 : i32
          %sub3A_250 = arith.subi %div3A_229, %sub3A_249 : i32
          %select_n3A_251 = arith.select %and3A_248, %sub3A_250, %div3A_229 : i32
          %min3A = arith.constant 64 : i32
          %min3A_252 = arith.minsi %min3A, %select_n3A_251 : i32
          %while3A_253 = arith.constant 0 : i32
          %while3A_254 = arith.subi %min3A_252, %while3A_253 : i32
          %while3A_255 = arith.addi %while3A_253, %while3A_254 : i32
          %while3A_256 = arith.constant 1 : i32
          %while3A_257 = arith.divsi %while3A_254, %while3A_256 : i32
          %while3A_258 = arith.muli %while3A_257, %while3A_256 : i32
          %while3A_259 = arith.addi %while3A_253, %while3A_258 : i32
          %while3A_260 = arith.constant 1 : i32
          %while3A_261 = scf.for %while3A_264 = %while3A_253 to %while3A_259 step %while3A_260 iter_args(%while3A_265 = %while3A_210) -> (i32)  : i32 {
            %mul3A_266 = arith.constant 16 : i32
            %mul3A_267 = arith.muli %while3A_264, %mul3A_266 : i32
            %get3A_268 = arith.index_cast %mul3A_267 : i32 to index
            %get3A_269 = tpu.vector_load %arg14[%get3A_268] {strides = array<i32>} : memref<10240xi32, #tpu.memory_space<vmem>>, vector<16xi32>,
            %mul3A_270 = arith.constant 16 : i32
            %mul3A_271 = arith.muli %while3A_264, %mul3A_270 : i32
            %get3A_272 = arith.index_cast %mul3A_271 : i32 to index
            %get3A_273 = tpu.vector_load %arg15[%get3A_272] {strides = array<i32>} : memref<10240xi32, #tpu.memory_space<vmem>>, vector<16xi32>,
            %mul3A_274 = arith.constant 16 : i32
            %mul3A_275 = arith.muli %while3A_264, %mul3A_274 : i32
            %add3A_276 = vector.broadcast %mul3A_275 : i32 to vector<16xi32>
            %add3A_277 = arith.addi %add3A_276, %iota3A : vector<16xi32>
            %lt3A_278 = vector.broadcast %sub3A_225 : i32 to vector<16xi32>
            %lt3A_279 = arith.cmpi slt, %add3A_277, %lt3A_278 : vector<16xi32>
            %ge3A = vector.broadcast %add3A_75 : i32 to vector<16xi32>
            %ge3A_280 = arith.cmpi sge, %get3A_273, %ge3A : vector<16xi32>
            %add3A_281 = arith.constant 144 : i32
            %add3A_282 = arith.addi %add3A_75, %add3A_281 : i32
            %lt3A_283 = vector.broadcast %add3A_282 : i32 to vector<16xi32>
            %lt3A_284 = arith.cmpi slt, %get3A_273, %lt3A_283 : vector<16xi32>
            %and3A_285 = arith.andi %ge3A_280, %lt3A_284 : vector<16xi1>
            %and3A_286 = arith.andi %lt3A_279, %and3A_285 : vector<16xi1>
            %swap3A_287 = arith.index_cast %while3A_265 : i32 to index
            %swap3A_288 = tpu.vector_load %arg20[%swap3A_287] masked %and3A_286 {strides = array<i32>} : memref<80xi32, #tpu.memory_space<vmem>>, vector<16xi32>, vector<16xi1>
            tpu.vector_store %arg20[%swap3A_287], %get3A_269 masked %and3A_286 {strides = array<i32>} : memref<80xi32, #tpu.memory_space<vmem>>, vector<16xi32>, vector<16xi1>
            %swap3A_289 = arith.index_cast %while3A_265 : i32 to index
            %swap3A_290 = tpu.vector_load %arg21[%swap3A_289] masked %and3A_286 {strides = array<i32>} : memref<80xi32, #tpu.memory_space<vmem>>, vector<16xi32>, vector<16xi1>
            tpu.vector_store %arg21[%swap3A_289], %get3A_273 masked %and3A_286 {strides = array<i32>} : memref<80xi32, #tpu.memory_space<vmem>>, vector<16xi32>, vector<16xi1>
            %all_reduce_population_count3A = tpu.all_reduce %and3A_286 {dim = 0 : i64, kind = #tpu.reduction_kind<sum>} : vector<16xi1> -> vector<16xi32>
            %reduce_max3A_291 = arith.constant true
            %reduce_max3A_292 = vector.broadcast %reduce_max3A_291 : i1 to vector<16xi1>
            %reduce_max3A_293 = arith.constant -2147483648 : i32
            %reduce_max3A_294 = vector.broadcast %reduce_max3A_293 : i32 to vector<16xi32>
            %reduce_max3A_295 = arith.xori %all_reduce_population_count3A, %reduce_max3A_294 : vector<16xi32>
            %reduce_max3A_296 = tpu.scan <max>, %reduce_max3A_295 masked %reduce_max3A_292 : vector<16xi32>, vector<16xi1> -> vector<16xi32>
            %reduce_max3A_297 = arith.xori %reduce_max3A_296, %reduce_max3A_294 : vector<16xi32>
            %reduce_max3A_298 = vector.extract %reduce_max3A_297[15] : i32 from vector<16xi32>
            %add3A_299 = arith.addi %while3A_265, %reduce_max3A_298 : i32
            %ge3A_300 = arith.constant 64 : i32
            %ge3A_301 = arith.cmpi sge, %add3A_299, %ge3A_300 : i32
            %convert_element_type3A = arith.extui %ge3A_301 : i1 to i32
            %cond3A = arith.constant 0 : i32
            %cond3A_302 = arith.cmpi ne, %convert_element_type3A, %cond3A : i32
            scf.if %cond3A_302 {
              %get3A_308 = arith.constant 0 : index
              %get3A_309 = tpu.vector_load %arg20[%get3A_308] {strides = array<i32>} : memref<80xi32, #tpu.memory_space<vmem>>, vector<16xi32>,
              %add3A_310 = arith.constant 0 : i32
              %add3A_311 = vector.broadcast %add3A_310 : i32 to vector<16xi32>
              %add3A_312 = arith.addi %iota3A, %add3A_311 : vector<16xi32>
              %lt3A_313 = arith.constant 64 : i32
              %lt3A_314 = vector.broadcast %lt3A_313 : i32 to vector<16xi32>
              %lt3A_315 = arith.cmpi slt, %add3A_312, %lt3A_314 : vector<16xi32>
              %jit3A_316 = arith.constant 0 : i32
              %broadcast_in_dim3A_317 = vector.broadcast %jit3A_316 : i32 to vector<16xi32>
              %select_n3A_318 = arith.select %lt3A_315, %get3A_309, %broadcast_in_dim3A_317 : vector<16xi1>, vector<16xi32>
              %swap3A_319 = arith.constant 0 : i32
              %swap3A_320 = arith.index_cast %swap3A_319 : i32 to index
              %swap3A_321 = arith.constant 0 : index
              %swap3A_322 = tpu.vector_load %arg16[%swap3A_320, %swap3A_321] {strides = array<i32>} : memref<1x64xi32, #tpu.memory_space<vmem>>, vector<16xi32>,
              tpu.vector_store %arg16[%swap3A_320, %swap3A_321], %select_n3A_318 {strides = array<i32>} : memref<1x64xi32, #tpu.memory_space<vmem>>, vector<16xi32>,
              %get3A_323 = arith.constant 16 : index
              %get3A_324 = tpu.vector_load %arg20[%get3A_323] {strides = array<i32>} : memref<80xi32, #tpu.memory_space<vmem>>, vector<16xi32>,
              %add3A_325 = arith.constant 16 : i32
              %add3A_326 = vector.broadcast %add3A_325 : i32 to vector<16xi32>
              %add3A_327 = arith.addi %iota3A, %add3A_326 : vector<16xi32>
              %lt3A_328 = arith.constant 64 : i32
              %lt3A_329 = vector.broadcast %lt3A_328 : i32 to vector<16xi32>
              %lt3A_330 = arith.cmpi slt, %add3A_327, %lt3A_329 : vector<16xi32>
              %jit3A_331 = arith.constant 0 : i32
              %broadcast_in_dim3A_332 = vector.broadcast %jit3A_331 : i32 to vector<16xi32>
              %select_n3A_333 = arith.select %lt3A_330, %get3A_324, %broadcast_in_dim3A_332 : vector<16xi1>, vector<16xi32>
              %swap3A_334 = arith.constant 0 : i32
              %swap3A_335 = arith.index_cast %swap3A_334 : i32 to index
              %swap3A_336 = arith.constant 16 : index
              %swap3A_337 = tpu.vector_load %arg16[%swap3A_335, %swap3A_336] {strides = array<i32>} : memref<1x64xi32, #tpu.memory_space<vmem>>, vector<16xi32>,
              tpu.vector_store %arg16[%swap3A_335, %swap3A_336], %select_n3A_333 {strides = array<i32>} : memref<1x64xi32, #tpu.memory_space<vmem>>, vector<16xi32>,
              %get3A_338 = arith.constant 32 : index
              %get3A_339 = tpu.vector_load %arg20[%get3A_338] {strides = array<i32>} : memref<80xi32, #tpu.memory_space<vmem>>, vector<16xi32>,
              %add3A_340 = arith.constant 32 : i32
              %add3A_341 = vector.broadcast %add3A_340 : i32 to vector<16xi32>
              %add3A_342 = arith.addi %iota3A, %add3A_341 : vector<16xi32>
              %lt3A_343 = arith.constant 64 : i32
              %lt3A_344 = vector.broadcast %lt3A_343 : i32 to vector<16xi32>
              %lt3A_345 = arith.cmpi slt, %add3A_342, %lt3A_344 : vector<16xi32>
              %jit3A_346 = arith.constant 0 : i32
              %broadcast_in_dim3A_347 = vector.broadcast %jit3A_346 : i32 to vector<16xi32>
              %select_n3A_348 = arith.select %lt3A_345, %get3A_339, %broadcast_in_dim3A_347 : vector<16xi1>, vector<16xi32>
              %swap3A_349 = arith.constant 0 : i32
              %swap3A_350 = arith.index_cast %swap3A_349 : i32 to index
              %swap3A_351 = arith.constant 32 : index
              %swap3A_352 = tpu.vector_load %arg16[%swap3A_350, %swap3A_351] {strides = array<i32>} : memref<1x64xi32, #tpu.memory_space<vmem>>, vector<16xi32>,
              tpu.vector_store %arg16[%swap3A_350, %swap3A_351], %select_n3A_348 {strides = array<i32>} : memref<1x64xi32, #tpu.memory_space<vmem>>, vector<16xi32>,
              %get3A_353 = arith.constant 48 : index
              %get3A_354 = tpu.vector_load %arg20[%get3A_353] {strides = array<i32>} : memref<80xi32, #tpu.memory_space<vmem>>, vector<16xi32>,
              %add3A_355 = arith.constant 48 : i32
              %add3A_356 = vector.broadcast %add3A_355 : i32 to vector<16xi32>
              %add3A_357 = arith.addi %iota3A, %add3A_356 : vector<16xi32>
              %lt3A_358 = arith.constant 64 : i32
              %lt3A_359 = vector.broadcast %lt3A_358 : i32 to vector<16xi32>
              %lt3A_360 = arith.cmpi slt, %add3A_357, %lt3A_359 : vector<16xi32>
              %jit3A_361 = arith.constant 0 : i32
              %broadcast_in_dim3A_362 = vector.broadcast %jit3A_361 : i32 to vector<16xi32>
              %select_n3A_363 = arith.select %lt3A_360, %get3A_354, %broadcast_in_dim3A_362 : vector<16xi1>, vector<16xi32>
              %swap3A_364 = arith.constant 0 : i32
              %swap3A_365 = arith.index_cast %swap3A_364 : i32 to index
              %swap3A_366 = arith.constant 48 : index
              %swap3A_367 = tpu.vector_load %arg16[%swap3A_365, %swap3A_366] {strides = array<i32>} : memref<1x64xi32, #tpu.memory_space<vmem>>, vector<16xi32>,
              tpu.vector_store %arg16[%swap3A_365, %swap3A_366], %select_n3A_363 {strides = array<i32>} : memref<1x64xi32, #tpu.memory_space<vmem>>, vector<16xi32>,
              %dma_start3A_368 = arith.constant 0 : i32
              %dma_start3A_369 = arith.constant 0 : i32
              %dma_start3A_370 = tpu.memref_slice %arg16[%dma_start3A_368, %dma_start3A_369] : memref<1x64xi32, #tpu.memory_space<vmem>> -> memref<1x64xi32, #tpu.memory_space<vmem>>
              %dma_start3A_371 = tpu.memref_squeeze %dma_start3A_370 : memref<1x64xi32, #tpu.memory_space<vmem>> -> memref<64xi32, #tpu.memory_space<vmem>>
              %dma_start3A_372 = arith.constant 0 : i32
              %dma_start3A_373 = arith.constant 0 : i32
              %dma_start3A_374 = tpu.memref_slice %arg5[%dma_start3A_372, %dma_start3A_373] : memref<10000x384xf32, #tpu.memory_space<hbm>> -> memref<10000x384xf32, #tpu.memory_space<hbm>>
              tpu.enqueue_indirect_dma source(%dma_start3A_374 : memref<10000x384xf32, #tpu.memory_space<hbm>>) target(%arg17 : memref<64x384xf32, #tpu.memory_space<vmem>>) offsets(%dma_start3A_371 : memref<64xi32, #tpu.memory_space<vmem>>) semaphore(%arg25 : memref<!tpu.dma_semaphore, #tpu.memory_space<semaphore_mem>>)
              %dma_wait3A_375 = arith.constant 0 : i32
              %dma_wait3A_376 = arith.constant 0 : i32
              %dma_wait3A_377 = tpu.memref_slice %arg16[%dma_wait3A_375, %dma_wait3A_376] : memref<1x64xi32, #tpu.memory_space<vmem>> -> memref<1x64xi32, #tpu.memory_space<vmem>>
              %dma_wait3A_378 = tpu.memref_squeeze %dma_wait3A_377 : memref<1x64xi32, #tpu.memory_space<vmem>> -> memref<64xi32, #tpu.memory_space<vmem>>
              %dma_wait3A_379 = arith.constant 0 : i32
              %dma_wait3A_380 = arith.constant 0 : i32
              %dma_wait3A_381 = tpu.memref_slice %arg5[%dma_wait3A_379, %dma_wait3A_380] : memref<10000x384xf32, #tpu.memory_space<hbm>> -> memref<10000x384xf32, #tpu.memory_space<hbm>>
              tpu.wait_indirect_dma semaphore(%arg25 : memref<!tpu.dma_semaphore, #tpu.memory_space<semaphore_mem>>) src(%dma_wait3A_381 : memref<10000x384xf32, #tpu.memory_space<hbm>>) dst(%arg17 : memref<64x384xf32, #tpu.memory_space<vmem>>)
              %scan3A_382 = arith.constant 64 : i32
              %scan3A_383 = arith.constant 0 : i32
              %scan3A_384 = arith.constant 64 : i32
              %scan3A_385 = arith.addi %scan3A_383, %scan3A_384 : i32
              %scan3A_386 = arith.constant 1 : i32
              scf.for %scan3A_396 = %scan3A_383 to %scan3A_385 step %scan3A_386  : i32 {
                %lt3A_397 = arith.cmpi slt, %scan3A_396, %scan3A_382 : i32
                %convert_element_type3A_398 = arith.extui %lt3A_397 : i1 to i32
                %cond3A_399 = arith.constant 0 : i32
                %cond3A_400 = arith.cmpi ne, %convert_element_type3A_398, %cond3A_399 : i32
                scf.if %cond3A_400 {
                  %broadcast_in_dim3A_401 = vector.broadcast %scan3A_396 : i32 to vector<16xi32>
                  %gather3A_402 = tpu.vector_load_idx %arg21[%broadcast_in_dim3A_401] : memref<80xi32, #tpu.memory_space<vmem>>[vector<16xi32>], vector<16xi32>,
                  %reduce_max3A_403 = arith.constant true
                  %reduce_max3A_404 = vector.broadcast %reduce_max3A_403 : i1 to vector<16xi1>
                  %reduce_max3A_405 = arith.constant -2147483648 : i32
                  %reduce_max3A_406 = vector.broadcast %reduce_max3A_405 : i32 to vector<16xi32>
                  %reduce_max3A_407 = arith.xori %gather3A_402, %reduce_max3A_406 : vector<16xi32>
                  %reduce_max3A_408 = tpu.scan <max>, %reduce_max3A_407 masked %reduce_max3A_404 : vector<16xi32>, vector<16xi1> -> vector<16xi32>
                  %reduce_max3A_409 = arith.xori %reduce_max3A_408, %reduce_max3A_406 : vector<16xi32>
                  %reduce_max3A_410 = vector.extract %reduce_max3A_409[15] : i32 from vector<16xi32>
                  %sub3A_411 = arith.subi %reduce_max3A_410, %add3A_75 : i32
                  %get3A_412 = arith.index_cast %scan3A_396 : i32 to index
                  %get3A_413 = arith.constant 0 : index
                  %get3A_414 = tpu.vector_load %arg17[%get3A_412, %get3A_413] {strides = array<i32>} : memref<64x384xf32, #tpu.memory_space<vmem>>, vector<16xf32>,
                  %swap3A_415 = arith.index_cast %sub3A_411 : i32 to index
                  %swap3A_416 = arith.constant 0 : index
                  %swap3A_417 = tpu.vector_load %arg19[%swap3A_415, %swap3A_416] {strides = array<i32>} : memref<144x384xf32, #tpu.memory_space<vmem>>, vector<16xf32>,
                  tpu.vector_store %arg19[%swap3A_415, %swap3A_416], %get3A_414 {add = true, strides = array<i32>} : memref<144x384xf32, #tpu.memory_space<vmem>>, vector<16xf32>,
                  %get3A_418 = arith.index_cast %scan3A_396 : i32 to index
                  %get3A_419 = arith.constant 16 : index
                  %get3A_420 = tpu.vector_load %arg17[%get3A_418, %get3A_419] {strides = array<i32>} : memref<64x384xf32, #tpu.memory_space<vmem>>, vector<16xf32>,
                  %swap3A_421 = arith.index_cast %sub3A_411 : i32 to index
                  %swap3A_422 = arith.constant 16 : index
                  %swap3A_423 = tpu.vector_load %arg19[%swap3A_421, %swap3A_422] {strides = array<i32>} : memref<144x384xf32, #tpu.memory_space<vmem>>, vector<16xf32>,
                  tpu.vector_store %arg19[%swap3A_421, %swap3A_422], %get3A_420 {add = true, strides = array<i32>} : memref<144x384xf32, #tpu.memory_space<vmem>>, vector<16xf32>,
                  %get3A_424 = arith.index_cast %scan3A_396 : i32 to index
                  %get3A_425 = arith.constant 32 : index
                  %get3A_426 = tpu.vector_load %arg17[%get3A_424, %get3A_425] {strides = array<i32>} : memref<64x384xf32, #tpu.memory_space<vmem>>, vector<16xf32>,
                  %swap3A_427 = arith.index_cast %sub3A_411 : i32 to index
                  %swap3A_428 = arith.constant 32 : index
                  %swap3A_429 = tpu.vector_load %arg19[%swap3A_427, %swap3A_428] {strides = array<i32>} : memref<144x384xf32, #tpu.memory_space<vmem>>, vector<16xf32>,
                  tpu.vector_store %arg19[%swap3A_427, %swap3A_428], %get3A_426 {add = true, strides = array<i32>} : memref<144x384xf32, #tpu.memory_space<vmem>>, vector<16xf32>,
                  %get3A_430 = arith.index_cast %scan3A_396 : i32 to index
                  %get3A_431 = arith.constant 48 : index
                  %get3A_432 = tpu.vector_load %arg17[%get3A_430, %get3A_431] {strides = array<i32>} : memref<64x384xf32, #tpu.memory_space<vmem>>, vector<16xf32>,
                  %swap3A_433 = arith.index_cast %sub3A_411 : i32 to index
                  %swap3A_434 = arith.constant 48 : index
                  %swap3A_435 = tpu.vector_load %arg19[%swap3A_433, %swap3A_434] {strides = array<i32>} : memref<144x384xf32, #tpu.memory_space<vmem>>, vector<16xf32>,
                  tpu.vector_store %arg19[%swap3A_433, %swap3A_434], %get3A_432 {add = true, strides = array<i32>} : memref<144x384xf32, #tpu.memory_space<vmem>>, vector<16xf32>,
                  %get3A_436 = arith.index_cast %scan3A_396 : i32 to index
                  %get3A_437 = arith.constant 64 : index
                  %get3A_438 = tpu.vector_load %arg17[%get3A_436, %get3A_437] {strides = array<i32>} : memref<64x384xf32, #tpu.memory_space<vmem>>, vector<16xf32>,
                  %swap3A_439 = arith.index_cast %sub3A_411 : i32 to index
                  %swap3A_440 = arith.constant 64 : index
                  %swap3A_441 = tpu.vector_load %arg19[%swap3A_439, %swap3A_440] {strides = array<i32>} : memref<144x384xf32, #tpu.memory_space<vmem>>, vector<16xf32>,
                  tpu.vector_store %arg19[%swap3A_439, %swap3A_440], %get3A_438 {add = true, strides = array<i32>} : memref<144x384xf32, #tpu.memory_space<vmem>>, vector<16xf32>,
                  %get3A_442 = arith.index_cast %scan3A_396 : i32 to index
                  %get3A_443 = arith.constant 80 : index
                  %get3A_444 = tpu.vector_load %arg17[%get3A_442, %get3A_443] {strides = array<i32>} : memref<64x384xf32, #tpu.memory_space<vmem>>, vector<16xf32>,
                  %swap3A_445 = arith.index_cast %sub3A_411 : i32 to index
                  %swap3A_446 = arith.constant 80 : index
                  %swap3A_447 = tpu.vector_load %arg19[%swap3A_445, %swap3A_446] {strides = array<i32>} : memref<144x384xf32, #tpu.memory_space<vmem>>, vector<16xf32>,
                  tpu.vector_store %arg19[%swap3A_445, %swap3A_446], %get3A_444 {add = true, strides = array<i32>} : memref<144x384xf32, #tpu.memory_space<vmem>>, vector<16xf32>,
                  %get3A_448 = arith.index_cast %scan3A_396 : i32 to index
                  %get3A_449 = arith.constant 96 : index
                  %get3A_450 = tpu.vector_load %arg17[%get3A_448, %get3A_449] {strides = array<i32>} : memref<64x384xf32, #tpu.memory_space<vmem>>, vector<16xf32>,
                  %swap3A_451 = arith.index_cast %sub3A_411 : i32 to index
                  %swap3A_452 = arith.constant 96 : index
                  %swap3A_453 = tpu.vector_load %arg19[%swap3A_451, %swap3A_452] {strides = array<i32>} : memref<144x384xf32, #tpu.memory_space<vmem>>, vector<16xf32>,
                  tpu.vector_store %arg19[%swap3A_451, %swap3A_452], %get3A_450 {add = true, strides = array<i32>} : memref<144x384xf32, #tpu.memory_space<vmem>>, vector<16xf32>,
                  %get3A_454 = arith.index_cast %scan3A_396 : i32 to index
                  %get3A_455 = arith.constant 112 : index
                  %get3A_456 = tpu.vector_load %arg17[%get3A_454, %get3A_455] {strides = array<i32>} : memref<64x384xf32, #tpu.memory_space<vmem>>, vector<16xf32>,
                  %swap3A_457 = arith.index_cast %sub3A_411 : i32 to index
                  %swap3A_458 = arith.constant 112 : index
                  %swap3A_459 = tpu.vector_load %arg19[%swap3A_457, %swap3A_458] {strides = array<i32>} : memref<144x384xf32, #tpu.memory_space<vmem>>, vector<16xf32>,
                  tpu.vector_store %arg19[%swap3A_457, %swap3A_458], %get3A_456 {add = true, strides = array<i32>} : memref<144x384xf32, #tpu.memory_space<vmem>>, vector<16xf32>,
                  %get3A_460 = arith.index_cast %scan3A_396 : i32 to index
                  %get3A_461 = arith.constant 128 : index
                  %get3A_462 = tpu.vector_load %arg17[%get3A_460, %get3A_461] {strides = array<i32>} : memref<64x384xf32, #tpu.memory_space<vmem>>, vector<16xf32>,
                  %swap3A_463 = arith.index_cast %sub3A_411 : i32 to index
                  %swap3A_464 = arith.constant 128 : index
                  %swap3A_465 = tpu.vector_load %arg19[%swap3A_463, %swap3A_464] {strides = array<i32>} : memref<144x384xf32, #tpu.memory_space<vmem>>, vector<16xf32>,
                  tpu.vector_store %arg19[%swap3A_463, %swap3A_464], %get3A_462 {add = true, strides = array<i32>} : memref<144x384xf32, #tpu.memory_space<vmem>>, vector<16xf32>,
                  %get3A_466 = arith.index_cast %scan3A_396 : i32 to index
                  %get3A_467 = arith.constant 144 : index
                  %get3A_468 = tpu.vector_load %arg17[%get3A_466, %get3A_467] {strides = array<i32>} : memref<64x384xf32, #tpu.memory_space<vmem>>, vector<16xf32>,
                  %swap3A_469 = arith.index_cast %sub3A_411 : i32 to index
                  %swap3A_470 = arith.constant 144 : index
                  %swap3A_471 = tpu.vector_load %arg19[%swap3A_469, %swap3A_470] {strides = array<i32>} : memref<144x384xf32, #tpu.memory_space<vmem>>, vector<16xf32>,
                  tpu.vector_store %arg19[%swap3A_469, %swap3A_470], %get3A_468 {add = true, strides = array<i32>} : memref<144x384xf32, #tpu.memory_space<vmem>>, vector<16xf32>,
                  %get3A_472 = arith.index_cast %scan3A_396 : i32 to index
                  %get3A_473 = arith.constant 160 : index
                  %get3A_474 = tpu.vector_load %arg17[%get3A_472, %get3A_473] {strides = array<i32>} : memref<64x384xf32, #tpu.memory_space<vmem>>, vector<16xf32>,
                  %swap3A_475 = arith.index_cast %sub3A_411 : i32 to index
                  %swap3A_476 = arith.constant 160 : index
                  %swap3A_477 = tpu.vector_load %arg19[%swap3A_475, %swap3A_476] {strides = array<i32>} : memref<144x384xf32, #tpu.memory_space<vmem>>, vector<16xf32>,
                  tpu.vector_store %arg19[%swap3A_475, %swap3A_476], %get3A_474 {add = true, strides = array<i32>} : memref<144x384xf32, #tpu.memory_space<vmem>>, vector<16xf32>,
                  %get3A_478 = arith.index_cast %scan3A_396 : i32 to index
                  %get3A_479 = arith.constant 176 : index
                  %get3A_480 = tpu.vector_load %arg17[%get3A_478, %get3A_479] {strides = array<i32>} : memref<64x384xf32, #tpu.memory_space<vmem>>, vector<16xf32>,
                  %swap3A_481 = arith.index_cast %sub3A_411 : i32 to index
                  %swap3A_482 = arith.constant 176 : index
                  %swap3A_483 = tpu.vector_load %arg19[%swap3A_481, %swap3A_482] {strides = array<i32>} : memref<144x384xf32, #tpu.memory_space<vmem>>, vector<16xf32>,
                  tpu.vector_store %arg19[%swap3A_481, %swap3A_482], %get3A_480 {add = true, strides = array<i32>} : memref<144x384xf32, #tpu.memory_space<vmem>>, vector<16xf32>,
                  %get3A_484 = arith.index_cast %scan3A_396 : i32 to index
                  %get3A_485 = arith.constant 192 : index
                  %get3A_486 = tpu.vector_load %arg17[%get3A_484, %get3A_485] {strides = array<i32>} : memref<64x384xf32, #tpu.memory_space<vmem>>, vector<16xf32>,
                  %swap3A_487 = arith.index_cast %sub3A_411 : i32 to index
                  %swap3A_488 = arith.constant 192 : index
                  %swap3A_489 = tpu.vector_load %arg19[%swap3A_487, %swap3A_488] {strides = array<i32>} : memref<144x384xf32, #tpu.memory_space<vmem>>, vector<16xf32>,
                  tpu.vector_store %arg19[%swap3A_487, %swap3A_488], %get3A_486 {add = true, strides = array<i32>} : memref<144x384xf32, #tpu.memory_space<vmem>>, vector<16xf32>,
                  %get3A_490 = arith.index_cast %scan3A_396 : i32 to index
                  %get3A_491 = arith.constant 208 : index
                  %get3A_492 = tpu.vector_load %arg17[%get3A_490, %get3A_491] {strides = array<i32>} : memref<64x384xf32, #tpu.memory_space<vmem>>, vector<16xf32>,
                  %swap3A_493 = arith.index_cast %sub3A_411 : i32 to index
                  %swap3A_494 = arith.constant 208 : index
                  %swap3A_495 = tpu.vector_load %arg19[%swap3A_493, %swap3A_494] {strides = array<i32>} : memref<144x384xf32, #tpu.memory_space<vmem>>, vector<16xf32>,
                  tpu.vector_store %arg19[%swap3A_493, %swap3A_494], %get3A_492 {add = true, strides = array<i32>} : memref<144x384xf32, #tpu.memory_space<vmem>>, vector<16xf32>,
                  %get3A_496 = arith.index_cast %scan3A_396 : i32 to index
                  %get3A_497 = arith.constant 224 : index
                  %get3A_498 = tpu.vector_load %arg17[%get3A_496, %get3A_497] {strides = array<i32>} : memref<64x384xf32, #tpu.memory_space<vmem>>, vector<16xf32>,
                  %swap3A_499 = arith.index_cast %sub3A_411 : i32 to index
                  %swap3A_500 = arith.constant 224 : index
                  %swap3A_501 = tpu.vector_load %arg19[%swap3A_499, %swap3A_500] {strides = array<i32>} : memref<144x384xf32, #tpu.memory_space<vmem>>, vector<16xf32>,
                  tpu.vector_store %arg19[%swap3A_499, %swap3A_500], %get3A_498 {add = true, strides = array<i32>} : memref<144x384xf32, #tpu.memory_space<vmem>>, vector<16xf32>,
                  %get3A_502 = arith.index_cast %scan3A_396 : i32 to index
                  %get3A_503 = arith.constant 240 : index
                  %get3A_504 = tpu.vector_load %arg17[%get3A_502, %get3A_503] {strides = array<i32>} : memref<64x384xf32, #tpu.memory_space<vmem>>, vector<16xf32>,
                  %swap3A_505 = arith.index_cast %sub3A_411 : i32 to index
                  %swap3A_506 = arith.constant 240 : index
                  %swap3A_507 = tpu.vector_load %arg19[%swap3A_505, %swap3A_506] {strides = array<i32>} : memref<144x384xf32, #tpu.memory_space<vmem>>, vector<16xf32>,
                  tpu.vector_store %arg19[%swap3A_505, %swap3A_506], %get3A_504 {add = true, strides = array<i32>} : memref<144x384xf32, #tpu.memory_space<vmem>>, vector<16xf32>,
                  %get3A_508 = arith.index_cast %scan3A_396 : i32 to index
                  %get3A_509 = arith.constant 256 : index
                  %get3A_510 = tpu.vector_load %arg17[%get3A_508, %get3A_509] {strides = array<i32>} : memref<64x384xf32, #tpu.memory_space<vmem>>, vector<16xf32>,
                  %swap3A_511 = arith.index_cast %sub3A_411 : i32 to index
                  %swap3A_512 = arith.constant 256 : index
                  %swap3A_513 = tpu.vector_load %arg19[%swap3A_511, %swap3A_512] {strides = array<i32>} : memref<144x384xf32, #tpu.memory_space<vmem>>, vector<16xf32>,
                  tpu.vector_store %arg19[%swap3A_511, %swap3A_512], %get3A_510 {add = true, strides = array<i32>} : memref<144x384xf32, #tpu.memory_space<vmem>>, vector<16xf32>,
                  %get3A_514 = arith.index_cast %scan3A_396 : i32 to index
                  %get3A_515 = arith.constant 272 : index
                  %get3A_516 = tpu.vector_load %arg17[%get3A_514, %get3A_515] {strides = array<i32>} : memref<64x384xf32, #tpu.memory_space<vmem>>, vector<16xf32>,
                  %swap3A_517 = arith.index_cast %sub3A_411 : i32 to index
                  %swap3A_518 = arith.constant 272 : index
                  %swap3A_519 = tpu.vector_load %arg19[%swap3A_517, %swap3A_518] {strides = array<i32>} : memref<144x384xf32, #tpu.memory_space<vmem>>, vector<16xf32>,
                  tpu.vector_store %arg19[%swap3A_517, %swap3A_518], %get3A_516 {add = true, strides = array<i32>} : memref<144x384xf32, #tpu.memory_space<vmem>>, vector<16xf32>,
                  %get3A_520 = arith.index_cast %scan3A_396 : i32 to index
                  %get3A_521 = arith.constant 288 : index
                  %get3A_522 = tpu.vector_load %arg17[%get3A_520, %get3A_521] {strides = array<i32>} : memref<64x384xf32, #tpu.memory_space<vmem>>, vector<16xf32>,
                  %swap3A_523 = arith.index_cast %sub3A_411 : i32 to index
                  %swap3A_524 = arith.constant 288 : index
                  %swap3A_525 = tpu.vector_load %arg19[%swap3A_523, %swap3A_524] {strides = array<i32>} : memref<144x384xf32, #tpu.memory_space<vmem>>, vector<16xf32>,
                  tpu.vector_store %arg19[%swap3A_523, %swap3A_524], %get3A_522 {add = true, strides = array<i32>} : memref<144x384xf32, #tpu.memory_space<vmem>>, vector<16xf32>,
                  %get3A_526 = arith.index_cast %scan3A_396 : i32 to index
                  %get3A_527 = arith.constant 304 : index
                  %get3A_528 = tpu.vector_load %arg17[%get3A_526, %get3A_527] {strides = array<i32>} : memref<64x384xf32, #tpu.memory_space<vmem>>, vector<16xf32>,
                  %swap3A_529 = arith.index_cast %sub3A_411 : i32 to index
                  %swap3A_530 = arith.constant 304 : index
                  %swap3A_531 = tpu.vector_load %arg19[%swap3A_529, %swap3A_530] {strides = array<i32>} : memref<144x384xf32, #tpu.memory_space<vmem>>, vector<16xf32>,
                  tpu.vector_store %arg19[%swap3A_529, %swap3A_530], %get3A_528 {add = true, strides = array<i32>} : memref<144x384xf32, #tpu.memory_space<vmem>>, vector<16xf32>,
                  %get3A_532 = arith.index_cast %scan3A_396 : i32 to index
                  %get3A_533 = arith.constant 320 : index
                  %get3A_534 = tpu.vector_load %arg17[%get3A_532, %get3A_533] {strides = array<i32>} : memref<64x384xf32, #tpu.memory_space<vmem>>, vector<16xf32>,
                  %swap3A_535 = arith.index_cast %sub3A_411 : i32 to index
                  %swap3A_536 = arith.constant 320 : index
                  %swap3A_537 = tpu.vector_load %arg19[%swap3A_535, %swap3A_536] {strides = array<i32>} : memref<144x384xf32, #tpu.memory_space<vmem>>, vector<16xf32>,
                  tpu.vector_store %arg19[%swap3A_535, %swap3A_536], %get3A_534 {add = true, strides = array<i32>} : memref<144x384xf32, #tpu.memory_space<vmem>>, vector<16xf32>,
                  %get3A_538 = arith.index_cast %scan3A_396 : i32 to index
                  %get3A_539 = arith.constant 336 : index
                  %get3A_540 = tpu.vector_load %arg17[%get3A_538, %get3A_539] {strides = array<i32>} : memref<64x384xf32, #tpu.memory_space<vmem>>, vector<16xf32>,
                  %swap3A_541 = arith.index_cast %sub3A_411 : i32 to index
                  %swap3A_542 = arith.constant 336 : index
                  %swap3A_543 = tpu.vector_load %arg19[%swap3A_541, %swap3A_542] {strides = array<i32>} : memref<144x384xf32, #tpu.memory_space<vmem>>, vector<16xf32>,
                  tpu.vector_store %arg19[%swap3A_541, %swap3A_542], %get3A_540 {add = true, strides = array<i32>} : memref<144x384xf32, #tpu.memory_space<vmem>>, vector<16xf32>,
                  %get3A_544 = arith.index_cast %scan3A_396 : i32 to index
                  %get3A_545 = arith.constant 352 : index
                  %get3A_546 = tpu.vector_load %arg17[%get3A_544, %get3A_545] {strides = array<i32>} : memref<64x384xf32, #tpu.memory_space<vmem>>, vector<16xf32>,
                  %swap3A_547 = arith.index_cast %sub3A_411 : i32 to index
                  %swap3A_548 = arith.constant 352 : index
                  %swap3A_549 = tpu.vector_load %arg19[%swap3A_547, %swap3A_548] {strides = array<i32>} : memref<144x384xf32, #tpu.memory_space<vmem>>, vector<16xf32>,
                  tpu.vector_store %arg19[%swap3A_547, %swap3A_548], %get3A_546 {add = true, strides = array<i32>} : memref<144x384xf32, #tpu.memory_space<vmem>>, vector<16xf32>,
                  %get3A_550 = arith.index_cast %scan3A_396 : i32 to index
                  %get3A_551 = arith.constant 368 : index
                  %get3A_552 = tpu.vector_load %arg17[%get3A_550, %get3A_551] {strides = array<i32>} : memref<64x384xf32, #tpu.memory_space<vmem>>, vector<16xf32>,
                  %swap3A_553 = arith.index_cast %sub3A_411 : i32 to index
                  %swap3A_554 = arith.constant 368 : index
                  %swap3A_555 = tpu.vector_load %arg19[%swap3A_553, %swap3A_554] {strides = array<i32>} : memref<144x384xf32, #tpu.memory_space<vmem>>, vector<16xf32>,
                  tpu.vector_store %arg19[%swap3A_553, %swap3A_554], %get3A_552 {add = true, strides = array<i32>} : memref<144x384xf32, #tpu.memory_space<vmem>>, vector<16xf32>,
                } else {
                }
              }
              %scan3A_387 = arith.constant 64 : i32
              %get3A_388 = arith.constant 64 : index
              %get3A_389 = tpu.vector_load %arg20[%get3A_388] {strides = array<i32>} : memref<80xi32, #tpu.memory_space<vmem>>, vector<16xi32>,
              %swap3A_390 = arith.constant 0 : index
              %swap3A_391 = tpu.vector_load %arg20[%swap3A_390] {strides = array<i32>} : memref<80xi32, #tpu.memory_space<vmem>>, vector<16xi32>,
              tpu.vector_store %arg20[%swap3A_390], %get3A_389 {strides = array<i32>} : memref<80xi32, #tpu.memory_space<vmem>>, vector<16xi32>,
              %get3A_392 = arith.constant 64 : index
              %get3A_393 = tpu.vector_load %arg21[%get3A_392] {strides = array<i32>} : memref<80xi32, #tpu.memory_space<vmem>>, vector<16xi32>,
              %swap3A_394 = arith.constant 0 : index
              %swap3A_395 = tpu.vector_load %arg21[%swap3A_394] {strides = array<i32>} : memref<80xi32, #tpu.memory_space<vmem>>, vector<16xi32>,
              tpu.vector_store %arg21[%swap3A_394], %get3A_393 {strides = array<i32>} : memref<80xi32, #tpu.memory_space<vmem>>, vector<16xi32>,
            } else {
            }
            %ge3A_303 = arith.constant 64 : i32
            %ge3A_304 = arith.cmpi sge, %add3A_299, %ge3A_303 : i32
            %sub3A_305 = arith.constant 64 : i32
            %sub3A_306 = arith.subi %add3A_299, %sub3A_305 : i32
            %select_n3A_307 = arith.select %ge3A_304, %sub3A_306, %add3A_299 : i32
            scf.yield %select_n3A_307 : i32
          }
          %while3A_262 = arith.constant 1 : i32
          %while3A_263 = scf.for %while3A_264 = %while3A_259 to %while3A_255 step %while3A_262 iter_args(%while3A_265 = %while3A_261) -> (i32)  : i32 {
            %mul3A_266 = arith.constant 16 : i32
            %mul3A_267 = arith.muli %while3A_264, %mul3A_266 : i32
            %get3A_268 = arith.index_cast %mul3A_267 : i32 to index
            %get3A_269 = tpu.vector_load %arg14[%get3A_268] {strides = array<i32>} : memref<10240xi32, #tpu.memory_space<vmem>>, vector<16xi32>,
            %mul3A_270 = arith.constant 16 : i32
            %mul3A_271 = arith.muli %while3A_264, %mul3A_270 : i32
            %get3A_272 = arith.index_cast %mul3A_271 : i32 to index
            %get3A_273 = tpu.vector_load %arg15[%get3A_272] {strides = array<i32>} : memref<10240xi32, #tpu.memory_space<vmem>>, vector<16xi32>,
            %mul3A_274 = arith.constant 16 : i32
            %mul3A_275 = arith.muli %while3A_264, %mul3A_274 : i32
            %add3A_276 = vector.broadcast %mul3A_275 : i32 to vector<16xi32>
            %add3A_277 = arith.addi %add3A_276, %iota3A : vector<16xi32>
            %lt3A_278 = vector.broadcast %sub3A_225 : i32 to vector<16xi32>
            %lt3A_279 = arith.cmpi slt, %add3A_277, %lt3A_278 : vector<16xi32>
            %ge3A = vector.broadcast %add3A_75 : i32 to vector<16xi32>
            %ge3A_280 = arith.cmpi sge, %get3A_273, %ge3A : vector<16xi32>
            %add3A_281 = arith.constant 144 : i32
            %add3A_282 = arith.addi %add3A_75, %add3A_281 : i32
            %lt3A_283 = vector.broadcast %add3A_282 : i32 to vector<16xi32>
            %lt3A_284 = arith.cmpi slt, %get3A_273, %lt3A_283 : vector<16xi32>
            %and3A_285 = arith.andi %ge3A_280, %lt3A_284 : vector<16xi1>
            %and3A_286 = arith.andi %lt3A_279, %and3A_285 : vector<16xi1>
            %swap3A_287 = arith.index_cast %while3A_265 : i32 to index
            %swap3A_288 = tpu.vector_load %arg20[%swap3A_287] masked %and3A_286 {strides = array<i32>} : memref<80xi32, #tpu.memory_space<vmem>>, vector<16xi32>, vector<16xi1>
            tpu.vector_store %arg20[%swap3A_287], %get3A_269 masked %and3A_286 {strides = array<i32>} : memref<80xi32, #tpu.memory_space<vmem>>, vector<16xi32>, vector<16xi1>
            %swap3A_289 = arith.index_cast %while3A_265 : i32 to index
            %swap3A_290 = tpu.vector_load %arg21[%swap3A_289] masked %and3A_286 {strides = array<i32>} : memref<80xi32, #tpu.memory_space<vmem>>, vector<16xi32>, vector<16xi1>
            tpu.vector_store %arg21[%swap3A_289], %get3A_273 masked %and3A_286 {strides = array<i32>} : memref<80xi32, #tpu.memory_space<vmem>>, vector<16xi32>, vector<16xi1>
            %all_reduce_population_count3A = tpu.all_reduce %and3A_286 {dim = 0 : i64, kind = #tpu.reduction_kind<sum>} : vector<16xi1> -> vector<16xi32>
            %reduce_max3A_291 = arith.constant true
            %reduce_max3A_292 = vector.broadcast %reduce_max3A_291 : i1 to vector<16xi1>
            %reduce_max3A_293 = arith.constant -2147483648 : i32
            %reduce_max3A_294 = vector.broadcast %reduce_max3A_293 : i32 to vector<16xi32>
            %reduce_max3A_295 = arith.xori %all_reduce_population_count3A, %reduce_max3A_294 : vector<16xi32>
            %reduce_max3A_296 = tpu.scan <max>, %reduce_max3A_295 masked %reduce_max3A_292 : vector<16xi32>, vector<16xi1> -> vector<16xi32>
            %reduce_max3A_297 = arith.xori %reduce_max3A_296, %reduce_max3A_294 : vector<16xi32>
            %reduce_max3A_298 = vector.extract %reduce_max3A_297[15] : i32 from vector<16xi32>
            %add3A_299 = arith.addi %while3A_265, %reduce_max3A_298 : i32
            %ge3A_300 = arith.constant 64 : i32
            %ge3A_301 = arith.cmpi sge, %add3A_299, %ge3A_300 : i32
            %convert_element_type3A = arith.extui %ge3A_301 : i1 to i32
            %cond3A = arith.constant 0 : i32
            %cond3A_302 = arith.cmpi ne, %convert_element_type3A, %cond3A : i32
            scf.if %cond3A_302 {
              %get3A_308 = arith.constant 0 : index
              %get3A_309 = tpu.vector_load %arg20[%get3A_308] {strides = array<i32>} : memref<80xi32, #tpu.memory_space<vmem>>, vector<16xi32>,
              %add3A_310 = arith.constant 0 : i32
              %add3A_311 = vector.broadcast %add3A_310 : i32 to vector<16xi32>
              %add3A_312 = arith.addi %iota3A, %add3A_311 : vector<16xi32>
              %lt3A_313 = arith.constant 64 : i32
              %lt3A_314 = vector.broadcast %lt3A_313 : i32 to vector<16xi32>
              %lt3A_315 = arith.cmpi slt, %add3A_312, %lt3A_314 : vector<16xi32>
              %jit3A_316 = arith.constant 0 : i32
              %broadcast_in_dim3A_317 = vector.broadcast %jit3A_316 : i32 to vector<16xi32>
              %select_n3A_318 = arith.select %lt3A_315, %get3A_309, %broadcast_in_dim3A_317 : vector<16xi1>, vector<16xi32>
              %swap3A_319 = arith.constant 0 : i32
              %swap3A_320 = arith.index_cast %swap3A_319 : i32 to index
              %swap3A_321 = arith.constant 0 : index
              %swap3A_322 = tpu.vector_load %arg16[%swap3A_320, %swap3A_321] {strides = array<i32>} : memref<1x64xi32, #tpu.memory_space<vmem>>, vector<16xi32>,
              tpu.vector_store %arg16[%swap3A_320, %swap3A_321], %select_n3A_318 {strides = array<i32>} : memref<1x64xi32, #tpu.memory_space<vmem>>, vector<16xi32>,
              %get3A_323 = arith.constant 16 : index
              %get3A_324 = tpu.vector_load %arg20[%get3A_323] {strides = array<i32>} : memref<80xi32, #tpu.memory_space<vmem>>, vector<16xi32>,
              %add3A_325 = arith.constant 16 : i32
              %add3A_326 = vector.broadcast %add3A_325 : i32 to vector<16xi32>
              %add3A_327 = arith.addi %iota3A, %add3A_326 : vector<16xi32>
              %lt3A_328 = arith.constant 64 : i32
              %lt3A_329 = vector.broadcast %lt3A_328 : i32 to vector<16xi32>
              %lt3A_330 = arith.cmpi slt, %add3A_327, %lt3A_329 : vector<16xi32>
              %jit3A_331 = arith.constant 0 : i32
              %broadcast_in_dim3A_332 = vector.broadcast %jit3A_331 : i32 to vector<16xi32>
              %select_n3A_333 = arith.select %lt3A_330, %get3A_324, %broadcast_in_dim3A_332 : vector<16xi1>, vector<16xi32>
              %swap3A_334 = arith.constant 0 : i32
              %swap3A_335 = arith.index_cast %swap3A_334 : i32 to index
              %swap3A_336 = arith.constant 16 : index
              %swap3A_337 = tpu.vector_load %arg16[%swap3A_335, %swap3A_336] {strides = array<i32>} : memref<1x64xi32, #tpu.memory_space<vmem>>, vector<16xi32>,
              tpu.vector_store %arg16[%swap3A_335, %swap3A_336], %select_n3A_333 {strides = array<i32>} : memref<1x64xi32, #tpu.memory_space<vmem>>, vector<16xi32>,
              %get3A_338 = arith.constant 32 : index
              %get3A_339 = tpu.vector_load %arg20[%get3A_338] {strides = array<i32>} : memref<80xi32, #tpu.memory_space<vmem>>, vector<16xi32>,
              %add3A_340 = arith.constant 32 : i32
              %add3A_341 = vector.broadcast %add3A_340 : i32 to vector<16xi32>
              %add3A_342 = arith.addi %iota3A, %add3A_341 : vector<16xi32>
              %lt3A_343 = arith.constant 64 : i32
              %lt3A_344 = vector.broadcast %lt3A_343 : i32 to vector<16xi32>
              %lt3A_345 = arith.cmpi slt, %add3A_342, %lt3A_344 : vector<16xi32>
              %jit3A_346 = arith.constant 0 : i32
              %broadcast_in_dim3A_347 = vector.broadcast %jit3A_346 : i32 to vector<16xi32>
              %select_n3A_348 = arith.select %lt3A_345, %get3A_339, %broadcast_in_dim3A_347 : vector<16xi1>, vector<16xi32>
              %swap3A_349 = arith.constant 0 : i32
              %swap3A_350 = arith.index_cast %swap3A_349 : i32 to index
              %swap3A_351 = arith.constant 32 : index
              %swap3A_352 = tpu.vector_load %arg16[%swap3A_350, %swap3A_351] {strides = array<i32>} : memref<1x64xi32, #tpu.memory_space<vmem>>, vector<16xi32>,
              tpu.vector_store %arg16[%swap3A_350, %swap3A_351], %select_n3A_348 {strides = array<i32>} : memref<1x64xi32, #tpu.memory_space<vmem>>, vector<16xi32>,
              %get3A_353 = arith.constant 48 : index
              %get3A_354 = tpu.vector_load %arg20[%get3A_353] {strides = array<i32>} : memref<80xi32, #tpu.memory_space<vmem>>, vector<16xi32>,
              %add3A_355 = arith.constant 48 : i32
              %add3A_356 = vector.broadcast %add3A_355 : i32 to vector<16xi32>
              %add3A_357 = arith.addi %iota3A, %add3A_356 : vector<16xi32>
              %lt3A_358 = arith.constant 64 : i32
              %lt3A_359 = vector.broadcast %lt3A_358 : i32 to vector<16xi32>
              %lt3A_360 = arith.cmpi slt, %add3A_357, %lt3A_359 : vector<16xi32>
              %jit3A_361 = arith.constant 0 : i32
              %broadcast_in_dim3A_362 = vector.broadcast %jit3A_361 : i32 to vector<16xi32>
              %select_n3A_363 = arith.select %lt3A_360, %get3A_354, %broadcast_in_dim3A_362 : vector<16xi1>, vector<16xi32>
              %swap3A_364 = arith.constant 0 : i32
              %swap3A_365 = arith.index_cast %swap3A_364 : i32 to index
              %swap3A_366 = arith.constant 48 : index
              %swap3A_367 = tpu.vector_load %arg16[%swap3A_365, %swap3A_366] {strides = array<i32>} : memref<1x64xi32, #tpu.memory_space<vmem>>, vector<16xi32>,
              tpu.vector_store %arg16[%swap3A_365, %swap3A_366], %select_n3A_363 {strides = array<i32>} : memref<1x64xi32, #tpu.memory_space<vmem>>, vector<16xi32>,
              %dma_start3A_368 = arith.constant 0 : i32
              %dma_start3A_369 = arith.constant 0 : i32
              %dma_start3A_370 = tpu.memref_slice %arg16[%dma_start3A_368, %dma_start3A_369] : memref<1x64xi32, #tpu.memory_space<vmem>> -> memref<1x64xi32, #tpu.memory_space<vmem>>
              %dma_start3A_371 = tpu.memref_squeeze %dma_start3A_370 : memref<1x64xi32, #tpu.memory_space<vmem>> -> memref<64xi32, #tpu.memory_space<vmem>>
              %dma_start3A_372 = arith.constant 0 : i32
              %dma_start3A_373 = arith.constant 0 : i32
              %dma_start3A_374 = tpu.memref_slice %arg5[%dma_start3A_372, %dma_start3A_373] : memref<10000x384xf32, #tpu.memory_space<hbm>> -> memref<10000x384xf32, #tpu.memory_space<hbm>>
              tpu.enqueue_indirect_dma source(%dma_start3A_374 : memref<10000x384xf32, #tpu.memory_space<hbm>>) target(%arg17 : memref<64x384xf32, #tpu.memory_space<vmem>>) offsets(%dma_start3A_371 : memref<64xi32, #tpu.memory_space<vmem>>) semaphore(%arg25 : memref<!tpu.dma_semaphore, #tpu.memory_space<semaphore_mem>>)
              %dma_wait3A_375 = arith.constant 0 : i32
              %dma_wait3A_376 = arith.constant 0 : i32
              %dma_wait3A_377 = tpu.memref_slice %arg16[%dma_wait3A_375, %dma_wait3A_376] : memref<1x64xi32, #tpu.memory_space<vmem>> -> memref<1x64xi32, #tpu.memory_space<vmem>>
              %dma_wait3A_378 = tpu.memref_squeeze %dma_wait3A_377 : memref<1x64xi32, #tpu.memory_space<vmem>> -> memref<64xi32, #tpu.memory_space<vmem>>
              %dma_wait3A_379 = arith.constant 0 : i32
              %dma_wait3A_380 = arith.constant 0 : i32
              %dma_wait3A_381 = tpu.memref_slice %arg5[%dma_wait3A_379, %dma_wait3A_380] : memref<10000x384xf32, #tpu.memory_space<hbm>> -> memref<10000x384xf32, #tpu.memory_space<hbm>>
              tpu.wait_indirect_dma semaphore(%arg25 : memref<!tpu.dma_semaphore, #tpu.memory_space<semaphore_mem>>) src(%dma_wait3A_381 : memref<10000x384xf32, #tpu.memory_space<hbm>>) dst(%arg17 : memref<64x384xf32, #tpu.memory_space<vmem>>)
              %scan3A_382 = arith.constant 64 : i32
              %scan3A_383 = arith.constant 0 : i32
              %scan3A_384 = arith.constant 64 : i32
              %scan3A_385 = arith.addi %scan3A_383, %scan3A_384 : i32
              %scan3A_386 = arith.constant 1 : i32
              scf.for %scan3A_396 = %scan3A_383 to %scan3A_385 step %scan3A_386  : i32 {
                %lt3A_397 = arith.cmpi slt, %scan3A_396, %scan3A_382 : i32
                %convert_element_type3A_398 = arith.extui %lt3A_397 : i1 to i32
                %cond3A_399 = arith.constant 0 : i32
                %cond3A_400 = arith.cmpi ne, %convert_element_type3A_398, %cond3A_399 : i32
                scf.if %cond3A_400 {
                  %broadcast_in_dim3A_401 = vector.broadcast %scan3A_396 : i32 to vector<16xi32>
                  %gather3A_402 = tpu.vector_load_idx %arg21[%broadcast_in_dim3A_401] : memref<80xi32, #tpu.memory_space<vmem>>[vector<16xi32>], vector<16xi32>,
                  %reduce_max3A_403 = arith.constant true
                  %reduce_max3A_404 = vector.broadcast %reduce_max3A_403 : i1 to vector<16xi1>
                  %reduce_max3A_405 = arith.constant -2147483648 : i32
                  %reduce_max3A_406 = vector.broadcast %reduce_max3A_405 : i32 to vector<16xi32>
                  %reduce_max3A_407 = arith.xori %gather3A_402, %reduce_max3A_406 : vector<16xi32>
                  %reduce_max3A_408 = tpu.scan <max>, %reduce_max3A_407 masked %reduce_max3A_404 : vector<16xi32>, vector<16xi1> -> vector<16xi32>
                  %reduce_max3A_409 = arith.xori %reduce_max3A_408, %reduce_max3A_406 : vector<16xi32>
                  %reduce_max3A_410 = vector.extract %reduce_max3A_409[15] : i32 from vector<16xi32>
                  %sub3A_411 = arith.subi %reduce_max3A_410, %add3A_75 : i32
                  %get3A_412 = arith.index_cast %scan3A_396 : i32 to index
                  %get3A_413 = arith.constant 0 : index
                  %get3A_414 = tpu.vector_load %arg17[%get3A_412, %get3A_413] {strides = array<i32>} : memref<64x384xf32, #tpu.memory_space<vmem>>, vector<16xf32>,
                  %swap3A_415 = arith.index_cast %sub3A_411 : i32 to index
                  %swap3A_416 = arith.constant 0 : index
                  %swap3A_417 = tpu.vector_load %arg19[%swap3A_415, %swap3A_416] {strides = array<i32>} : memref<144x384xf32, #tpu.memory_space<vmem>>, vector<16xf32>,
                  tpu.vector_store %arg19[%swap3A_415, %swap3A_416], %get3A_414 {add = true, strides = array<i32>} : memref<144x384xf32, #tpu.memory_space<vmem>>, vector<16xf32>,
                  %get3A_418 = arith.index_cast %scan3A_396 : i32 to index
                  %get3A_419 = arith.constant 16 : index
                  %get3A_420 = tpu.vector_load %arg17[%get3A_418, %get3A_419] {strides = array<i32>} : memref<64x384xf32, #tpu.memory_space<vmem>>, vector<16xf32>,
                  %swap3A_421 = arith.index_cast %sub3A_411 : i32 to index
                  %swap3A_422 = arith.constant 16 : index
                  %swap3A_423 = tpu.vector_load %arg19[%swap3A_421, %swap3A_422] {strides = array<i32>} : memref<144x384xf32, #tpu.memory_space<vmem>>, vector<16xf32>,
                  tpu.vector_store %arg19[%swap3A_421, %swap3A_422], %get3A_420 {add = true, strides = array<i32>} : memref<144x384xf32, #tpu.memory_space<vmem>>, vector<16xf32>,
                  %get3A_424 = arith.index_cast %scan3A_396 : i32 to index
                  %get3A_425 = arith.constant 32 : index
                  %get3A_426 = tpu.vector_load %arg17[%get3A_424, %get3A_425] {strides = array<i32>} : memref<64x384xf32, #tpu.memory_space<vmem>>, vector<16xf32>,
                  %swap3A_427 = arith.index_cast %sub3A_411 : i32 to index
                  %swap3A_428 = arith.constant 32 : index
                  %swap3A_429 = tpu.vector_load %arg19[%swap3A_427, %swap3A_428] {strides = array<i32>} : memref<144x384xf32, #tpu.memory_space<vmem>>, vector<16xf32>,
                  tpu.vector_store %arg19[%swap3A_427, %swap3A_428], %get3A_426 {add = true, strides = array<i32>} : memref<144x384xf32, #tpu.memory_space<vmem>>, vector<16xf32>,
                  %get3A_430 = arith.index_cast %scan3A_396 : i32 to index
                  %get3A_431 = arith.constant 48 : index
                  %get3A_432 = tpu.vector_load %arg17[%get3A_430, %get3A_431] {strides = array<i32>} : memref<64x384xf32, #tpu.memory_space<vmem>>, vector<16xf32>,
                  %swap3A_433 = arith.index_cast %sub3A_411 : i32 to index
                  %swap3A_434 = arith.constant 48 : index
                  %swap3A_435 = tpu.vector_load %arg19[%swap3A_433, %swap3A_434] {strides = array<i32>} : memref<144x384xf32, #tpu.memory_space<vmem>>, vector<16xf32>,
                  tpu.vector_store %arg19[%swap3A_433, %swap3A_434], %get3A_432 {add = true, strides = array<i32>} : memref<144x384xf32, #tpu.memory_space<vmem>>, vector<16xf32>,
                  %get3A_436 = arith.index_cast %scan3A_396 : i32 to index
                  %get3A_437 = arith.constant 64 : index
                  %get3A_438 = tpu.vector_load %arg17[%get3A_436, %get3A_437] {strides = array<i32>} : memref<64x384xf32, #tpu.memory_space<vmem>>, vector<16xf32>,
                  %swap3A_439 = arith.index_cast %sub3A_411 : i32 to index
                  %swap3A_440 = arith.constant 64 : index
                  %swap3A_441 = tpu.vector_load %arg19[%swap3A_439, %swap3A_440] {strides = array<i32>} : memref<144x384xf32, #tpu.memory_space<vmem>>, vector<16xf32>,
                  tpu.vector_store %arg19[%swap3A_439, %swap3A_440], %get3A_438 {add = true, strides = array<i32>} : memref<144x384xf32, #tpu.memory_space<vmem>>, vector<16xf32>,
                  %get3A_442 = arith.index_cast %scan3A_396 : i32 to index
                  %get3A_443 = arith.constant 80 : index
                  %get3A_444 = tpu.vector_load %arg17[%get3A_442, %get3A_443] {strides = array<i32>} : memref<64x384xf32, #tpu.memory_space<vmem>>, vector<16xf32>,
                  %swap3A_445 = arith.index_cast %sub3A_411 : i32 to index
                  %swap3A_446 = arith.constant 80 : index
                  %swap3A_447 = tpu.vector_load %arg19[%swap3A_445, %swap3A_446] {strides = array<i32>} : memref<144x384xf32, #tpu.memory_space<vmem>>, vector<16xf32>,
                  tpu.vector_store %arg19[%swap3A_445, %swap3A_446], %get3A_444 {add = true, strides = array<i32>} : memref<144x384xf32, #tpu.memory_space<vmem>>, vector<16xf32>,
                  %get3A_448 = arith.index_cast %scan3A_396 : i32 to index
                  %get3A_449 = arith.constant 96 : index
                  %get3A_450 = tpu.vector_load %arg17[%get3A_448, %get3A_449] {strides = array<i32>} : memref<64x384xf32, #tpu.memory_space<vmem>>, vector<16xf32>,
                  %swap3A_451 = arith.index_cast %sub3A_411 : i32 to index
                  %swap3A_452 = arith.constant 96 : index
                  %swap3A_453 = tpu.vector_load %arg19[%swap3A_451, %swap3A_452] {strides = array<i32>} : memref<144x384xf32, #tpu.memory_space<vmem>>, vector<16xf32>,
                  tpu.vector_store %arg19[%swap3A_451, %swap3A_452], %get3A_450 {add = true, strides = array<i32>} : memref<144x384xf32, #tpu.memory_space<vmem>>, vector<16xf32>,
                  %get3A_454 = arith.index_cast %scan3A_396 : i32 to index
                  %get3A_455 = arith.constant 112 : index
                  %get3A_456 = tpu.vector_load %arg17[%get3A_454, %get3A_455] {strides = array<i32>} : memref<64x384xf32, #tpu.memory_space<vmem>>, vector<16xf32>,
                  %swap3A_457 = arith.index_cast %sub3A_411 : i32 to index
                  %swap3A_458 = arith.constant 112 : index
                  %swap3A_459 = tpu.vector_load %arg19[%swap3A_457, %swap3A_458] {strides = array<i32>} : memref<144x384xf32, #tpu.memory_space<vmem>>, vector<16xf32>,
                  tpu.vector_store %arg19[%swap3A_457, %swap3A_458], %get3A_456 {add = true, strides = array<i32>} : memref<144x384xf32, #tpu.memory_space<vmem>>, vector<16xf32>,
                  %get3A_460 = arith.index_cast %scan3A_396 : i32 to index
                  %get3A_461 = arith.constant 128 : index
                  %get3A_462 = tpu.vector_load %arg17[%get3A_460, %get3A_461] {strides = array<i32>} : memref<64x384xf32, #tpu.memory_space<vmem>>, vector<16xf32>,
                  %swap3A_463 = arith.index_cast %sub3A_411 : i32 to index
                  %swap3A_464 = arith.constant 128 : index
                  %swap3A_465 = tpu.vector_load %arg19[%swap3A_463, %swap3A_464] {strides = array<i32>} : memref<144x384xf32, #tpu.memory_space<vmem>>, vector<16xf32>,
                  tpu.vector_store %arg19[%swap3A_463, %swap3A_464], %get3A_462 {add = true, strides = array<i32>} : memref<144x384xf32, #tpu.memory_space<vmem>>, vector<16xf32>,
                  %get3A_466 = arith.index_cast %scan3A_396 : i32 to index
                  %get3A_467 = arith.constant 144 : index
                  %get3A_468 = tpu.vector_load %arg17[%get3A_466, %get3A_467] {strides = array<i32>} : memref<64x384xf32, #tpu.memory_space<vmem>>, vector<16xf32>,
                  %swap3A_469 = arith.index_cast %sub3A_411 : i32 to index
                  %swap3A_470 = arith.constant 144 : index
                  %swap3A_471 = tpu.vector_load %arg19[%swap3A_469, %swap3A_470] {strides = array<i32>} : memref<144x384xf32, #tpu.memory_space<vmem>>, vector<16xf32>,
                  tpu.vector_store %arg19[%swap3A_469, %swap3A_470], %get3A_468 {add = true, strides = array<i32>} : memref<144x384xf32, #tpu.memory_space<vmem>>, vector<16xf32>,
                  %get3A_472 = arith.index_cast %scan3A_396 : i32 to index
                  %get3A_473 = arith.constant 160 : index
                  %get3A_474 = tpu.vector_load %arg17[%get3A_472, %get3A_473] {strides = array<i32>} : memref<64x384xf32, #tpu.memory_space<vmem>>, vector<16xf32>,
                  %swap3A_475 = arith.index_cast %sub3A_411 : i32 to index
                  %swap3A_476 = arith.constant 160 : index
                  %swap3A_477 = tpu.vector_load %arg19[%swap3A_475, %swap3A_476] {strides = array<i32>} : memref<144x384xf32, #tpu.memory_space<vmem>>, vector<16xf32>,
                  tpu.vector_store %arg19[%swap3A_475, %swap3A_476], %get3A_474 {add = true, strides = array<i32>} : memref<144x384xf32, #tpu.memory_space<vmem>>, vector<16xf32>,
                  %get3A_478 = arith.index_cast %scan3A_396 : i32 to index
                  %get3A_479 = arith.constant 176 : index
                  %get3A_480 = tpu.vector_load %arg17[%get3A_478, %get3A_479] {strides = array<i32>} : memref<64x384xf32, #tpu.memory_space<vmem>>, vector<16xf32>,
                  %swap3A_481 = arith.index_cast %sub3A_411 : i32 to index
                  %swap3A_482 = arith.constant 176 : index
                  %swap3A_483 = tpu.vector_load %arg19[%swap3A_481, %swap3A_482] {strides = array<i32>} : memref<144x384xf32, #tpu.memory_space<vmem>>, vector<16xf32>,
                  tpu.vector_store %arg19[%swap3A_481, %swap3A_482], %get3A_480 {add = true, strides = array<i32>} : memref<144x384xf32, #tpu.memory_space<vmem>>, vector<16xf32>,
                  %get3A_484 = arith.index_cast %scan3A_396 : i32 to index
                  %get3A_485 = arith.constant 192 : index
                  %get3A_486 = tpu.vector_load %arg17[%get3A_484, %get3A_485] {strides = array<i32>} : memref<64x384xf32, #tpu.memory_space<vmem>>, vector<16xf32>,
                  %swap3A_487 = arith.index_cast %sub3A_411 : i32 to index
                  %swap3A_488 = arith.constant 192 : index
                  %swap3A_489 = tpu.vector_load %arg19[%swap3A_487, %swap3A_488] {strides = array<i32>} : memref<144x384xf32, #tpu.memory_space<vmem>>, vector<16xf32>,
                  tpu.vector_store %arg19[%swap3A_487, %swap3A_488], %get3A_486 {add = true, strides = array<i32>} : memref<144x384xf32, #tpu.memory_space<vmem>>, vector<16xf32>,
                  %get3A_490 = arith.index_cast %scan3A_396 : i32 to index
                  %get3A_491 = arith.constant 208 : index
                  %get3A_492 = tpu.vector_load %arg17[%get3A_490, %get3A_491] {strides = array<i32>} : memref<64x384xf32, #tpu.memory_space<vmem>>, vector<16xf32>,
                  %swap3A_493 = arith.index_cast %sub3A_411 : i32 to index
                  %swap3A_494 = arith.constant 208 : index
                  %swap3A_495 = tpu.vector_load %arg19[%swap3A_493, %swap3A_494] {strides = array<i32>} : memref<144x384xf32, #tpu.memory_space<vmem>>, vector<16xf32>,
                  tpu.vector_store %arg19[%swap3A_493, %swap3A_494], %get3A_492 {add = true, strides = array<i32>} : memref<144x384xf32, #tpu.memory_space<vmem>>, vector<16xf32>,
                  %get3A_496 = arith.index_cast %scan3A_396 : i32 to index
                  %get3A_497 = arith.constant 224 : index
                  %get3A_498 = tpu.vector_load %arg17[%get3A_496, %get3A_497] {strides = array<i32>} : memref<64x384xf32, #tpu.memory_space<vmem>>, vector<16xf32>,
                  %swap3A_499 = arith.index_cast %sub3A_411 : i32 to index
                  %swap3A_500 = arith.constant 224 : index
                  %swap3A_501 = tpu.vector_load %arg19[%swap3A_499, %swap3A_500] {strides = array<i32>} : memref<144x384xf32, #tpu.memory_space<vmem>>, vector<16xf32>,
                  tpu.vector_store %arg19[%swap3A_499, %swap3A_500], %get3A_498 {add = true, strides = array<i32>} : memref<144x384xf32, #tpu.memory_space<vmem>>, vector<16xf32>,
                  %get3A_502 = arith.index_cast %scan3A_396 : i32 to index
                  %get3A_503 = arith.constant 240 : index
                  %get3A_504 = tpu.vector_load %arg17[%get3A_502, %get3A_503] {strides = array<i32>} : memref<64x384xf32, #tpu.memory_space<vmem>>, vector<16xf32>,
                  %swap3A_505 = arith.index_cast %sub3A_411 : i32 to index
                  %swap3A_506 = arith.constant 240 : index
                  %swap3A_507 = tpu.vector_load %arg19[%swap3A_505, %swap3A_506] {strides = array<i32>} : memref<144x384xf32, #tpu.memory_space<vmem>>, vector<16xf32>,
                  tpu.vector_store %arg19[%swap3A_505, %swap3A_506], %get3A_504 {add = true, strides = array<i32>} : memref<144x384xf32, #tpu.memory_space<vmem>>, vector<16xf32>,
                  %get3A_508 = arith.index_cast %scan3A_396 : i32 to index
                  %get3A_509 = arith.constant 256 : index
                  %get3A_510 = tpu.vector_load %arg17[%get3A_508, %get3A_509] {strides = array<i32>} : memref<64x384xf32, #tpu.memory_space<vmem>>, vector<16xf32>,
                  %swap3A_511 = arith.index_cast %sub3A_411 : i32 to index
                  %swap3A_512 = arith.constant 256 : index
                  %swap3A_513 = tpu.vector_load %arg19[%swap3A_511, %swap3A_512] {strides = array<i32>} : memref<144x384xf32, #tpu.memory_space<vmem>>, vector<16xf32>,
                  tpu.vector_store %arg19[%swap3A_511, %swap3A_512], %get3A_510 {add = true, strides = array<i32>} : memref<144x384xf32, #tpu.memory_space<vmem>>, vector<16xf32>,
                  %get3A_514 = arith.index_cast %scan3A_396 : i32 to index
                  %get3A_515 = arith.constant 272 : index
                  %get3A_516 = tpu.vector_load %arg17[%get3A_514, %get3A_515] {strides = array<i32>} : memref<64x384xf32, #tpu.memory_space<vmem>>, vector<16xf32>,
                  %swap3A_517 = arith.index_cast %sub3A_411 : i32 to index
                  %swap3A_518 = arith.constant 272 : index
                  %swap3A_519 = tpu.vector_load %arg19[%swap3A_517, %swap3A_518] {strides = array<i32>} : memref<144x384xf32, #tpu.memory_space<vmem>>, vector<16xf32>,
                  tpu.vector_store %arg19[%swap3A_517, %swap3A_518], %get3A_516 {add = true, strides = array<i32>} : memref<144x384xf32, #tpu.memory_space<vmem>>, vector<16xf32>,
                  %get3A_520 = arith.index_cast %scan3A_396 : i32 to index
                  %get3A_521 = arith.constant 288 : index
                  %get3A_522 = tpu.vector_load %arg17[%get3A_520, %get3A_521] {strides = array<i32>} : memref<64x384xf32, #tpu.memory_space<vmem>>, vector<16xf32>,
                  %swap3A_523 = arith.index_cast %sub3A_411 : i32 to index
                  %swap3A_524 = arith.constant 288 : index
                  %swap3A_525 = tpu.vector_load %arg19[%swap3A_523, %swap3A_524] {strides = array<i32>} : memref<144x384xf32, #tpu.memory_space<vmem>>, vector<16xf32>,
                  tpu.vector_store %arg19[%swap3A_523, %swap3A_524], %get3A_522 {add = true, strides = array<i32>} : memref<144x384xf32, #tpu.memory_space<vmem>>, vector<16xf32>,
                  %get3A_526 = arith.index_cast %scan3A_396 : i32 to index
                  %get3A_527 = arith.constant 304 : index
                  %get3A_528 = tpu.vector_load %arg17[%get3A_526, %get3A_527] {strides = array<i32>} : memref<64x384xf32, #tpu.memory_space<vmem>>, vector<16xf32>,
                  %swap3A_529 = arith.index_cast %sub3A_411 : i32 to index
                  %swap3A_530 = arith.constant 304 : index
                  %swap3A_531 = tpu.vector_load %arg19[%swap3A_529, %swap3A_530] {strides = array<i32>} : memref<144x384xf32, #tpu.memory_space<vmem>>, vector<16xf32>,
                  tpu.vector_store %arg19[%swap3A_529, %swap3A_530], %get3A_528 {add = true, strides = array<i32>} : memref<144x384xf32, #tpu.memory_space<vmem>>, vector<16xf32>,
                  %get3A_532 = arith.index_cast %scan3A_396 : i32 to index
                  %get3A_533 = arith.constant 320 : index
                  %get3A_534 = tpu.vector_load %arg17[%get3A_532, %get3A_533] {strides = array<i32>} : memref<64x384xf32, #tpu.memory_space<vmem>>, vector<16xf32>,
                  %swap3A_535 = arith.index_cast %sub3A_411 : i32 to index
                  %swap3A_536 = arith.constant 320 : index
                  %swap3A_537 = tpu.vector_load %arg19[%swap3A_535, %swap3A_536] {strides = array<i32>} : memref<144x384xf32, #tpu.memory_space<vmem>>, vector<16xf32>,
                  tpu.vector_store %arg19[%swap3A_535, %swap3A_536], %get3A_534 {add = true, strides = array<i32>} : memref<144x384xf32, #tpu.memory_space<vmem>>, vector<16xf32>,
                  %get3A_538 = arith.index_cast %scan3A_396 : i32 to index
                  %get3A_539 = arith.constant 336 : index
                  %get3A_540 = tpu.vector_load %arg17[%get3A_538, %get3A_539] {strides = array<i32>} : memref<64x384xf32, #tpu.memory_space<vmem>>, vector<16xf32>,
                  %swap3A_541 = arith.index_cast %sub3A_411 : i32 to index
                  %swap3A_542 = arith.constant 336 : index
                  %swap3A_543 = tpu.vector_load %arg19[%swap3A_541, %swap3A_542] {strides = array<i32>} : memref<144x384xf32, #tpu.memory_space<vmem>>, vector<16xf32>,
                  tpu.vector_store %arg19[%swap3A_541, %swap3A_542], %get3A_540 {add = true, strides = array<i32>} : memref<144x384xf32, #tpu.memory_space<vmem>>, vector<16xf32>,
                  %get3A_544 = arith.index_cast %scan3A_396 : i32 to index
                  %get3A_545 = arith.constant 352 : index
                  %get3A_546 = tpu.vector_load %arg17[%get3A_544, %get3A_545] {strides = array<i32>} : memref<64x384xf32, #tpu.memory_space<vmem>>, vector<16xf32>,
                  %swap3A_547 = arith.index_cast %sub3A_411 : i32 to index
                  %swap3A_548 = arith.constant 352 : index
                  %swap3A_549 = tpu.vector_load %arg19[%swap3A_547, %swap3A_548] {strides = array<i32>} : memref<144x384xf32, #tpu.memory_space<vmem>>, vector<16xf32>,
                  tpu.vector_store %arg19[%swap3A_547, %swap3A_548], %get3A_546 {add = true, strides = array<i32>} : memref<144x384xf32, #tpu.memory_space<vmem>>, vector<16xf32>,
                  %get3A_550 = arith.index_cast %scan3A_396 : i32 to index
                  %get3A_551 = arith.constant 368 : index
                  %get3A_552 = tpu.vector_load %arg17[%get3A_550, %get3A_551] {strides = array<i32>} : memref<64x384xf32, #tpu.memory_space<vmem>>, vector<16xf32>,
                  %swap3A_553 = arith.index_cast %sub3A_411 : i32 to index
                  %swap3A_554 = arith.constant 368 : index
                  %swap3A_555 = tpu.vector_load %arg19[%swap3A_553, %swap3A_554] {strides = array<i32>} : memref<144x384xf32, #tpu.memory_space<vmem>>, vector<16xf32>,
                  tpu.vector_store %arg19[%swap3A_553, %swap3A_554], %get3A_552 {add = true, strides = array<i32>} : memref<144x384xf32, #tpu.memory_space<vmem>>, vector<16xf32>,
                } else {
                }
              }
              %scan3A_387 = arith.constant 64 : i32
              %get3A_388 = arith.constant 64 : index
              %get3A_389 = tpu.vector_load %arg20[%get3A_388] {strides = array<i32>} : memref<80xi32, #tpu.memory_space<vmem>>, vector<16xi32>,
              %swap3A_390 = arith.constant 0 : index
              %swap3A_391 = tpu.vector_load %arg20[%swap3A_390] {strides = array<i32>} : memref<80xi32, #tpu.memory_space<vmem>>, vector<16xi32>,
              tpu.vector_store %arg20[%swap3A_390], %get3A_389 {strides = array<i32>} : memref<80xi32, #tpu.memory_space<vmem>>, vector<16xi32>,
              %get3A_392 = arith.constant 64 : index
              %get3A_393 = tpu.vector_load %arg21[%get3A_392] {strides = array<i32>} : memref<80xi32, #tpu.memory_space<vmem>>, vector<16xi32>,
              %swap3A_394 = arith.constant 0 : index
              %swap3A_395 = tpu.vector_load %arg21[%swap3A_394] {strides = array<i32>} : memref<80xi32, #tpu.memory_space<vmem>>, vector<16xi32>,
              tpu.vector_store %arg21[%swap3A_394], %get3A_393 {strides = array<i32>} : memref<80xi32, #tpu.memory_space<vmem>>, vector<16xi32>,
            } else {
            }
            %ge3A_303 = arith.constant 64 : i32
            %ge3A_304 = arith.cmpi sge, %add3A_299, %ge3A_303 : i32
            %sub3A_305 = arith.constant 64 : i32
            %sub3A_306 = arith.subi %add3A_299, %sub3A_305 : i32
            %select_n3A_307 = arith.select %ge3A_304, %sub3A_306, %add3A_299 : i32
            scf.yield %select_n3A_307 : i32
          }
          scf.yield %while3A_263 : i32
        }
        scf.yield %while3A_208 : i32
      }
      %scan3A_87 = arith.constant 16 : i32
      %get3A_88 = arith.constant 0 : index
      %get3A_89 = tpu.vector_load %arg20[%get3A_88] {strides = array<i32>} : memref<80xi32, #tpu.memory_space<vmem>>, vector<16xi32>,
      %add3A_90 = arith.constant 0 : i32
      %add3A_91 = vector.broadcast %add3A_90 : i32 to vector<16xi32>
      %add3A_92 = arith.addi %iota3A, %add3A_91 : vector<16xi32>
      %lt3A = vector.broadcast %scan3A_86 : i32 to vector<16xi32>
      %lt3A_93 = arith.cmpi slt, %add3A_92, %lt3A : vector<16xi32>
      %jit3A = arith.constant 0 : i32
      %broadcast_in_dim3A_94 = vector.broadcast %jit3A : i32 to vector<16xi32>
      %select_n3A = arith.select %lt3A_93, %get3A_89, %broadcast_in_dim3A_94 : vector<16xi1>, vector<16xi32>
      %swap3A_95 = arith.constant 0 : i32
      %swap3A_96 = arith.index_cast %swap3A_95 : i32 to index
      %swap3A_97 = arith.constant 0 : index
      %swap3A_98 = tpu.vector_load %arg16[%swap3A_96, %swap3A_97] {strides = array<i32>} : memref<1x64xi32, #tpu.memory_space<vmem>>, vector<16xi32>,
      tpu.vector_store %arg16[%swap3A_96, %swap3A_97], %select_n3A {strides = array<i32>} : memref<1x64xi32, #tpu.memory_space<vmem>>, vector<16xi32>,
      %get3A_99 = arith.constant 16 : index
      %get3A_100 = tpu.vector_load %arg20[%get3A_99] {strides = array<i32>} : memref<80xi32, #tpu.memory_space<vmem>>, vector<16xi32>,
      %add3A_101 = arith.constant 16 : i32
      %add3A_102 = vector.broadcast %add3A_101 : i32 to vector<16xi32>
      %add3A_103 = arith.addi %iota3A, %add3A_102 : vector<16xi32>
      %lt3A_104 = vector.broadcast %scan3A_86 : i32 to vector<16xi32>
      %lt3A_105 = arith.cmpi slt, %add3A_103, %lt3A_104 : vector<16xi32>
      %jit3A_106 = arith.constant 0 : i32
      %broadcast_in_dim3A_107 = vector.broadcast %jit3A_106 : i32 to vector<16xi32>
      %select_n3A_108 = arith.select %lt3A_105, %get3A_100, %broadcast_in_dim3A_107 : vector<16xi1>, vector<16xi32>
      %swap3A_109 = arith.constant 0 : i32
      %swap3A_110 = arith.index_cast %swap3A_109 : i32 to index
      %swap3A_111 = arith.constant 16 : index
      %swap3A_112 = tpu.vector_load %arg16[%swap3A_110, %swap3A_111] {strides = array<i32>} : memref<1x64xi32, #tpu.memory_space<vmem>>, vector<16xi32>,
      tpu.vector_store %arg16[%swap3A_110, %swap3A_111], %select_n3A_108 {strides = array<i32>} : memref<1x64xi32, #tpu.memory_space<vmem>>, vector<16xi32>,
      %get3A_113 = arith.constant 32 : index
      %get3A_114 = tpu.vector_load %arg20[%get3A_113] {strides = array<i32>} : memref<80xi32, #tpu.memory_space<vmem>>, vector<16xi32>,
      %add3A_115 = arith.constant 32 : i32
      %add3A_116 = vector.broadcast %add3A_115 : i32 to vector<16xi32>
      %add3A_117 = arith.addi %iota3A, %add3A_116 : vector<16xi32>
      %lt3A_118 = vector.broadcast %scan3A_86 : i32 to vector<16xi32>
      %lt3A_119 = arith.cmpi slt, %add3A_117, %lt3A_118 : vector<16xi32>
      %jit3A_120 = arith.constant 0 : i32
      %broadcast_in_dim3A_121 = vector.broadcast %jit3A_120 : i32 to vector<16xi32>
      %select_n3A_122 = arith.select %lt3A_119, %get3A_114, %broadcast_in_dim3A_121 : vector<16xi1>, vector<16xi32>
      %swap3A_123 = arith.constant 0 : i32
      %swap3A_124 = arith.index_cast %swap3A_123 : i32 to index
      %swap3A_125 = arith.constant 32 : index
      %swap3A_126 = tpu.vector_load %arg16[%swap3A_124, %swap3A_125] {strides = array<i32>} : memref<1x64xi32, #tpu.memory_space<vmem>>, vector<16xi32>,
      tpu.vector_store %arg16[%swap3A_124, %swap3A_125], %select_n3A_122 {strides = array<i32>} : memref<1x64xi32, #tpu.memory_space<vmem>>, vector<16xi32>,
      %get3A_127 = arith.constant 48 : index
      %get3A_128 = tpu.vector_load %arg20[%get3A_127] {strides = array<i32>} : memref<80xi32, #tpu.memory_space<vmem>>, vector<16xi32>,
      %add3A_129 = arith.constant 48 : i32
      %add3A_130 = vector.broadcast %add3A_129 : i32 to vector<16xi32>
      %add3A_131 = arith.addi %iota3A, %add3A_130 : vector<16xi32>
      %lt3A_132 = vector.broadcast %scan3A_86 : i32 to vector<16xi32>
      %lt3A_133 = arith.cmpi slt, %add3A_131, %lt3A_132 : vector<16xi32>
      %jit3A_134 = arith.constant 0 : i32
      %broadcast_in_dim3A_135 = vector.broadcast %jit3A_134 : i32 to vector<16xi32>
      %select_n3A_136 = arith.select %lt3A_133, %get3A_128, %broadcast_in_dim3A_135 : vector<16xi1>, vector<16xi32>
      %swap3A_137 = arith.constant 0 : i32
      %swap3A_138 = arith.index_cast %swap3A_137 : i32 to index
      %swap3A_139 = arith.constant 48 : index
      %swap3A_140 = tpu.vector_load %arg16[%swap3A_138, %swap3A_139] {strides = array<i32>} : memref<1x64xi32, #tpu.memory_space<vmem>>, vector<16xi32>,
      tpu.vector_store %arg16[%swap3A_138, %swap3A_139], %select_n3A_136 {strides = array<i32>} : memref<1x64xi32, #tpu.memory_space<vmem>>, vector<16xi32>,
      %dma_start3A_141 = arith.constant 0 : i32
      %dma_start3A_142 = arith.constant 0 : i32
      %dma_start3A_143 = tpu.memref_slice %arg16[%dma_start3A_141, %dma_start3A_142] : memref<1x64xi32, #tpu.memory_space<vmem>> -> memref<1x64xi32, #tpu.memory_space<vmem>>
      %dma_start3A_144 = tpu.memref_squeeze %dma_start3A_143 : memref<1x64xi32, #tpu.memory_space<vmem>> -> memref<64xi32, #tpu.memory_space<vmem>>
      %dma_start3A_145 = arith.constant 0 : i32
      %dma_start3A_146 = arith.constant 0 : i32
      %dma_start3A_147 = tpu.memref_slice %arg5[%dma_start3A_145, %dma_start3A_146] : memref<10000x384xf32, #tpu.memory_space<hbm>> -> memref<10000x384xf32, #tpu.memory_space<hbm>>
      tpu.enqueue_indirect_dma source(%dma_start3A_147 : memref<10000x384xf32, #tpu.memory_space<hbm>>) target(%arg17 : memref<64x384xf32, #tpu.memory_space<vmem>>) offsets(%dma_start3A_144 : memref<64xi32, #tpu.memory_space<vmem>>) semaphore(%arg25 : memref<!tpu.dma_semaphore, #tpu.memory_space<semaphore_mem>>)
      %dma_wait3A_148 = arith.constant 0 : i32
      %dma_wait3A_149 = arith.constant 0 : i32
      %dma_wait3A_150 = tpu.memref_slice %arg16[%dma_wait3A_148, %dma_wait3A_149] : memref<1x64xi32, #tpu.memory_space<vmem>> -> memref<1x64xi32, #tpu.memory_space<vmem>>
      %dma_wait3A_151 = tpu.memref_squeeze %dma_wait3A_150 : memref<1x64xi32, #tpu.memory_space<vmem>> -> memref<64xi32, #tpu.memory_space<vmem>>
      %dma_wait3A_152 = arith.constant 0 : i32
      %dma_wait3A_153 = arith.constant 0 : i32
      %dma_wait3A_154 = tpu.memref_slice %arg5[%dma_wait3A_152, %dma_wait3A_153] : memref<10000x384xf32, #tpu.memory_space<hbm>> -> memref<10000x384xf32, #tpu.memory_space<hbm>>
      tpu.wait_indirect_dma semaphore(%arg25 : memref<!tpu.dma_semaphore, #tpu.memory_space<semaphore_mem>>) src(%dma_wait3A_154 : memref<10000x384xf32, #tpu.memory_space<hbm>>) dst(%arg17 : memref<64x384xf32, #tpu.memory_space<vmem>>)
      %scan3A_155 = arith.constant 0 : i32
      %scan3A_156 = arith.constant 64 : i32
      %scan3A_157 = arith.addi %scan3A_155, %scan3A_156 : i32
      %scan3A_158 = arith.constant 1 : i32
      scf.for %scan3A_163 = %scan3A_155 to %scan3A_157 step %scan3A_158  : i32 {
        %lt3A_164 = arith.cmpi slt, %scan3A_163, %scan3A_86 : i32
        %convert_element_type3A = arith.extui %lt3A_164 : i1 to i32
        %cond3A = arith.constant 0 : i32
        %cond3A_165 = arith.cmpi ne, %convert_element_type3A, %cond3A : i32
        scf.if %cond3A_165 {
          %broadcast_in_dim3A_166 = vector.broadcast %scan3A_163 : i32 to vector<16xi32>
          %gather3A_167 = tpu.vector_load_idx %arg21[%broadcast_in_dim3A_166] : memref<80xi32, #tpu.memory_space<vmem>>[vector<16xi32>], vector<16xi32>,
          %reduce_max3A = arith.constant true
          %reduce_max3A_168 = vector.broadcast %reduce_max3A : i1 to vector<16xi1>
          %reduce_max3A_169 = arith.constant -2147483648 : i32
          %reduce_max3A_170 = vector.broadcast %reduce_max3A_169 : i32 to vector<16xi32>
          %reduce_max3A_171 = arith.xori %gather3A_167, %reduce_max3A_170 : vector<16xi32>
          %reduce_max3A_172 = tpu.scan <max>, %reduce_max3A_171 masked %reduce_max3A_168 : vector<16xi32>, vector<16xi1> -> vector<16xi32>
          %reduce_max3A_173 = arith.xori %reduce_max3A_172, %reduce_max3A_170 : vector<16xi32>
          %reduce_max3A_174 = vector.extract %reduce_max3A_173[15] : i32 from vector<16xi32>
          %sub3A = arith.subi %reduce_max3A_174, %add3A_75 : i32
          %get3A_175 = arith.index_cast %scan3A_163 : i32 to index
          %get3A_176 = arith.constant 0 : index
          %get3A_177 = tpu.vector_load %arg17[%get3A_175, %get3A_176] {strides = array<i32>} : memref<64x384xf32, #tpu.memory_space<vmem>>, vector<16xf32>,
          %swap3A_178 = arith.index_cast %sub3A : i32 to index
          %swap3A_179 = arith.constant 0 : index
          %swap3A_180 = tpu.vector_load %arg19[%swap3A_178, %swap3A_179] {strides = array<i32>} : memref<144x384xf32, #tpu.memory_space<vmem>>, vector<16xf32>,
          tpu.vector_store %arg19[%swap3A_178, %swap3A_179], %get3A_177 {add = true, strides = array<i32>} : memref<144x384xf32, #tpu.memory_space<vmem>>, vector<16xf32>,
          %get3A_181 = arith.index_cast %scan3A_163 : i32 to index
          %get3A_182 = arith.constant 16 : index
          %get3A_183 = tpu.vector_load %arg17[%get3A_181, %get3A_182] {strides = array<i32>} : memref<64x384xf32, #tpu.memory_space<vmem>>, vector<16xf32>,
          %swap3A_184 = arith.index_cast %sub3A : i32 to index
          %swap3A_185 = arith.constant 16 : index
          %swap3A_186 = tpu.vector_load %arg19[%swap3A_184, %swap3A_185] {strides = array<i32>} : memref<144x384xf32, #tpu.memory_space<vmem>>, vector<16xf32>,
          tpu.vector_store %arg19[%swap3A_184, %swap3A_185], %get3A_183 {add = true, strides = array<i32>} : memref<144x384xf32, #tpu.memory_space<vmem>>, vector<16xf32>,
          %get3A_187 = arith.index_cast %scan3A_163 : i32 to index
          %get3A_188 = arith.constant 32 : index
          %get3A_189 = tpu.vector_load %arg17[%get3A_187, %get3A_188] {strides = array<i32>} : memref<64x384xf32, #tpu.memory_space<vmem>>, vector<16xf32>,
          %swap3A_190 = arith.index_cast %sub3A : i32 to index
          %swap3A_191 = arith.constant 32 : index
          %swap3A_192 = tpu.vector_load %arg19[%swap3A_190, %swap3A_191] {strides = array<i32>} : memref<144x384xf32, #tpu.memory_space<vmem>>, vector<16xf32>,
          tpu.vector_store %arg19[%swap3A_190, %swap3A_191], %get3A_189 {add = true, strides = array<i32>} : memref<144x384xf32, #tpu.memory_space<vmem>>, vector<16xf32>,
          %get3A_193 = arith.index_cast %scan3A_163 : i32 to index
          %get3A_194 = arith.constant 48 : index
          %get3A_195 = tpu.vector_load %arg17[%get3A_193, %get3A_194] {strides = array<i32>} : memref<64x384xf32, #tpu.memory_space<vmem>>, vector<16xf32>,
          %swap3A_196 = arith.index_cast %sub3A : i32 to index
          %swap3A_197 = arith.constant 48 : index
          %swap3A_198 = tpu.vector_load %arg19[%swap3A_196, %swap3A_197] {strides = array<i32>} : memref<144x384xf32, #tpu.memory_space<vmem>>, vector<16xf32>,
          tpu.vector_store %arg19[%swap3A_196, %swap3A_197], %get3A_195 {add = true, strides = array<i32>} : memref<144x384xf32, #tpu.memory_space<vmem>>, vector<16xf32>,
          %get3A_199 = arith.index_cast %scan3A_163 : i32 to index
          %get3A_200 = arith.constant 64 : index
          %get3A_201 = tpu.vector_load %arg17[%get3A_199, %get3A_200] {strides = array<i32>} : memref<64x384xf32, #tpu.memory_space<vmem>>, vector<16xf32>,
          %swap3A_202 = arith.index_cast %sub3A : i32 to index
          %swap3A_203 = arith.constant 64 : index
          %swap3A_204 = tpu.vector_load %arg19[%swap3A_202, %swap3A_203] {strides = array<i32>} : memref<144x384xf32, #tpu.memory_space<vmem>>, vector<16xf32>,
          tpu.vector_store %arg19[%swap3A_202, %swap3A_203], %get3A_201 {add = true, strides = array<i32>} : memref<144x384xf32, #tpu.memory_space<vmem>>, vector<16xf32>,
          %get3A_205 = arith.index_cast %scan3A_163 : i32 to index
          %get3A_206 = arith.constant 80 : index
          %get3A_207 = tpu.vector_load %arg17[%get3A_205, %get3A_206] {strides = array<i32>} : memref<64x384xf32, #tpu.memory_space<vmem>>, vector<16xf32>,
          %swap3A_208 = arith.index_cast %sub3A : i32 to index
          %swap3A_209 = arith.constant 80 : index
          %swap3A_210 = tpu.vector_load %arg19[%swap3A_208, %swap3A_209] {strides = array<i32>} : memref<144x384xf32, #tpu.memory_space<vmem>>, vector<16xf32>,
          tpu.vector_store %arg19[%swap3A_208, %swap3A_209], %get3A_207 {add = true, strides = array<i32>} : memref<144x384xf32, #tpu.memory_space<vmem>>, vector<16xf32>,
          %get3A_211 = arith.index_cast %scan3A_163 : i32 to index
          %get3A_212 = arith.constant 96 : index
          %get3A_213 = tpu.vector_load %arg17[%get3A_211, %get3A_212] {strides = array<i32>} : memref<64x384xf32, #tpu.memory_space<vmem>>, vector<16xf32>,
          %swap3A_214 = arith.index_cast %sub3A : i32 to index
          %swap3A_215 = arith.constant 96 : index
          %swap3A_216 = tpu.vector_load %arg19[%swap3A_214, %swap3A_215] {strides = array<i32>} : memref<144x384xf32, #tpu.memory_space<vmem>>, vector<16xf32>,
          tpu.vector_store %arg19[%swap3A_214, %swap3A_215], %get3A_213 {add = true, strides = array<i32>} : memref<144x384xf32, #tpu.memory_space<vmem>>, vector<16xf32>,
          %get3A_217 = arith.index_cast %scan3A_163 : i32 to index
          %get3A_218 = arith.constant 112 : index
          %get3A_219 = tpu.vector_load %arg17[%get3A_217, %get3A_218] {strides = array<i32>} : memref<64x384xf32, #tpu.memory_space<vmem>>, vector<16xf32>,
          %swap3A_220 = arith.index_cast %sub3A : i32 to index
          %swap3A_221 = arith.constant 112 : index
          %swap3A_222 = tpu.vector_load %arg19[%swap3A_220, %swap3A_221] {strides = array<i32>} : memref<144x384xf32, #tpu.memory_space<vmem>>, vector<16xf32>,
          tpu.vector_store %arg19[%swap3A_220, %swap3A_221], %get3A_219 {add = true, strides = array<i32>} : memref<144x384xf32, #tpu.memory_space<vmem>>, vector<16xf32>,
          %get3A_223 = arith.index_cast %scan3A_163 : i32 to index
          %get3A_224 = arith.constant 128 : index
          %get3A_225 = tpu.vector_load %arg17[%get3A_223, %get3A_224] {strides = array<i32>} : memref<64x384xf32, #tpu.memory_space<vmem>>, vector<16xf32>,
          %swap3A_226 = arith.index_cast %sub3A : i32 to index
          %swap3A_227 = arith.constant 128 : index
          %swap3A_228 = tpu.vector_load %arg19[%swap3A_226, %swap3A_227] {strides = array<i32>} : memref<144x384xf32, #tpu.memory_space<vmem>>, vector<16xf32>,
          tpu.vector_store %arg19[%swap3A_226, %swap3A_227], %get3A_225 {add = true, strides = array<i32>} : memref<144x384xf32, #tpu.memory_space<vmem>>, vector<16xf32>,
          %get3A_229 = arith.index_cast %scan3A_163 : i32 to index
          %get3A_230 = arith.constant 144 : index
          %get3A_231 = tpu.vector_load %arg17[%get3A_229, %get3A_230] {strides = array<i32>} : memref<64x384xf32, #tpu.memory_space<vmem>>, vector<16xf32>,
          %swap3A_232 = arith.index_cast %sub3A : i32 to index
          %swap3A_233 = arith.constant 144 : index
          %swap3A_234 = tpu.vector_load %arg19[%swap3A_232, %swap3A_233] {strides = array<i32>} : memref<144x384xf32, #tpu.memory_space<vmem>>, vector<16xf32>,
          tpu.vector_store %arg19[%swap3A_232, %swap3A_233], %get3A_231 {add = true, strides = array<i32>} : memref<144x384xf32, #tpu.memory_space<vmem>>, vector<16xf32>,
          %get3A_235 = arith.index_cast %scan3A_163 : i32 to index
          %get3A_236 = arith.constant 160 : index
          %get3A_237 = tpu.vector_load %arg17[%get3A_235, %get3A_236] {strides = array<i32>} : memref<64x384xf32, #tpu.memory_space<vmem>>, vector<16xf32>,
          %swap3A_238 = arith.index_cast %sub3A : i32 to index
          %swap3A_239 = arith.constant 160 : index
          %swap3A_240 = tpu.vector_load %arg19[%swap3A_238, %swap3A_239] {strides = array<i32>} : memref<144x384xf32, #tpu.memory_space<vmem>>, vector<16xf32>,
          tpu.vector_store %arg19[%swap3A_238, %swap3A_239], %get3A_237 {add = true, strides = array<i32>} : memref<144x384xf32, #tpu.memory_space<vmem>>, vector<16xf32>,
          %get3A_241 = arith.index_cast %scan3A_163 : i32 to index
          %get3A_242 = arith.constant 176 : index
          %get3A_243 = tpu.vector_load %arg17[%get3A_241, %get3A_242] {strides = array<i32>} : memref<64x384xf32, #tpu.memory_space<vmem>>, vector<16xf32>,
          %swap3A_244 = arith.index_cast %sub3A : i32 to index
          %swap3A_245 = arith.constant 176 : index
          %swap3A_246 = tpu.vector_load %arg19[%swap3A_244, %swap3A_245] {strides = array<i32>} : memref<144x384xf32, #tpu.memory_space<vmem>>, vector<16xf32>,
          tpu.vector_store %arg19[%swap3A_244, %swap3A_245], %get3A_243 {add = true, strides = array<i32>} : memref<144x384xf32, #tpu.memory_space<vmem>>, vector<16xf32>,
          %get3A_247 = arith.index_cast %scan3A_163 : i32 to index
          %get3A_248 = arith.constant 192 : index
          %get3A_249 = tpu.vector_load %arg17[%get3A_247, %get3A_248] {strides = array<i32>} : memref<64x384xf32, #tpu.memory_space<vmem>>, vector<16xf32>,
          %swap3A_250 = arith.index_cast %sub3A : i32 to index
          %swap3A_251 = arith.constant 192 : index
          %swap3A_252 = tpu.vector_load %arg19[%swap3A_250, %swap3A_251] {strides = array<i32>} : memref<144x384xf32, #tpu.memory_space<vmem>>, vector<16xf32>,
          tpu.vector_store %arg19[%swap3A_250, %swap3A_251], %get3A_249 {add = true, strides = array<i32>} : memref<144x384xf32, #tpu.memory_space<vmem>>, vector<16xf32>,
          %get3A_253 = arith.index_cast %scan3A_163 : i32 to index
          %get3A_254 = arith.constant 208 : index
          %get3A_255 = tpu.vector_load %arg17[%get3A_253, %get3A_254] {strides = array<i32>} : memref<64x384xf32, #tpu.memory_space<vmem>>, vector<16xf32>,
          %swap3A_256 = arith.index_cast %sub3A : i32 to index
          %swap3A_257 = arith.constant 208 : index
          %swap3A_258 = tpu.vector_load %arg19[%swap3A_256, %swap3A_257] {strides = array<i32>} : memref<144x384xf32, #tpu.memory_space<vmem>>, vector<16xf32>,
          tpu.vector_store %arg19[%swap3A_256, %swap3A_257], %get3A_255 {add = true, strides = array<i32>} : memref<144x384xf32, #tpu.memory_space<vmem>>, vector<16xf32>,
          %get3A_259 = arith.index_cast %scan3A_163 : i32 to index
          %get3A_260 = arith.constant 224 : index
          %get3A_261 = tpu.vector_load %arg17[%get3A_259, %get3A_260] {strides = array<i32>} : memref<64x384xf32, #tpu.memory_space<vmem>>, vector<16xf32>,
          %swap3A_262 = arith.index_cast %sub3A : i32 to index
          %swap3A_263 = arith.constant 224 : index
          %swap3A_264 = tpu.vector_load %arg19[%swap3A_262, %swap3A_263] {strides = array<i32>} : memref<144x384xf32, #tpu.memory_space<vmem>>, vector<16xf32>,
          tpu.vector_store %arg19[%swap3A_262, %swap3A_263], %get3A_261 {add = true, strides = array<i32>} : memref<144x384xf32, #tpu.memory_space<vmem>>, vector<16xf32>,
          %get3A_265 = arith.index_cast %scan3A_163 : i32 to index
          %get3A_266 = arith.constant 240 : index
          %get3A_267 = tpu.vector_load %arg17[%get3A_265, %get3A_266] {strides = array<i32>} : memref<64x384xf32, #tpu.memory_space<vmem>>, vector<16xf32>,
          %swap3A_268 = arith.index_cast %sub3A : i32 to index
          %swap3A_269 = arith.constant 240 : index
          %swap3A_270 = tpu.vector_load %arg19[%swap3A_268, %swap3A_269] {strides = array<i32>} : memref<144x384xf32, #tpu.memory_space<vmem>>, vector<16xf32>,
          tpu.vector_store %arg19[%swap3A_268, %swap3A_269], %get3A_267 {add = true, strides = array<i32>} : memref<144x384xf32, #tpu.memory_space<vmem>>, vector<16xf32>,
          %get3A_271 = arith.index_cast %scan3A_163 : i32 to index
          %get3A_272 = arith.constant 256 : index
          %get3A_273 = tpu.vector_load %arg17[%get3A_271, %get3A_272] {strides = array<i32>} : memref<64x384xf32, #tpu.memory_space<vmem>>, vector<16xf32>,
          %swap3A_274 = arith.index_cast %sub3A : i32 to index
          %swap3A_275 = arith.constant 256 : index
          %swap3A_276 = tpu.vector_load %arg19[%swap3A_274, %swap3A_275] {strides = array<i32>} : memref<144x384xf32, #tpu.memory_space<vmem>>, vector<16xf32>,
          tpu.vector_store %arg19[%swap3A_274, %swap3A_275], %get3A_273 {add = true, strides = array<i32>} : memref<144x384xf32, #tpu.memory_space<vmem>>, vector<16xf32>,
          %get3A_277 = arith.index_cast %scan3A_163 : i32 to index
          %get3A_278 = arith.constant 272 : index
          %get3A_279 = tpu.vector_load %arg17[%get3A_277, %get3A_278] {strides = array<i32>} : memref<64x384xf32, #tpu.memory_space<vmem>>, vector<16xf32>,
          %swap3A_280 = arith.index_cast %sub3A : i32 to index
          %swap3A_281 = arith.constant 272 : index
          %swap3A_282 = tpu.vector_load %arg19[%swap3A_280, %swap3A_281] {strides = array<i32>} : memref<144x384xf32, #tpu.memory_space<vmem>>, vector<16xf32>,
          tpu.vector_store %arg19[%swap3A_280, %swap3A_281], %get3A_279 {add = true, strides = array<i32>} : memref<144x384xf32, #tpu.memory_space<vmem>>, vector<16xf32>,
          %get3A_283 = arith.index_cast %scan3A_163 : i32 to index
          %get3A_284 = arith.constant 288 : index
          %get3A_285 = tpu.vector_load %arg17[%get3A_283, %get3A_284] {strides = array<i32>} : memref<64x384xf32, #tpu.memory_space<vmem>>, vector<16xf32>,
          %swap3A_286 = arith.index_cast %sub3A : i32 to index
          %swap3A_287 = arith.constant 288 : index
          %swap3A_288 = tpu.vector_load %arg19[%swap3A_286, %swap3A_287] {strides = array<i32>} : memref<144x384xf32, #tpu.memory_space<vmem>>, vector<16xf32>,
          tpu.vector_store %arg19[%swap3A_286, %swap3A_287], %get3A_285 {add = true, strides = array<i32>} : memref<144x384xf32, #tpu.memory_space<vmem>>, vector<16xf32>,
          %get3A_289 = arith.index_cast %scan3A_163 : i32 to index
          %get3A_290 = arith.constant 304 : index
          %get3A_291 = tpu.vector_load %arg17[%get3A_289, %get3A_290] {strides = array<i32>} : memref<64x384xf32, #tpu.memory_space<vmem>>, vector<16xf32>,
          %swap3A_292 = arith.index_cast %sub3A : i32 to index
          %swap3A_293 = arith.constant 304 : index
          %swap3A_294 = tpu.vector_load %arg19[%swap3A_292, %swap3A_293] {strides = array<i32>} : memref<144x384xf32, #tpu.memory_space<vmem>>, vector<16xf32>,
          tpu.vector_store %arg19[%swap3A_292, %swap3A_293], %get3A_291 {add = true, strides = array<i32>} : memref<144x384xf32, #tpu.memory_space<vmem>>, vector<16xf32>,
          %get3A_295 = arith.index_cast %scan3A_163 : i32 to index
          %get3A_296 = arith.constant 320 : index
          %get3A_297 = tpu.vector_load %arg17[%get3A_295, %get3A_296] {strides = array<i32>} : memref<64x384xf32, #tpu.memory_space<vmem>>, vector<16xf32>,
          %swap3A_298 = arith.index_cast %sub3A : i32 to index
          %swap3A_299 = arith.constant 320 : index
          %swap3A_300 = tpu.vector_load %arg19[%swap3A_298, %swap3A_299] {strides = array<i32>} : memref<144x384xf32, #tpu.memory_space<vmem>>, vector<16xf32>,
          tpu.vector_store %arg19[%swap3A_298, %swap3A_299], %get3A_297 {add = true, strides = array<i32>} : memref<144x384xf32, #tpu.memory_space<vmem>>, vector<16xf32>,
          %get3A_301 = arith.index_cast %scan3A_163 : i32 to index
          %get3A_302 = arith.constant 336 : index
          %get3A_303 = tpu.vector_load %arg17[%get3A_301, %get3A_302] {strides = array<i32>} : memref<64x384xf32, #tpu.memory_space<vmem>>, vector<16xf32>,
          %swap3A_304 = arith.index_cast %sub3A : i32 to index
          %swap3A_305 = arith.constant 336 : index
          %swap3A_306 = tpu.vector_load %arg19[%swap3A_304, %swap3A_305] {strides = array<i32>} : memref<144x384xf32, #tpu.memory_space<vmem>>, vector<16xf32>,
          tpu.vector_store %arg19[%swap3A_304, %swap3A_305], %get3A_303 {add = true, strides = array<i32>} : memref<144x384xf32, #tpu.memory_space<vmem>>, vector<16xf32>,
          %get3A_307 = arith.index_cast %scan3A_163 : i32 to index
          %get3A_308 = arith.constant 352 : index
          %get3A_309 = tpu.vector_load %arg17[%get3A_307, %get3A_308] {strides = array<i32>} : memref<64x384xf32, #tpu.memory_space<vmem>>, vector<16xf32>,
          %swap3A_310 = arith.index_cast %sub3A : i32 to index
          %swap3A_311 = arith.constant 352 : index
          %swap3A_312 = tpu.vector_load %arg19[%swap3A_310, %swap3A_311] {strides = array<i32>} : memref<144x384xf32, #tpu.memory_space<vmem>>, vector<16xf32>,
          tpu.vector_store %arg19[%swap3A_310, %swap3A_311], %get3A_309 {add = true, strides = array<i32>} : memref<144x384xf32, #tpu.memory_space<vmem>>, vector<16xf32>,
          %get3A_313 = arith.index_cast %scan3A_163 : i32 to index
          %get3A_314 = arith.constant 368 : index
          %get3A_315 = tpu.vector_load %arg17[%get3A_313, %get3A_314] {strides = array<i32>} : memref<64x384xf32, #tpu.memory_space<vmem>>, vector<16xf32>,
          %swap3A_316 = arith.index_cast %sub3A : i32 to index
          %swap3A_317 = arith.constant 368 : index
          %swap3A_318 = tpu.vector_load %arg19[%swap3A_316, %swap3A_317] {strides = array<i32>} : memref<144x384xf32, #tpu.memory_space<vmem>>, vector<16xf32>,
          tpu.vector_store %arg19[%swap3A_316, %swap3A_317], %get3A_315 {add = true, strides = array<i32>} : memref<144x384xf32, #tpu.memory_space<vmem>>, vector<16xf32>,
        } else {
        }
      }
      %scan3A_159 = arith.constant 64 : i32
      %mul3A_160 = arith.constant 4608 : i32
      %mul3A_161 = arith.muli %arg0, %mul3A_160 : i32
      %add3A_162 = arith.addi %mul3A_161, %add3A_75 : i32
      "tpu.region"() ({
        %run_scoped3A_163 = tpu.sem_alloc : memref<!tpu.dma_semaphore, #tpu.memory_space<semaphore_mem>>
        %dma_start3A_164 = arith.constant 0 : i32
        %dma_start3A_165 = tpu.memref_slice %arg6[%add3A_162, %dma_start3A_164] : memref<9216x384xf32, #tpu.memory_space<hbm>> -> memref<144x384xf32, #tpu.memory_space<hbm>>
        %dma_start3A_166 = arith.constant 0 : i32
        %dma_start3A_167 = tpu.memref_slice %arg6[%add3A_162, %dma_start3A_166] : memref<9216x384xf32, #tpu.memory_space<hbm>> -> memref<144x384xf32, #tpu.memory_space<hbm>>
        tpu.enqueue_dma source(%arg19 : memref<144x384xf32, #tpu.memory_space<vmem>>) target(%dma_start3A_167 : memref<144x384xf32, #tpu.memory_space<hbm>>) target_semaphore(%run_scoped3A_163 : memref<!tpu.dma_semaphore, #tpu.memory_space<semaphore_mem>>)
        %dma_wait3A_168 = arith.constant 0 : i32
        %dma_wait3A_169 = tpu.memref_slice %arg6[%add3A_162, %dma_wait3A_168] : memref<9216x384xf32, #tpu.memory_space<hbm>> -> memref<144x384xf32, #tpu.memory_space<hbm>>
        %dma_wait3A_170 = arith.constant 0 : i32
        %dma_wait3A_171 = tpu.memref_slice %arg6[%add3A_162, %dma_wait3A_170] : memref<9216x384xf32, #tpu.memory_space<hbm>> -> memref<144x384xf32, #tpu.memory_space<hbm>>
        tpu.wait_dma2 semaphore(%run_scoped3A_163 : memref<!tpu.dma_semaphore, #tpu.memory_space<semaphore_mem>>) src(%arg19 : memref<144x384xf32, #tpu.memory_space<vmem>>) dst(%dma_wait3A_171 : memref<144x384xf32, #tpu.memory_space<hbm>>)
        tpu.yield
      }) : () -> ()
    }
    %scan3A_69 = arith.constant 2 : i32
    return
  }
}

</mosaic_0001>

<sc_bundles>
// kernel: _sc_gather.3.cloned.1.call-start
scs
__scs_entry_jumppad:
0x0: {  	(pc) =	sbr.rel $0x88, $3  }
0x1: {  	(tag) =	ssettag $0x0;
	lr =	simm.s32 $0x1  }
0x2: {  	[smem:$0x3F9D] =	sst lr;
	_ =	strace $0xD0000000  }
0x3: {  	_ = 	snop  }
0x4: {  	_ = 	snop  }
0x5: {  	_ = 	snop  }
0x6: {  	_ = 	snop  }
0x7: {  	_ = 	snop  }
__scs_overlays_trampoline_lowered:
0x8: {  	[smem:$0x3FAC] =	sst s0  }
0x9: {  	[smem:$0x3FAD] =	sst s1  }
0xa: {  	[smem:$0x3FAE] =	sst s2  }
0xb: {  	[smem:$0x3FAF] =	sst s3  }
0xc: {  	[smem:$0x3FB0] =	sst s4  }
0xd: {  	[smem:$0x3FB1] =	sst s5  }
0xe: {  	[smem:$0x3FB2] =	sst s6  }
0xf: {  	[smem:$0x3FB3] =	sst s7  }
0x10: {  	[smem:$0x3FB4] =	sst s8  }
0x11: {  	[smem:$0x3FB5] =	sst s9;
	s0 =	simm.s32 @!p0 $0x0  }
0x12: {  	s1 =	sld [smem:$0x3F9B];
	s0 =	simm.s32 @p0 $0x1  }
0x13: {  	[smem:$0x3FB6] =	sst s0;
	s0 =	simm.s32 @!p1 $0x0  }
0x14: {  	s2 =	sld [smem:$0x3F9A];
	s0 =	simm.s32 @p1 $0x1  }
0x15: {  	[smem:$0x3FB7] =	sst s0;
	s0 =	simm.s32 @!p2 $0x0  }
0x16: {  	s3 =	sld [smem:$0x3FDB];
	s0 =	simm.s32 @p2 $0x1  }
0x17: {  	s4 =	simm.s32 $0x1BF5;
	[smem:$0x3FB9] =	sst s0  }
0x18: {  	s0 =	sld [smem:$0x3F9C];
	_ =	swait.ge [sflag:s4], $0x0  }
0x19: {  	s7 =	sld [smem:$0x3F9D]  }
0x1a: {  	s8 =	sadd.s32 $0xFFFFE003, lr  }
0x1b: {  	s9 =	sadd.s32 $0xFFFFFEF7, lr;
	s5 =	simm.s32 $0xFFFFFFFF;
	p2 =	slt.u32 s8, $0xFFFFF086  }
0x1c: {  	p1 =	slt.u32 s9, $0xF7A;
	s5 =	simm.s32 @!p2 $0x0  }
0x1d: {  	s5 =	simm.s32 @p1 $0x1;
	p0 =	seq.s32 s7, s2  }
0x1e: {  	s7 =	smul.u32 @!p0 $0xF7A, s2;
	p2 =	seq.s32 @!p0 s5, $0x0  }
0x1f: {  	s9 =	smul.u32 $0xF7A, s1;
	s8 =	simm.s32 @!p0 $0x1BF5;
	p2 =	por !p2, p0  }
0x20: {  	[sflag:s8] =	ssyncset.s32 @!p0 $0xFFFFF086;
	s6 =	sadd.s32 @!p0 s3, s7;
	s7 =	simm.s32 @!p0 $0x108  }
0x21: {  	s3 =	sadd.s32 s3, s9;
	s6 =	sadd.s32 @!p0 $0x88, s6;
	s7 =	simm.s32 @p2 $0x1082  }
0x22: {  	[simem:s7], [sflag:s8] =	dma.local @!p0 [hbm:s6], $0xF7A  }
0x23: {  	s9 =	sor.u32 $0xD0000000, s2;
	s6 =	simm.s32 $0x108;
	_ =	swait.ge @!p0 [sflag:s8], $0x0  }
0x24: {  	s3 =	sadd.s32 $0x88, s3;
	s6 =	simm.s32 @!p1 $0x1082;
	[sflag:s4] =	ssyncset.s32 $0xFFFFF086  }
0x25: {  	[simem:s6], [sflag:s4] =	dma.local [hbm:s3], $0xF7A  }
0x26: {  	[smem:$0x3F9D] =	sst s1;
	(tag) =	ssettag s2;
	_ =	strace s9  }
0x27: {  	s1 =	sld [smem:$0x3FAD]  }
0x28: {  	s2 =	sld [smem:$0x3FAE]  }
0x29: {  	s4 =	sld [smem:$0x3FB0]  }
0x2a: {  	p0 =	seq.s32 s5, $0x0;
	s5 =	sld [smem:$0x3FB1]  }
0x2b: {  	s6 =	sld [smem:$0x3FB2]  }
0x2c: {  	s7 =	sld [smem:$0x3FB3]  }
0x2d: {  	s3 =	simm.s32 $0x108;
	s8 =	sld [smem:$0x3FB4]  }
0x2e: {  	s3 =	simm.s32 @!p0 $0x1082;
	s9 =	sld [smem:$0x3FB5]  }
0x2f: {  	lr =	sadd.s32 s0, s3;
	s0 =	sld [smem:$0x3FAC]  }
0x30: {  	s3 =	sld [smem:$0x3FAF]  }
0x31: {  	[smem:$0x3FB8] =	sst s10  }
0x32: {  	s10 =	sld [smem:$0x3FB6];
	_ =	sdelay $0x3  }
0x33: {  	p0 =	seq.s32 s10, $0x1;
	s10 =	sld [smem:$0x3FB8];
	_ =	sdelay $0x3  }
0x34: {  	[smem:$0x3FB8] =	sst s10  }
0x35: {  	s10 =	sld [smem:$0x3FB7];
	_ =	sdelay $0x3  }
0x36: {  	p1 =	seq.s32 s10, $0x1;
	s10 =	sld [smem:$0x3FB8];
	_ =	sdelay $0x3  }
0x37: {  	[smem:$0x3FB8] =	sst s10  }
0x38: {  	s10 =	sld [smem:$0x3FB9]  }
0x39: {  	_ = 	snop;
	(pc) =	sbr.ind lr, $3  }
0x3a: {  	_ = 	snop  }
0x3b: {  	_ = 	snop  }
0x3c: {  	p2 =	seq.s32 s10, $0x1;
	s10 =	sld [smem:$0x3FB8]  }
0x3d: {  	_ =	shalt  }
0x3e: {  	_ =	shalt  }
0x3f: {  	_ =	shalt  }
0x40: {  	_ =	shalt  }
0x41: {  	_ =	shalt  }
0x42: {  	_ =	shalt  }
0x43: {  	_ =	shalt  }
0x44: {  	_ =	shalt  }
0x45: {  	_ =	shalt  }
0x46: {  	_ =	shalt  }
0x47: {  	_ =	shalt  }
0x48: {  	_ =	shalt  }
0x49: {  	_ =	shalt  }
0x4a: {  	_ =	shalt  }
0x4b: {  	_ =	shalt  }
0x4c: {  	_ =	shalt  }
0x4d: {  	_ =	shalt  }
0x4e: {  	_ =	shalt  }
0x4f: {  	_ =	shalt  }
0x50: {  	_ =	shalt  }
0x51: {  	_ =	shalt  }
0x52: {  	_ =	shalt  }
0x53: {  	_ =	shalt  }
0x54: {  	_ =	shalt  }
0x55: {  	_ =	shalt  }
0x56: {  	_ =	shalt  }
0x57: {  	_ =	shalt  }
0x58: {  	_ =	shalt  }
0x59: {  	_ =	shalt  }
0x5a: {  	_ =	shalt  }
0x5b: {  	_ =	shalt  }
0x5c: {  	_ =	shalt  }
0x5d: {  	_ =	shalt  }
0x5e: {  	_ =	shalt  }
0x5f: {  	_ =	shalt  }
0x60: {  	_ =	shalt  }
0x61: {  	_ =	shalt  }
0x62: {  	_ =	shalt  }
0x63: {  	_ =	shalt  }
0x64: {  	_ =	shalt  }
0x65: {  	_ =	shalt  }
0x66: {  	_ =	shalt  }
0x67: {  	_ =	shalt  }
0x68: {  	_ =	shalt  }
0x69: {  	_ =	shalt  }
0x6a: {  	_ =	shalt  }
0x6b: {  	_ =	shalt  }
0x6c: {  	_ =	shalt  }
0x6d: {  	_ =	shalt  }
0x6e: {  	_ =	shalt  }
0x6f: {  	_ =	shalt  }
0x70: {  	_ =	shalt  }
0x71: {  	_ =	shalt  }
0x72: {  	_ =	shalt  }
0x73: {  	_ =	shalt  }
0x74: {  	_ =	shalt  }
0x75: {  	_ =	shalt  }
0x76: {  	_ =	shalt  }
0x77: {  	_ =	shalt  }
0x78: {  	_ =	shalt  }
0x79: {  	_ =	shalt  }
0x7a: {  	_ =	shalt  }
0x7b: {  	_ =	shalt  }
0x7c: {  	_ =	shalt  }
0x7d: {  	_ =	shalt  }
0x7e: {  	_ =	shalt  }
0x7f: {  	_ =	shalt  }
0x80: {  	_ =	shalt  }
0x81: {  	_ =	shalt  }
0x82: {  	_ =	shalt  }
0x83: {  	_ =	shalt  }
0x84: {  	_ =	shalt  }
0x85: {  	_ =	shalt  }
0x86: {  	_ =	shalt  }
0x87: {  	_ =	shalt  }
.Lfunc_end0:
.L_simem_size_0:
called_computation_lowered:
.L_overlay_start_0:
0x88: {  	s2 =	sld [smem:$0x3FD9]  }
0x89: {  	s3 =	sld [smem:$0x3FFE];
	_ =	sdelay $0x1  }
0x8a: {  	s1 =	srdreg.scid  }
0x8b: {  	s0 =	sand.u32 $0x1, s1  }
0x8c: {  	s15 =	sshll.u32 s0, $0xA;
	s2 =	sadd.s32 s3, s2  }
0x8d: {  	s2 =	sadd.s32 s2, s15  }
0x8e: {  	[smem:$0x3FC4] =	sst s2  }
0x8f: {  	_ = 	snop  }
0x90: {  	s2 =	sld [smem:$0x3FC9]  }
0x91: {  	s16 =	sld [smem:$0x3FD0]  }
0x92: {  	s4 =	sld [smem:$0x3FC8]  }
0x93: {  	s5 =	sld [smem:$0x3FC7]  }
0x94: {  	s7 =	simm.s32 $0xA;
	s8 =	simm.s32 $0x10;
	s6 =	sld [smem:$0x3FC6]  }
0x95: {  	[smem:s8], [sflag:s7] =	dma.local [hbm:s16], $0x1  }
0x96: {  	_ =	swait.eq [sflag:s7], $0x1  }
0x97: {  	s17 =	sld [smem:$0x10]  }
0x98: {  	s18 =	sld [smem:$0x11]  }
0x99: {  	s9 =	sld [smem:$0x12]  }
0x9a: {  	s10 =	sld [smem:$0x13];
	[sflag:s7] =	ssyncset.done $0x0  }
0x9b: {  	s11 =	sld [smem:$0x14];
	[sflag:s7] =	ssyncadd.s32 $0xFFFFFFFF  }
0x9c: {  	s19 =	sld [smem:$0x15];
	(tm) =	ssettm $0x1  }
0x9d: {  	s12 =	sld [smem:$0x3FFB];
	_ =	sdelay $0x3  }
0x9e: {  	_ =	strace s12  }
0x9f: {  	s12 =	sld [smem:$0x3FFC];
	_ =	sdelay $0x3  }
0xa0: {  	_ =	strace s12  }
0xa1: {  	s12 =	sld [smem:$0x3FFD];
	_ =	sdelay $0x3  }
0xa2: {  	_ =	strace s12  }
0xa3: {  	_ =	strace $0x8FFFFFFF  }
0xa4: {  	s20 =	sld [smem:$0x3FDB];
	_ =	sdelay $0x1  }
0xa5: {  	s13 =	simm.s32 $_scs_section_size  }
0xa6: {  	s14 =	simm.s32 $_size__tile_overlayer_lowered;
	s15 =	simm.s32 $_tile_overlayer_lowered  }
0xa7: {  	s23 =	simm.s32 $0x1BFF;
	s22 =	sshll.u32 s15, $0x1;
	s12 =	sadd.s32 s13, s20  }
0xa8: {  	s21 =	sshll.u32 s14, $0x1;
	s16 =	simm.s32 $0x0;
	s14 =	sadd.s32 s22, s12  }
0xa9: {  	[timem:s16], [sflag:s23] =	dma.local [hbm:s14], s21  }
0xaa: {  	_ =	swait.ge [sflag:s23], s21  }
0xab: {  	s13 =	ssub.s32 $0x0, s21;
	[sflag:s23] =	ssyncset.done $0x0  }
0xac: {  	[sflag:s23] =	ssyncadd.s32 s13;
	_ =	sdelay $0x1  }
0xad: {  	s24 =	simm.s32 $0x1B8B  }
0xae: {  	_ =	swait.ge [sflag:s24], $0x1  }
0xaf: {  	[sflag:s24] =	ssyncset.done $0x0  }
0xb0: {  	s25 =	simm.s32 $0x1B8E;
	[sflag:s24] =	ssyncadd.s32 $0xFFFFFFFF  }
0xb1: {  	s26 =	simm.s32 $execute0_lowered;
	[smem:$0x3FD2] =	sst s25  }
0xb2: {  	s13 =	sshll.u32 s26, $0x1;
	_ =	strace $0x80000046;
	[dreg:$0x1] =	wrdreg $0xFFFFFFFF  }
0xb3: {  	s28 =	simm.s32 $_size_execute0_lowered;
	s12 =	sadd.s32 s12, s13;
	[dreg:$0x0] =	wrdreg $0x0  }
0xb4: {  	s13 =	sshll.u32 s28, $0x1;
	[dreg:$0x2] =	wrdreg s12  }
0xb5: {  	[dreg:$0x3] =	wrdreg s13  }
0xb6: {  	[dreg:$0x4] =	wrdreg $0xC0  }
0xb7: {  	_ =	task [dreg:s16], $0x5FFFF  }
0xb8: {  	[dreg:$0x1] =	wrdreg $0xFFFFFFFF  }
0xb9: {  	[dreg:$0x0] =	wrdreg $0x60  }
0xba: {  	[dreg:$0x2] =	wrdreg s2  }
0xbb: {  	[dreg:$0x3] =	wrdreg s4  }
0xbc: {  	[dreg:$0x4] =	wrdreg s5  }
0xbd: {  	[dreg:$0x5] =	wrdreg s6  }
0xbe: {  	[dreg:$0x6] =	wrdreg s17  }
0xbf: {  	[dreg:$0x7] =	wrdreg s18  }
0xc0: {  	[dreg:$0x8] =	wrdreg s9  }
0xc1: {  	[dreg:$0x9] =	wrdreg s10  }
0xc2: {  	[dreg:$0xa] =	wrdreg s11  }
0xc3: {  	[dreg:$0xb] =	wrdreg s19  }
0xc4: {  	[dreg:$0xc] =	wrdreg $0x9  }
0xc5: {  	_ =	task.clear_ibuf [dreg:s16], $0xDFFFF;
	_ =	strace $0x90000046  }
0xc6: {  	s29 =	simm.s32 $0x9;
	_ =	strace $0x80000048  }
0xc7: {  	_ =	swait.ge [sflag:s29], $0x1  }
0xc8: {  	[sflag:s29] =	ssyncadd.s32 $0xFFFFFFFF  }
0xc9: {  	_ =	strace $0x90000048  }
0xca: {  	_ =	sfence  }
0xcb: {  	s30 =	sld [smem:$0x0];
	_ =	sdelay $0x2  }
0xcc: {  	s31 =	sshll.u32 s1, $0xD;
	s1 =	sshrl.u32 s1, $0x2  }
0xcd: {  	s3 =	sand.u32 $0x4000, s31;
	s1 =	sadd.s32 s1, s30  }
0xce: {  	s0 =	sor.u32 s3, s0;
	s1 =	sshll.u32 s1, $0x11  }
0xcf: {  	s0 =	sor.u32 s1, s0  }
0xd0: {  	s0 =	sadd.s32 $0x8F2B, s0  }
0xd1: {  	[sflag:s0] =	ssyncadd.remote.s32 $0x1  }
0xd2: {  	_ =	sfence.sel $0xFFFF  }
0xd3: {  	[dreg:$0x0] =	wrdreg $0xFFFFFFFF;
	(pc) =	sbr.abs _section_cstart, $3  }
0xd4: {  	[dreg:$0x1] =	wrdreg $0xFFFFFFFF  }
0xd5: {  	_ =	task.clear_ibuf [dreg:s16], $0x2FFFF;
	_ =	strace $0x9FFFFFFF  }
0xd6: {  	(tm) =	ssettm $0x7FFFFFFF  }
0xd7: {  	_ =	shalt  }
tec
execute0_lowered:
.L_overlay_start_1:
0x0: {  	(tag) =	ssettag $0x1  }
0x1: {  	s0 =	rddreg [dreg:$0x0]  }
0x2: {  	s2 =	rddreg [dreg:$0x1]  }
0x3: {  	s1 =	rddreg [dreg:$0x3]  }
0x4: {  	s3 =	rddreg [dreg:$0x5]  }
0x5: {  	s4 =	rddreg [dreg:$0x6]  }
0x6: {  	s5 =	rddreg [dreg:$0x7]  }
0x7: {  	s14 =	rddreg [dreg:$0x8]  }
0x8: {  	s6 =	rddreg [dreg:$0x9];
	s7 =	srdreg.scid;
	s8 =	simm.s32 $0x0  }
0x9: {  	s15 =	stileid.u32;
	s28 =	simm.s32 $0x8600;
	s29 =	simm.s32 $0x8E00  }
0xa: {  	s30 =	simm.s32 $0x1;
	s7 =	sand.u32 $0x1, s7;
	[smem:$0x7FF] =	sst s8  }
0xb: {  	s9 =	sshll.u32 s15, $0x1;
	s8 =	sadd.s32 $0x100, s1;
	s31 =	sshrl.u32 s15, $0x2  }
0xc: {  	s19 =	sadd.s32 $0x10, s14;
	s23 =	ssub.s32 $0x2, s7;
	_ =	strace $0x80000047  }
0xd: {  	s9 =	sor.u32 s7, s9;
	s16 =	sshll.u32 s7, $0x4;
	s17 =	smul.u32 $0x9000, s31  }
0xe: {  	[dreg:$0x10] =	wrdreg s19;
	s10 =	sshrl.u32 s23, $0x1;
	s11 =	smul.u32 $0x300, s9  }
0xf: {  	s12 =	sor.u32 s15, s16;
	s13 =	sshll.u32 s9, $0x6;
	s24 =	sshll.u32 s9, $0x1  }
0x10: {  	s25 =	smul.u32 $0x4E2, s9;
	s18 =	sshll.u32 s9, $0x7;
	[dreg:$0xb] =	wrdreg s16  }
0x11: {  	s10 =	ssub.s32 s23, s10;
	s26 =	smul.u32 $0xA00, s12;
	s20 =	sand.u32 $0x380, s18  }
0x12: {  	s22 =	sadd.s32 s6, s12;
	s23 =	smul.u32 $0x120, s15;
	s31 =	sshrl.u32 s13, $0x2  }
0x13: {  	s12 =	simm.s32 $0x9E00;
	s15 =	simm.s32 $0xAA00;
	[dreg:$0x13] =	wrdreg s22  }
0x14: {  	s18 =	simm.s32 $0xB600;
	s4 =	sadd.s32 s4, s11;
	[dreg:$0x19] =	wrdreg s31  }
0x15: {  	s0 =	sadd.s32 s0, s25;
	s2 =	sadd.s32 s2, s25;
	[dreg:$0xc] =	wrdreg s4  }
0x16: {  	s25 =	smul.u32 $0x1200, s7;
	s11 =	simm.s32 $0x9A00;
	[dreg:$0xe] =	wrdreg s0  }
0x17: {  	s4 =	sadd.s32 s5, s24;
	[dreg:$0xf] =	wrdreg s2;
	s21 =	sadd.s32 s14, s26  }
0x18: {  	s0 =	sor.u32 s17, s20;
	[dreg:$0x14] =	wrdreg s23;
	s24 =	sadd.s32 s6, s16  }
0x19: {  	s6 =	simm.s32 $0x0;
	s14 =	simm.s32 $0xA600;
	s16 =	simm.s32 $0xB200  }
0x1a: {  	s17 =	simm.s32 $0xD600;
	s20 =	simm.s32 $0x1C480;
	[dreg:$0xd] =	wrdreg s4  }
0x1b: {  	s2 =	simm.s32 $0x0;
	[dreg:$0x11] =	wrdreg s21;
	s4 =	sadd.s32 s26, s19  }
.Ltmp0:
0x1c: {  	v0 =	vlaneseq.u32;
	s0 =	sshrl.u32 s0, $0x3;
	[dreg:$0x16] =	wrdreg s24;
	(pc) =	sbr.rel .LBB2_1-.Ltmp0, $4  }
0x1d: {  	v1 =	vimm.s32 $0xFFFFFFFF;
	v2 =	vimm.f32 $0.0e+00;
	vm0 =	vmmov $0xffff;
	[dreg:$0x17] =	wrdreg s25;
	s26 =	smax.u32 s10, $0x1;
	s10 =	simm.s32 $0x9200  }
0x1e: {  	vm1 =	vmmov $0xff;
	v6 =	vimm.f32 $1.000000000e+00;
	v4 =	vshrl.u32 v0, $0x3;
	s19 =	simm.s32 $0xBE00;
	s21 =	simm.s32 $0xC200;
	[dreg:$0x12] =	wrdreg s4  }
0x1f: {  	v3 =	vand.u32 $0x7, v0;
	v5 =	vor.u32 $0x8, v0;
	v7 =	vor.u32 $0x10, v0;
	s24 =	simm.s32 $0xCA00;
	s0 =	sadd.s32 s3, s0;
	[dreg:$0x18] =	wrdreg s26  }
0x20: {  	v8 =	vor.u32 $0x20, v0;
	v9 =	vor.u32 $0x30, v0;
	v4 =	vmul.u32 $0x8, v4;
	s3 =	simm.s32 $0xCE00;
	s26 =	simm.s32 $0x7A00;
	[dreg:$0x15] =	wrdreg s0  }
.LBB2_29:
0x21: {  	s2 =	rddreg [dreg:$0x1a]  }
0x22: {  	s0 =	rddreg [dreg:$0x18];
	s2 =	sadd.s32 $0x1, s2  }
0x23: {  	p0 =	sne.s32 s2, s0  }
.Ltmp1:
0x24: {  	_ = 	snop;
	(pc) =	sbr.rel @!p0 .LBB2_30-.Ltmp1, $1  }
0x25: {  	_ =	sdelay $0x3  }
.LBB2_1:
0x26: {  	[dreg:$0x1a] =	wrdreg s2  }
0x27: {  	s0 =	rddreg [dreg:$0x2];
	s25 =	simm.s32 $0x2780;
	s31 =	simm.s32 $0x2  }
0x28: {  	[tilespmem:s25], [sflag:$0x2] =	stream.linear.gather [hbm4b:s0+s6], $0x200, $0x38;
	[tilespmem:$0x1C680] =	vst v63  }
0x29: {  	_ =	swait.ge [sflag:s31], $0x200  }
0x2a: {  	[sflag:s31] =	ssyncset.done $0x0  }
0x2b: {  	s0 =	simm.s32 $0x0;
	[sflag:s31] =	ssyncadd.s32 $0xFFFFFE00  }
.LBB2_2:
0x2c: {  	p0 =	sne.s32 s0, $0x9C00  }
.Ltmp2:
0x2d: {  	_ = 	snop;
	(pc) =	sbr.rel @p0 .LBB2_2-.Ltmp2, $3  }
0x2e: {  	_ =	sdelay $0x1  }
0x2f: {  	s2 =	sshra.s32 s0, $0x2  }
0x30: {  	s0 =	sadd.s32 $0x40, s0;
	[tilespmem:s2+$0x0] =	vst v1  }
0x31: {  	s2 =	simm.s32 $0x2780  }
0x32: {  	s0 =	simm.s32 $0x0;
	s4 =	simm.s32 $0x10;
	s5 =	simm.s32 $0x0;
	v10 =	vld [tilespmem:s2+$0x0]  }
.LBB2_4:
0x33: {  	p0 =	sne.s32 s4, $0x1F0;
	_ =	sdelay $0x3  }
.Ltmp3:
0x34: {  	(pc) =	sbr.rel @p0 .LBB2_4-.Ltmp3, $4  }
0x35: {  	_ = 	snop  }
0x36: {  	v11 =	vor.u32 s5, v0;
	s5 =	smov.u32 s4  }
0x37: {  	s2 =	sadd.s32 $0x10, s2;
	[tilespmem:v10+s0+$0x0] =	vst.idx.msk $0xffff, v11  }
0x38: {  	s4 =	sadd.s32 $0x10, s4;
	v10 =	vld [tilespmem:s2+$0x0]  }
0x39: {  	_ =	sdelay $0x6  }
0x3a: {  	v11 =	vor.u32 s5, v0  }
0x3b: {  	s2 =	simm.s32 $0x0;
	[tilespmem:v10+s0+$0x0] =	vst.idx.msk $0xffff, v11;
	s0 =	simm.s32 $0x40  }
.LBB2_6:
0x3c: {  	p0 =	sne.s32 s0, $0x47C0;
	[tilespmem:s2+$0xDA00] =	vst v2;
	s2 =	smov.u32 s0;
	s0 =	sadd.s32 $0x40, s0  }
.Ltmp4:
0x3d: {  	(pc) =	sbr.rel @p0 .LBB2_6-.Ltmp4, $2  }
0x3e: {  	_ =	sdelay $0x2  }
0x3f: {  	s2 =	sshra.s32 s2, $0x2  }
0x40: {  	[tilespmem:s2+$0xDA00] =	vst v2;
	s0 =	rddreg [dreg:$0x19]  }
0x41: {  	v10 =	vld [tilespmem:s0+$0x2780];
	_ =	sdelay $0x4  }
0x42: {  	v11 =	vshrl.u32 v10, $0x3  }
0x43: {  	v11 =	vmul.u32 $0x18, v11  }
0x44: {  	v12 =	vand.u32 $0x7, v10  }
0x45: {  	v11 =	vor.u32 v12, v11  }
0x46: {  	v12 =	vperm.xlane v11, v3;
	_ =	sdelay $0x1  }
0x47: {  	v12 =	vadd.s32 v4, v12;
	_ =	sdelay $0x1  }
0x48: {  	v11 =	vperm.xlane v11, v5;
	_ =	sdelay $0x1  }
0x49: {  	s4 =	simm.s32 $0x7A00;
	s0 =	simm.s32 $0x0;
	[tilespmem:$0x1C500] =	vst v10;
	v11 =	vadd.s32 v4, v11  }
0x4a: {  	[tilespmem:s4], [sflag:$0x1] =	stream.indirect_vreg.gather [hbm4b:s1+s0], $0x80, v12, vm0, $0xb8;
	[tilespmem:$0x1C680] =	vst v63  }
0x4b: {  	s31 =	simm.s32 $0x8200  }
0x4c: {  	[tilespmem:s31], [sflag:$0x1] =	stream.indirect_vreg.gather [hbm4b:s8+s0], $0x80, v12, vm1, $0xb8;
	[tilespmem:$0x1C680] =	vst v63  }
0x4d: {  	_ = 	snop  }
0x4e: {  	[tilespmem:s28], [sflag:$0x1] =	stream.indirect_vreg.gather [hbm4b:s1+s0], $0x80, v11, vm0, $0xb8;
	[tilespmem:$0x1C680] =	vst v63  }
0x4f: {  	_ = 	snop  }
0x50: {  	[tilespmem:s29], [sflag:$0x1] =	stream.indirect_vreg.gather [hbm4b:s8+s0], $0x80, v11, vm1, $0xb8;
	[tilespmem:$0x1C680] =	vst v63  }
0x51: {  	_ =	swait.ge [sflag:s30], $0x1800  }
0x52: {  	[sflag:s30] =	ssyncset.done $0x0  }
0x53: {  	s7 =	simm.s32 $0x2;
	s5 =	rddreg [dreg:$0xc];
	[sflag:s30] =	ssyncadd.s32 $0xFFFFE800  }
0x54: {  	[hbm4b:s5+s0] =	stream.linear.scatter [tilespmem:s4], [sflag:$0x2], $0x1800, $0x38;
	[tilespmem:$0x1C680] =	vst v63  }
0x55: {  	_ =	swait.ge [sflag:s7], $0x1800  }
0x56: {  	[sflag:s7] =	ssyncset.done $0x0  }
0x57: {  	[sflag:s7] =	ssyncadd.s32 $0xFFFFE800  }
0x58: {  	v10 =	vld.idx.msk [tilespmem:v10+s0+$0x0], $0xffff;
	_ =	sdelay $0x4  }
0x59: {  	s5 =	simm.s32 $0x1C580;
	s9 =	rddreg [dreg:$0xd];
	[tilespmem:$0x1C580] =	vst v10  }
0x5a: {  	[hbm4b:s9+s0] =	stream.linear.scatter [tilespmem:s5], [sflag:$0x2], $0x10, $0x38;
	[tilespmem:$0x1C680] =	vst v63  }
0x5b: {  	_ =	swait.ge [sflag:s7], $0x10  }
0x5c: {  	[sflag:s7] =	ssyncset.done $0x0  }
0x5d: {  	s22 =	simm.s32 $0x2980;
	s13 =	rddreg [dreg:$0xe];
	[sflag:s7] =	ssyncadd.s32 $0xFFFFFFF0  }
0x5e: {  	[tilespmem:s22], [sflag:$0x2] =	stream.linear.gather [hbm4b:s13+s0], $0x2710, $0x38;
	[tilespmem:$0x1C680] =	vst v63  }
0x5f: {  	_ =	swait.ge [sflag:s7], $0x2710  }
0x60: {  	[sflag:s7] =	ssyncset.done $0x0  }
0x61: {  	s25 =	simm.s32 $0x5180;
	s23 =	rddreg [dreg:$0xf];
	[sflag:s7] =	ssyncadd.s32 $0xFFFFD8F0  }
0x62: {  	[tilespmem:s25], [sflag:$0x2] =	stream.linear.gather [hbm4b:s23+s0], $0x2710, $0x38;
	[tilespmem:$0x1C680] =	vst v63  }
0x63: {  	_ =	swait.ge [sflag:s7], $0x2710  }
0x64: {  	[sflag:s7] =	ssyncset.done $0x0  }
0x65: {  	s31 =	simm.s32 $0x0;
	[sflag:s7] =	ssyncadd.s32 $0xFFFFD8F0  }
0x66: {  	v10 =	vld [tilespmem:s31+$0x5180];
	_ =	sdelay $0x5  }
0x67: {  	v11 =	vld [tilespmem:s31+$0x2980];
	_ =	sdelay $0x1  }
0x68: {  	v10 =	vld.idx.msk [tilespmem:v10+s6+$0x0], $0xffff;
	_ =	sdelay $0x2  }
0x69: {  	v62 =	vshll.u32 v11, $0x9  }
0x6a: {  	v12 =	vand.u32 $0x1E00, v62  }
0x6b: {  	vm2 =	vgt.s32 v10, $0xFFFFFFFF;
	v10 =	vadd.s32 v10, v12  }
0x6c: {  	v12 =	vnsel vm2, $0x0, v10;
	v13 =	vmpcnt.ones.xlane vm2;
	_ =	sdelay $0x1  }
0x6d: {  	v63 =	vxor.u32 $0x80000000, v13  }
0x6e: {  	(xrf0) =	vmax.scan.msk.u32 $0xffff, v63  }
0x6f: {  	s5 =	simm.s32 $0xDA00  }
0x70: {  	v11 =	vshrl.u32 v11, $0x4;
	[tilespmem:v12+s5+$0x0] =	vst.idx.add.f32.msk vm2, v6  }
0x71: {  	[tilespmem:s0+$0x2980] =	vst.msk vm2, v11  }
0x72: {  	s2 =	simm.s32 $0x80;
	s4 =	simm.s32 $0x10;
	[tilespmem:s0+$0x5180] =	vst.msk vm2, v10  }
.LBB2_8:
0x73: {  	p0 =	sne.s32 s2, $0x9C00;
	v10 =	vld [tilespmem:s4+$0x5180]  }
0x74: {  	v11 =	vld [tilespmem:s4+$0x2980];
	v12, _, _ =	vpop (xrf0)  }
0x75: {  	(v2sf) =	vpush v12, $0xF;
	_ =	sdelay $0x3  }
0x76: {  	v12 =	vshrl.u32 v11, $0x4;
	_ =	sdelay $0x1  }
0x77: {  	v10 =	vld.idx.msk [tilespmem:v10+s6+$0x0], $0xffff;
	_ =	sdelay $0x3  }
0x78: {  	v11 =	vshll.u32 v11, $0x9  }
0x79: {  	v11 =	vand.u32 $0x1E00, v11  }
0x7a: {  	vm2 =	vgt.s32 v10, $0xFFFFFFFF;
	v10 =	vadd.s32 v10, v11  }
0x7b: {  	v11 =	vnsel vm2, $0x0, v10;
	v13 =	vmpcnt.ones.xlane vm2;
	_ =	sdelay $0x1  }
0x7c: {  	v13 =	vxor.u32 $0x80000000, v13;
	s4 =	spop (v2sf)  }
.Ltmp5:
0x7d: {  	(xrf0) =	vmax.scan.msk.u32 $0xffff, v13;
	s0 =	sadd.s32 s4, s0;
	(pc) =	sbr.rel @p0 .LBB2_8-.Ltmp5, $4  }
0x7e: {  	s0 =	sadd.s32 $0x80000000, s0  }
0x7f: {  	[tilespmem:v11+s5+$0x0] =	vst.idx.add.f32.msk vm2, v6  }
0x80: {  	[tilespmem:s0+$0x2980] =	vst.msk vm2, v12  }
0x81: {  	s4 =	sshra.s32 s2, $0x2;
	s2 =	sadd.s32 $0x40, s2;
	[tilespmem:s0+$0x5180] =	vst.msk vm2, v10  }
0x82: {  	v10 =	vld [tilespmem:s4+$0x5180];
	_ =	sdelay $0x7  }
0x83: {  	v10 =	vld.idx.msk [tilespmem:v10+s6+$0x0], $0xffff;
	_ =	sdelay $0x4  }
0x84: {  	vm2 =	vgt.s32 v10, $0xFFFFFFFF  }
0x85: {  	v11 =	vmpcnt.ones.xlane vm2;
	_ =	sdelay $0x1  }
0x86: {  	v11 =	vxor.u32 $0x80000000, v11  }
0x87: {  	(xrf0) =	vmax.scan.msk.u32 $0xffff, v11;
	_ =	sdelay $0x1  }
0x88: {  	v11, _, _ =	vpop (xrf0)  }
0x89: {  	(v2sf) =	vpush v11, $0xF;
	_ =	sdelay $0x2  }
0x8a: {  	v11, _, _ =	vpop (xrf0)  }
0x8b: {  	v12 =	vld [tilespmem:s4+$0x2980];
	(v2sf) =	vpush v11, $0xF;
	_ =	sdelay $0x4  }
0x8c: {  	v11 =	vshll.u32 v12, $0x9  }
0x8d: {  	v11 =	vand.u32 $0x1E00, v11  }
0x8e: {  	v10 =	vadd.s32 v10, v11  }
0x8f: {  	v11 =	vnsel vm2, $0x0, v10;
	_ =	sdelay $0x2  }
0x90: {  	s2 =	spop (v2sf)  }
0x91: {  	s0 =	sadd.s32 s2, s0  }
0x92: {  	v12 =	vshrl.u32 v12, $0x4;
	[tilespmem:v11+s5+$0x0] =	vst.idx.add.f32.msk vm2, v6;
	s0 =	sadd.s32 $0x80000000, s0  }
0x93: {  	s22 =	rddreg [dreg:$0x11];
	s23 =	simm.s32 $0x2980;
	s9 =	simm.s32 $0x80;
	[tilespmem:s0+$0x2980] =	vst.msk vm2, v12  }
0x94: {  	s13 =	simm.s32 $0x100;
	s5 =	simm.s32 $0x2;
	[tilespmem:s0+$0x5180] =	vst.msk vm2, v10;
	s2 =	spop (v2sf)  }
0x95: {  	[hbm4b:s22+s9] =	stream.strided.scatter [tilespmem:s23], [sflag:$0x2], $0x2800, s13, s9, $0x38;
	[tilespmem:$0x1C680] =	vst v63  }
0x96: {  	_ =	swait.ge [sflag:s5], $0x2800  }
0x97: {  	[sflag:s5] =	ssyncset.done $0x0  }
0x98: {  	s31 =	simm.s32 $0x5180;
	s25 =	rddreg [dreg:$0x12];
	[sflag:s5] =	ssyncadd.s32 $0xFFFFD800  }
0x99: {  	[hbm4b:s25+s9] =	stream.strided.scatter [tilespmem:s31], [sflag:$0x2], $0x2800, s13, s9, $0x38;
	[tilespmem:$0x1C680] =	vst v63  }
0x9a: {  	s0 =	sadd.s32 s2, s0;
	_ =	swait.ge [sflag:s5], $0x2800  }
0x9b: {  	s0 =	sadd.s32 $0x80000000, s0;
	[sflag:s5] =	ssyncset.done $0x0  }
0x9c: {  	v10 =	vmov s0;
	[sflag:s5] =	ssyncadd.s32 $0xFFFFD800  }
0x9d: {  	s4 =	simm.s32 $0x0;
	s13 =	simm.s32 $0x1C500;
	s6 =	rddreg [dreg:$0x13];
	[tilespmem:$0x1C500] =	vst v10  }
0x9e: {  	[hbm4b:s6+s4] =	stream.linear.scatter [tilespmem:s13], [sflag:$0x2], $0x8, $0x38;
	[tilespmem:$0x1C680] =	vst v63  }
0x9f: {  	_ =	swait.ge [sflag:s5], $0x8  }
0xa0: {  	s7 =	simm.s32 $0xDA00;
	[sflag:s5] =	ssyncset.done $0x0  }
0xa1: {  	s23 =	simm.s32 $0x400;
	s22 =	rddreg [dreg:$0x15];
	[sflag:s5] =	ssyncadd.s32 $0xFFFFFFF8  }
0xa2: {  	[hbm4b:s22+s9] =	stream.strided.scatter [tilespmem:s7], [sflag:$0x2], $0x1200, s23, s9, $0x38;
	[tilespmem:$0x1C680] =	vst v63  }
0xa3: {  	_ =	swait.ge [sflag:s5], $0x1200  }
0xa4: {  	[sflag:s5] =	ssyncset.done $0x0  }
0xa5: {  	[sflag:s5] =	ssyncadd.s32 $0xFFFFEE00  }
0xa6: {  	[bflag:$0x0] =	sbarrier.arrive $0xFFFF  }
.Ltmp6:
0xa7: {  	s31 =	simm.s32 $0x1C600;
	s25 =	rddreg [dreg:$0x16];
	(pc) =	sbr.rel .LBB2_10-.Ltmp6, $4  }
0xa8: {  	[tilespmem:s31], [sflag:$0x2] =	stream.linear.gather [hbm4b:s25+s4], $0x80, $0x38;
	[tilespmem:$0x1C680] =	vst v63  }
0xa9: {  	_ =	swait.ge [sflag:s5], $0x80  }
0xaa: {  	[sflag:s5] =	ssyncset.done $0x0  }
0xab: {  	p1 =	por $0x1, $0x1;
	s0 =	simm.s32 $0x0;
	[sflag:s5] =	ssyncadd.s32 $0xFFFFFF80  }
.LBB2_28:
0xac: {  	s0 =	rddreg [dreg:$0x17]  }
0xad: {  	s0 =	sadd.s32 s0, s6  }
0xae: {  	s0 =	sshrl.u32 s0, $0x3  }
0xaf: {  	s0 =	smul.u32 $0x180, s0  }
0xb0: {  	s2 =	rddreg [dreg:$0x4];
	s25 =	simm.s32 $0xEC00;
	s31 =	simm.s32 $0x2  }
.Ltmp7:
0xb1: {  	s6 =	simm.s32 $0x0;
	s0 =	sadd.s32 s2, s0;
	(pc) =	sbr.rel @!p0 .LBB2_29-.Ltmp7, $4  }
0xb2: {  	[hbm4b:s0+s6] =	stream.linear.scatter [tilespmem:s25], [sflag:$0x2], $0xD800, $0x38;
	[tilespmem:$0x1C680] =	vst v63  }
0xb3: {  	_ =	swait.ge [sflag:s31], $0xD800  }
0xb4: {  	[sflag:s31] =	ssyncset.done $0x0  }
0xb5: {  	p1 =	por $0x0, $0x0;
	s0 =	simm.s32 $0x90;
	[sflag:s31] =	ssyncadd.s32 $0xFFFF2800  }
.LBB2_10:
0xb6: {  	s2 =	simm.s32 $0x0  }
0xb7: {  	s2 =	smul.u32 $0x3000, s2  }
0xb8: {  	s4 =	simm.s32 $0x0  }
0xb9: {  	s4 =	sand.u32 $0x380, s4;
	s2 =	sshra.s32 s2, $0x2  }
0xba: {  	s2 =	sor.u32 s4, s2  }
0xbb: {  	[tilespmem:s2+$0xF470] =	vst v2  }
0xbc: {  	[tilespmem:s2+$0xEC00] =	vst v2  }
0xbd: {  	[tilespmem:s2+$0xEC10] =	vst v2  }
0xbe: {  	[tilespmem:s2+$0xEC20] =	vst v2  }
0xbf: {  	[tilespmem:s2+$0xEC30] =	vst v2  }
0xc0: {  	[tilespmem:s2+$0xEC40] =	vst v2  }
0xc1: {  	[tilespmem:s2+$0xEC50] =	vst v2  }
0xc2: {  	[tilespmem:s2+$0xEC60] =	vst v2  }
0xc3: {  	[tilespmem:s2+$0xEC70] =	vst v2  }
0xc4: {  	[tilespmem:s2+$0xF000] =	vst v2  }
0xc5: {  	[tilespmem:s2+$0xF010] =	vst v2  }
0xc6: {  	[tilespmem:s2+$0xF020] =	vst v2  }
0xc7: {  	[tilespmem:s2+$0xF030] =	vst v2  }
0xc8: {  	[tilespmem:s2+$0xF040] =	vst v2  }
0xc9: {  	[tilespmem:s2+$0xF050] =	vst v2  }
0xca: {  	[tilespmem:s2+$0xF060] =	vst v2  }
0xcb: {  	[tilespmem:s2+$0xF070] =	vst v2  }
0xcc: {  	[tilespmem:s2+$0xF400] =	vst v2  }
0xcd: {  	p0 =	por p1, p1;
	[tilespmem:s2+$0xF410] =	vst v2  }
0xce: {  	s6 =	simm.s32 $0x0;
	s5 =	simm.s32 $0x2;
	s4 =	simm.s32 $0x0;
	[tilespmem:s2+$0xF420] =	vst v2  }
.LBB2_11:
0xcf: {  	p1 =	seq.s32 s5, $0x8F;
	s6 =	smul.u32 $0x3000, s6;
	[tilespmem:s2+$0xF430] =	vst v2  }
0xd0: {  	s4 =	sadd.s32 $0x80, s4;
	[tilespmem:s2+$0xF440] =	vst v2  }
0xd1: {  	s7 =	sand.u32 $0x380, s4;
	s6 =	sshra.s32 s6, $0x2;
	[tilespmem:s2+$0xF450] =	vst v2  }
0xd2: {  	[tilespmem:s2+$0xF460] =	vst v2;
	s2 =	sor.u32 s7, s6  }
0xd3: {  	[tilespmem:s2+$0xF470] =	vst v2  }
0xd4: {  	[tilespmem:s2+$0xEC00] =	vst v2  }
0xd5: {  	[tilespmem:s2+$0xEC10] =	vst v2  }
0xd6: {  	[tilespmem:s2+$0xEC20] =	vst v2  }
0xd7: {  	[tilespmem:s2+$0xEC30] =	vst v2  }
0xd8: {  	[tilespmem:s2+$0xEC40] =	vst v2  }
0xd9: {  	[tilespmem:s2+$0xEC50] =	vst v2  }
0xda: {  	[tilespmem:s2+$0xEC60] =	vst v2  }
0xdb: {  	[tilespmem:s2+$0xEC70] =	vst v2  }
0xdc: {  	[tilespmem:s2+$0xF000] =	vst v2  }
0xdd: {  	[tilespmem:s2+$0xF010] =	vst v2  }
0xde: {  	[tilespmem:s2+$0xF020] =	vst v2  }
0xdf: {  	[tilespmem:s2+$0xF030] =	vst v2  }
0xe0: {  	[tilespmem:s2+$0xF040] =	vst v2  }
0xe1: {  	[tilespmem:s2+$0xF050] =	vst v2  }
.Ltmp8:
0xe2: {  	[tilespmem:s2+$0xF060] =	vst v2;
	(pc) =	sbr.rel @!p1 .LBB2_11-.Ltmp8, $4  }
0xe3: {  	[tilespmem:s2+$0xF070] =	vst v2  }
0xe4: {  	[tilespmem:s2+$0xF400] =	vst v2  }
0xe5: {  	[tilespmem:s2+$0xF410] =	vst v2  }
0xe6: {  	s6 =	sshrl.u32 s5, $0x3;
	s5 =	sadd.s32 $0x1, s5;
	[tilespmem:s2+$0xF420] =	vst v2  }
0xe7: {  	s5 =	smul.u32 $0x3000, s6;
	[tilespmem:s2+$0xF430] =	vst v2  }
0xe8: {  	[tilespmem:s2+$0xF440] =	vst v2;
	s4 =	sadd.s32 $0x80, s4  }
0xe9: {  	[tilespmem:s2+$0xF450] =	vst v2;
	s4 =	sand.u32 $0x380, s4;
	s5 =	sshra.s32 s5, $0x2  }
0xea: {  	[tilespmem:s2+$0xF460] =	vst v2;
	s4 =	sor.u32 s4, s5  }
0xeb: {  	[tilespmem:s4+$0xF470] =	vst v2  }
0xec: {  	[tilespmem:s4+$0xEC00] =	vst v2  }
0xed: {  	[tilespmem:s4+$0xEC10] =	vst v2  }
0xee: {  	[tilespmem:s4+$0xEC20] =	vst v2  }
0xef: {  	[tilespmem:s4+$0xEC30] =	vst v2  }
0xf0: {  	[tilespmem:s4+$0xEC40] =	vst v2  }
0xf1: {  	[tilespmem:s4+$0xEC50] =	vst v2  }
0xf2: {  	[tilespmem:s4+$0xEC60] =	vst v2  }
0xf3: {  	[tilespmem:s4+$0xEC70] =	vst v2  }
0xf4: {  	[tilespmem:s4+$0xF000] =	vst v2  }
0xf5: {  	[tilespmem:s4+$0xF010] =	vst v2  }
0xf6: {  	[tilespmem:s4+$0xF020] =	vst v2  }
0xf7: {  	[tilespmem:s4+$0xF030] =	vst v2  }
0xf8: {  	[tilespmem:s4+$0xF040] =	vst v2  }
0xf9: {  	[tilespmem:s4+$0xF050] =	vst v2  }
0xfa: {  	[tilespmem:s4+$0xF060] =	vst v2  }
0xfb: {  	[tilespmem:s4+$0xF070] =	vst v2  }
0xfc: {  	[tilespmem:s4+$0xF400] =	vst v2  }
0xfd: {  	[tilespmem:s4+$0xF410] =	vst v2  }
.Ltmp9:
0xfe: {  	[tilespmem:s4+$0xF420] =	vst v2;
	(pc) =	sbr.rel .LBB2_13-.Ltmp9, $4  }
0xff: {  	s31 =	rddreg [dreg:$0x14];
	[tilespmem:s4+$0xF430] =	vst v2  }
0x100: {  	s6 =	sadd.s32 s31, s0;
	[tilespmem:s4+$0xF440] =	vst v2  }
0x101: {  	s0 =	sadd.s32 $0x90, s6;
	[tilespmem:s4+$0xF450] =	vst v2  }
0x102: {  	s7 =	simm.s32 $0x0;
	v10 =	vmov s6;
	v11 =	vmov s0;
	s0 =	simm.s32 $0x0;
	[tilespmem:s4+$0xF460] =	vst v2  }
.LBB2_23:
0x103: {  	s7 =	rddreg [dreg:$0x1b]  }
0x104: {  	s7 =	sadd.s32 $0x1, s7  }
0x105: {  	p1 =	sne.s32 s7, $0x10  }
.Ltmp10:
0x106: {  	_ = 	snop;
	(pc) =	sbr.rel @!p1 .LBB2_24-.Ltmp10, $1  }
0x107: {  	_ =	sdelay $0x3  }
.LBB2_13:
0x108: {  	s2 =	sshll.u32 s7, $0x3  }
0x109: {  	v12 =	vmov s2  }
0x10a: {  	v12 =	vbroadcast v12, $0x0;
	_ =	sdelay $0x4  }
0x10b: {  	s25 =	simm.s32 $0x1C600  }
0x10c: {  	v12 =	vld.idx.msk [tilespmem:v12+s25+$0x0], $0xffff;
	_ =	sdelay $0x4  }
0x10d: {  	v12 =	vxor.u32 $0x80000000, v12  }
0x10e: {  	(xrf0) =	vmax.scan.msk.u32 $0xffff, v12;
	_ =	sdelay $0x5  }
0x10f: {  	v12, _, _ =	vpop (xrf0)  }
0x110: {  	(v2sf) =	vpush v12, $0xF;
	_ =	sdelay $0xe  }
0x111: {  	s2 =	spop (v2sf)  }
0x112: {  	s4 =	sadd.s32 $0x800003FF, s2  }
0x113: {  	s5 =	sand.u32 $0x3FF, s4  }
0x114: {  	s31 =	sshra.s32 s4, $0x1F;
	p2 =	slt.s32 s4, $0x1;
	p1 =	sne.s32 s5, $0x0  }
0x115: {  	s5 =	sshrl.u32 s31, $0x16;
	p1 =	por !p2, !p1  }
0x116: {  	s4 =	sadd.s32 s5, s4;
	s5 =	simm.s32 $0x1;
	p1 =	por !p1, !p1  }
0x117: {  	s4 =	sshra.s32 s4, $0xA;
	s5 =	simm.s32 @!p1 $0x0  }
0x118: {  	s4 =	ssub.s32 s4, s5  }
0x119: {  	p1 =	slt.s32 s4, $0x1  }
.Ltmp11:
0x11a: {  	_ = 	snop;
	(pc) =	sbr.rel @p1 .LBB2_23-.Ltmp11, $3  }
0x11b: {  	_ =	sdelay $0x1  }
0x11c: {  	[dreg:$0x1b] =	wrdreg s7  }
0x11d: {  	[dreg:$0x1c] =	wrdreg s4  }
.Ltmp12:
0x11e: {  	s4 =	sxor.u32 $0x80000000, s2;
	s25 =	rddreg [dreg:$0xb];
	(pc) =	sbr.rel .LBB2_15-.Ltmp12, $4  }
0x11f: {  	[dreg:$0x1d] =	wrdreg s4;
	s4 =	sadd.s32 s25, s7  }
0x120: {  	s4 =	smul.u32 $0x5000, s4  }
0x121: {  	s31 =	sand.u32 $0xF, s2  }
0x122: {  	s5 =	simm.s32 $0x0;
	p1 =	sne.s32 s31, $0x1;
	[dreg:$0x1e] =	wrdreg s4  }
.LBB2_22:
0x123: {  	s5 =	sadd.s32 $0x1, s5;
	s2 =	rddreg [dreg:$0x1c]  }
0x124: {  	p2 =	sne.s32 s5, s2  }
.Ltmp13:
0x125: {  	_ = 	snop;
	(pc) =	sbr.rel @!p2 .LBB2_23-.Ltmp13, $1  }
0x126: {  	_ =	sdelay $0x3  }
.LBB2_15:
0x127: {  	s2 =	sshll.u32 s5, $0xB;
	s4 =	rddreg [dreg:$0x1e]  }
0x128: {  	s25 =	rddreg [dreg:$0x8];
	s2 =	sadd.s32 s4, s2  }
0x129: {  	s7 =	simm.s32 $0x2980;
	s13 =	simm.s32 $0x80;
	s2 =	sshrl.u32 s2, $0x3  }
0x12a: {  	s22 =	simm.s32 $0x100;
	s9 =	simm.s32 $0x2;
	s4 =	sadd.s32 s25, s2  }
0x12b: {  	[tilespmem:s7], [sflag:$0x2] =	stream.strided.gather [hbm4b:s4+s13], $0x400, s22, s13, $0x38;
	[tilespmem:$0x1C680] =	vst v63  }
0x12c: {  	s23 =	simm.s32 $0x5180;
	_ =	swait.ge [sflag:s9], $0x400  }
0x12d: {  	s4 =	sshll.u32 s5, $0xA;
	[sflag:s9] =	ssyncset.done $0x0;
	s31 =	rddreg [dreg:$0x10]  }
0x12e: {  	s25 =	rddreg [dreg:$0x1d];
	[sflag:s9] =	ssyncadd.s32 $0xFFFFFC00;
	s2 =	sadd.s32 s2, s31  }
0x12f: {  	[tilespmem:s23], [sflag:$0x2] =	stream.strided.gather [hbm4b:s2+s13], $0x400, s22, s13, $0x38;
	[tilespmem:$0x1C680] =	vst v63  }
0x130: {  	s2 =	ssub.s32 s25, s4  }
0x131: {  	s4 =	sadd.s32 $0xF, s2  }
0x132: {  	s31 =	sshra.s32 s4, $0x1F;
	p2 =	slt.s32 s4, $0x1  }
0x133: {  	s7 =	sshrl.u32 s31, $0x1C;
	p2 =	por !p2, !p1  }
0x134: {  	s4 =	sadd.s32 s7, s4;
	p2 =	por !p2, !p2;
	s7 =	simm.s32 $0x1  }
0x135: {  	s4 =	sshra.s32 s4, $0x4;
	s7 =	simm.s32 @!p2 $0x0  }
0x136: {  	s4 =	ssub.s32 s4, s7  }
0x137: {  	p2 =	slt.s32 s4, $0x1  }
.Ltmp14:
0x138: {  	_ = 	snop;
	(pc) =	sbr.rel @p2 .LBB2_22-.Ltmp14, $4  }
0x139: {  	_ = 	snop  }
0x13a: {  	_ =	swait.ge [sflag:s9], $0x400  }
0x13b: {  	[sflag:s9] =	ssyncset.done $0x0  }
0x13c: {  	[sflag:s9] =	ssyncadd.s32 $0xFFFFFC00  }
.Ltmp15:
0x13d: {  	(pc) =	sbr.rel .LBB2_17-.Ltmp15, $2  }
0x13e: {  	_ =	sdelay $0x2  }
0x13f: {  	s9 =	smin.u32 s4, $0x40;
	v12 =	vmov s2;
	s13 =	simm.s32 $0x0  }
.LBB2_21:
0x140: {  	s13 =	sadd.s32 $0x1, s13  }
0x141: {  	p3 =	sne.s32 s13, s9  }
.Ltmp16:
0x142: {  	_ = 	snop;
	(pc) =	sbr.rel @!p3 .LBB2_22-.Ltmp16, $3  }
0x143: {  	_ =	sdelay $0x1  }
0x144: {  	p2 =	sgt.s32 s0, $0x3F;
	s2 =	sadd.s32 $0xFFFFFFC0, s0  }
0x145: {  	s0 =	smov.u32 @p2 s2  }
.LBB2_17:
0x146: {  	s2 =	sshll.u32 s13, $0x4  }
0x147: {  	v13 =	vld [tilespmem:s2+$0x5180];
	_ =	sdelay $0x3  }
0x148: {  	v14 =	vor.u32 s2, v0  }
0x149: {  	vm2 =	vlt.s32 v14, v12;
	vm3 =	vlt.s32 v13, v11  }
0x14a: {  	vm4 =	vge.s32 v13, v10;
	vm2 =	vmand vm3, vm2  }
0x14b: {  	vm2 =	vmand vm2, vm4  }
0x14c: {  	v14 =	vmpcnt.ones.xlane vm2;
	_ =	sdelay $0x1  }
0x14d: {  	v14 =	vxor.u32 $0x80000000, v14  }
0x14e: {  	(xrf0) =	vmax.scan.msk.u32 $0xffff, v14;
	_ =	sdelay $0x5  }
0x14f: {  	v14, _, _ =	vpop (xrf0)  }
0x150: {  	(v2sf) =	vpush v14, $0xF;
	_ =	sdelay $0xa  }
0x151: {  	v14 =	vld [tilespmem:s2+$0x2980];
	_ =	sdelay $0x3  }
0x152: {  	s25 =	spop (v2sf)  }
0x153: {  	[tilespmem:s0+$0x1C400] =	vst.msk vm2, v14;
	s31 =	sadd.s32 s25, s0  }
0x154: {  	[tilespmem:s0+$0x1C480] =	vst.msk vm2, v13;
	s0 =	sadd.s32 $0x80000000, s31  }
0x155: {  	p2 =	slt.s32 s0, $0x40  }
.Ltmp17:
0x156: {  	_ = 	snop;
	(pc) =	sbr.rel @p2 .LBB2_21-.Ltmp17, $1  }
0x157: {  	_ =	sdelay $0x3  }
0x158: {  	v13 =	vld [tilespmem:$0x1C400];
	_ =	sdelay $0x4  }
0x159: {  	v14 =	vshrl.u32 v13, $0x3  }
0x15a: {  	v14 =	vmul.u32 $0x18, v14  }
0x15b: {  	v15 =	vand.u32 $0x7, v13  }
0x15c: {  	v16 =	vld [tilespmem:$0x1C410];
	v14 =	vor.u32 v15, v14  }
0x15d: {  	v18 =	vld [tilespmem:$0x1C430];
	v17 =	vperm.xlane v14, v3  }
0x15e: {  	v15 =	vld [tilespmem:$0x1C420]  }
0x15f: {  	v17 =	vadd.s32 v4, v17  }
0x160: {  	[tilespmem:$0x7980] =	vst v13  }
0x161: {  	[tilespmem:$0x7990] =	vst v16;
	v13 =	vperm.xlane v14, v5  }
0x162: {  	[tilespmem:$0x79B0] =	vst v18  }
0x163: {  	s22 =	simm.s32 $0x0;
	v13 =	vadd.s32 v4, v13;
	[tilespmem:$0x79A0] =	vst v15  }
0x164: {  	[tilespmem:s26], [sflag:$0x1] =	stream.indirect_vreg.gather [hbm4b:s1+s22], $0x80, v17, vm0, $0xb8;
	[tilespmem:$0x1C680] =	vst v63  }
0x165: {  	s2 =	simm.s32 $0x8200  }
0x166: {  	[tilespmem:s2], [sflag:$0x1] =	stream.indirect_vreg.gather [hbm4b:s8+s22], $0x80, v17, vm1, $0xb8;
	[tilespmem:$0x1C680] =	vst v63  }
0x167: {  	_ = 	snop  }
0x168: {  	[tilespmem:s28], [sflag:$0x1] =	stream.indirect_vreg.gather [hbm4b:s1+s22], $0x80, v13, vm0, $0xb8;
	[tilespmem:$0x1C680] =	vst v63  }
0x169: {  	_ = 	snop  }
0x16a: {  	[tilespmem:s29], [sflag:$0x1] =	stream.indirect_vreg.gather [hbm4b:s8+s22], $0x80, v13, vm1, $0xb8;
	[tilespmem:$0x1C680] =	vst v63  }
0x16b: {  	v13 =	vld [tilespmem:$0x7990];
	_ =	sdelay $0x4  }
0x16c: {  	v14 =	vshrl.u32 v13, $0x3  }
0x16d: {  	v14 =	vmul.u32 $0x18, v14  }
0x16e: {  	v13 =	vand.u32 $0x7, v13  }
0x16f: {  	v13 =	vor.u32 v13, v14  }
0x170: {  	v14 =	vperm.xlane v13, v3;
	_ =	sdelay $0x1  }
0x171: {  	v14 =	vadd.s32 v4, v14;
	_ =	sdelay $0x1  }
0x172: {  	v13 =	vperm.xlane v13, v5;
	_ =	sdelay $0x1  }
0x173: {  	v13 =	vadd.s32 v4, v13  }
0x174: {  	[tilespmem:s10], [sflag:$0x1] =	stream.indirect_vreg.gather [hbm4b:s1+s22], $0x80, v14, vm0, $0xb8;
	[tilespmem:$0x1C680] =	vst v63  }
0x175: {  	_ = 	snop  }
0x176: {  	[tilespmem:s11], [sflag:$0x1] =	stream.indirect_vreg.gather [hbm4b:s8+s22], $0x80, v14, vm1, $0xb8;
	[tilespmem:$0x1C680] =	vst v63  }
0x177: {  	_ = 	snop  }
0x178: {  	[tilespmem:s12], [sflag:$0x1] =	stream.indirect_vreg.gather [hbm4b:s1+s22], $0x80, v13, vm0, $0xb8;
	[tilespmem:$0x1C680] =	vst v63  }
0x179: {  	_ = 	snop  }
0x17a: {  	[tilespmem:s14], [sflag:$0x1] =	stream.indirect_vreg.gather [hbm4b:s8+s22], $0x80, v13, vm1, $0xb8;
	[tilespmem:$0x1C680] =	vst v63  }
0x17b: {  	v13 =	vld [tilespmem:$0x79A0];
	_ =	sdelay $0x4  }
0x17c: {  	v14 =	vshrl.u32 v13, $0x3  }
0x17d: {  	v14 =	vmul.u32 $0x18, v14  }
0x17e: {  	v13 =	vand.u32 $0x7, v13  }
0x17f: {  	v13 =	vor.u32 v13, v14  }
0x180: {  	v14 =	vperm.xlane v13, v3;
	_ =	sdelay $0x1  }
0x181: {  	v14 =	vadd.s32 v4, v14;
	_ =	sdelay $0x1  }
0x182: {  	v13 =	vperm.xlane v13, v5;
	_ =	sdelay $0x1  }
0x183: {  	v13 =	vadd.s32 v4, v13  }
0x184: {  	[tilespmem:s15], [sflag:$0x1] =	stream.indirect_vreg.gather [hbm4b:s1+s22], $0x80, v14, vm0, $0xb8;
	[tilespmem:$0x1C680] =	vst v63  }
0x185: {  	_ = 	snop  }
0x186: {  	[tilespmem:s16], [sflag:$0x1] =	stream.indirect_vreg.gather [hbm4b:s8+s22], $0x80, v14, vm1, $0xb8;
	[tilespmem:$0x1C680] =	vst v63  }
0x187: {  	_ = 	snop  }
0x188: {  	[tilespmem:s18], [sflag:$0x1] =	stream.indirect_vreg.gather [hbm4b:s1+s22], $0x80, v13, vm0, $0xb8;
	[tilespmem:$0x1C680] =	vst v63  }
0x189: {  	_ = 	snop  }
0x18a: {  	[tilespmem:s19], [sflag:$0x1] =	stream.indirect_vreg.gather [hbm4b:s8+s22], $0x80, v13, vm1, $0xb8;
	[tilespmem:$0x1C680] =	vst v63  }
0x18b: {  	v13 =	vld [tilespmem:$0x79B0];
	_ =	sdelay $0x4  }
0x18c: {  	v14 =	vshrl.u32 v13, $0x3  }
0x18d: {  	v14 =	vmul.u32 $0x18, v14  }
0x18e: {  	v13 =	vand.u32 $0x7, v13  }
0x18f: {  	v13 =	vor.u32 v13, v14  }
0x190: {  	v14 =	vperm.xlane v13, v3;
	_ =	sdelay $0x1  }
0x191: {  	v14 =	vadd.s32 v4, v14;
	_ =	sdelay $0x1  }
0x192: {  	v13 =	vperm.xlane v13, v5;
	_ =	sdelay $0x1  }
0x193: {  	v13 =	vadd.s32 v4, v13  }
0x194: {  	[tilespmem:s21], [sflag:$0x1] =	stream.indirect_vreg.gather [hbm4b:s1+s22], $0x80, v14, vm0, $0xb8;
	[tilespmem:$0x1C680] =	vst v63  }
0x195: {  	_ = 	snop  }
0x196: {  	[tilespmem:s24], [sflag:$0x1] =	stream.indirect_vreg.gather [hbm4b:s8+s22], $0x80, v14, vm1, $0xb8;
	[tilespmem:$0x1C680] =	vst v63  }
0x197: {  	_ = 	snop  }
0x198: {  	[tilespmem:s3], [sflag:$0x1] =	stream.indirect_vreg.gather [hbm4b:s1+s22], $0x80, v13, vm0, $0xb8;
	[tilespmem:$0x1C680] =	vst v63  }
0x199: {  	v14 =	vmov s22  }
0x19a: {  	[tilespmem:s17], [sflag:$0x1] =	stream.indirect_vreg.gather [hbm4b:s8+s22], $0x80, v13, vm1, $0xb8;
	[tilespmem:$0x1C680] =	vst v63  }
0x19b: {  	_ =	swait.ge [sflag:s30], $0x6000  }
0x19c: {  	[sflag:s30] =	ssyncset.done $0x0  }
0x19d: {  	[sflag:s30] =	ssyncadd.s32 $0xFFFFA000  }
0x19e: {  	v13 =	vld.idx.msk [tilespmem:v14+s20+$0x0], $0xffff;
	_ =	sdelay $0x4  }
0x19f: {  	v13 =	vxor.u32 $0x80000000, v13  }
0x1a0: {  	(xrf0) =	vmax.scan.msk.u32 $0xffff, v13;
	_ =	sdelay $0x5  }
0x1a1: {  	v13, _, _ =	vpop (xrf0)  }
0x1a2: {  	(v2sf) =	vpush v13, $0xF;
	_ =	sdelay $0xb  }
0x1a3: {  	s23 =	simm.s32 $0x0  }
0x1a4: {  	s2 =	smul.u32 $0x3000, s23;
	_ =	sdelay $0x1  }
0x1a5: {  	s4 =	sand.u32 $0x380, s22;
	s2 =	sshra.s32 s2, $0x2;
	s7 =	spop (v2sf)  }
0x1a6: {  	s4 =	sor.u32 s4, s2;
	s25 =	ssub.s32 s7, s6  }
0x1a7: {  	v13 =	vld [tilespmem:s4+$0x7A00];
	s2 =	sshrl.u32 s25, $0x3  }
0x1a8: {  	s2 =	smul.u32 $0x3000, s2  }
0x1a9: {  	s7 =	sshll.u32 s7, $0x7  }
0x1aa: {  	s7 =	sand.u32 $0x380, s7;
	s2 =	sshra.s32 s2, $0x2  }
0x1ab: {  	s2 =	sor.u32 s7, s2  }
0x1ac: {  	[tilespmem:s2+$0xEC00] =	vst.add.f32.msk $0xffff, v13  }
0x1ad: {  	v13 =	vld [tilespmem:s4+$0x7A10];
	_ =	sdelay $0x4  }
0x1ae: {  	[tilespmem:s2+$0xEC10] =	vst.add.f32.msk $0xffff, v13  }
0x1af: {  	v13 =	vld [tilespmem:s4+$0x7A20];
	_ =	sdelay $0x4  }
0x1b0: {  	[tilespmem:s2+$0xEC20] =	vst.add.f32.msk $0xffff, v13  }
0x1b1: {  	v13 =	vld [tilespmem:s4+$0x7A30];
	_ =	sdelay $0x4  }
0x1b2: {  	[tilespmem:s2+$0xEC30] =	vst.add.f32.msk $0xffff, v13  }
0x1b3: {  	v13 =	vld [tilespmem:s4+$0x7A40];
	_ =	sdelay $0x4  }
0x1b4: {  	[tilespmem:s2+$0xEC40] =	vst.add.f32.msk $0xffff, v13  }
0x1b5: {  	v13 =	vld [tilespmem:s4+$0x7A50];
	_ =	sdelay $0x4  }
0x1b6: {  	[tilespmem:s2+$0xEC50] =	vst.add.f32.msk $0xffff, v13  }
0x1b7: {  	v13 =	vld [tilespmem:s4+$0x7A60];
	_ =	sdelay $0x4  }
0x1b8: {  	[tilespmem:s2+$0xEC60] =	vst.add.f32.msk $0xffff, v13  }
0x1b9: {  	v13 =	vld [tilespmem:s4+$0x7A70];
	_ =	sdelay $0x4  }
0x1ba: {  	[tilespmem:s2+$0xEC70] =	vst.add.f32.msk $0xffff, v13  }
0x1bb: {  	v13 =	vld [tilespmem:s4+$0x7E00];
	_ =	sdelay $0x4  }
0x1bc: {  	[tilespmem:s2+$0xF000] =	vst.add.f32.msk $0xffff, v13  }
0x1bd: {  	v13 =	vld [tilespmem:s4+$0x7E10];
	_ =	sdelay $0x4  }
0x1be: {  	[tilespmem:s2+$0xF010] =	vst.add.f32.msk $0xffff, v13  }
0x1bf: {  	v13 =	vld [tilespmem:s4+$0x7E20];
	_ =	sdelay $0x4  }
0x1c0: {  	[tilespmem:s2+$0xF020] =	vst.add.f32.msk $0xffff, v13  }
0x1c1: {  	v13 =	vld [tilespmem:s4+$0x7E30];
	_ =	sdelay $0x4  }
0x1c2: {  	[tilespmem:s2+$0xF030] =	vst.add.f32.msk $0xffff, v13  }
0x1c3: {  	v13 =	vld [tilespmem:s4+$0x7E40];
	_ =	sdelay $0x4  }
0x1c4: {  	[tilespmem:s2+$0xF040] =	vst.add.f32.msk $0xffff, v13  }
0x1c5: {  	v13 =	vld [tilespmem:s4+$0x7E50];
	_ =	sdelay $0x4  }
0x1c6: {  	[tilespmem:s2+$0xF050] =	vst.add.f32.msk $0xffff, v13  }
0x1c7: {  	v13 =	vld [tilespmem:s4+$0x7E60];
	_ =	sdelay $0x4  }
0x1c8: {  	[tilespmem:s2+$0xF060] =	vst.add.f32.msk $0xffff, v13  }
0x1c9: {  	v13 =	vld [tilespmem:s4+$0x7E70];
	_ =	sdelay $0x4  }
0x1ca: {  	[tilespmem:s2+$0xF070] =	vst.add.f32.msk $0xffff, v13  }
0x1cb: {  	v13 =	vld [tilespmem:s4+$0x8200];
	_ =	sdelay $0x4  }
0x1cc: {  	[tilespmem:s2+$0xF400] =	vst.add.f32.msk $0xffff, v13  }
0x1cd: {  	v13 =	vld [tilespmem:s4+$0x8210];
	_ =	sdelay $0x4  }
0x1ce: {  	[tilespmem:s2+$0xF410] =	vst.add.f32.msk $0xffff, v13  }
0x1cf: {  	v13 =	vld [tilespmem:s4+$0x8220];
	_ =	sdelay $0x4  }
0x1d0: {  	[tilespmem:s2+$0xF420] =	vst.add.f32.msk $0xffff, v13  }
0x1d1: {  	v13 =	vld [tilespmem:s4+$0x8230];
	_ =	sdelay $0x4  }
0x1d2: {  	[tilespmem:s2+$0xF430] =	vst.add.f32.msk $0xffff, v13  }
0x1d3: {  	v13 =	vld [tilespmem:s4+$0x8240];
	_ =	sdelay $0x4  }
0x1d4: {  	[tilespmem:s2+$0xF440] =	vst.add.f32.msk $0xffff, v13  }
0x1d5: {  	v13 =	vld [tilespmem:s4+$0x8250];
	_ =	sdelay $0x4  }
0x1d6: {  	[tilespmem:s2+$0xF450] =	vst.add.f32.msk $0xffff, v13  }
0x1d7: {  	v13 =	vld [tilespmem:s4+$0x8260];
	_ =	sdelay $0x4  }
0x1d8: {  	[tilespmem:s2+$0xF460] =	vst.add.f32.msk $0xffff, v13  }
0x1d9: {  	s31 =	simm.s32 $0x1;
	v13 =	vld [tilespmem:s4+$0x8270]  }
0x1da: {  	v14 =	vmov s31;
	s4 =	simm.s32 $0x2  }
.LBB2_19:
0x1db: {  	p2 =	sne.s32 s4, $0x3F;
	_ =	sdelay $0x2  }
0x1dc: {  	[tilespmem:s2+$0xF470] =	vst.add.f32.msk $0xffff, v13  }
0x1dd: {  	v13 =	vld.idx.msk [tilespmem:v14+s20+$0x0], $0xffff;
	_ =	sdelay $0x5  }
0x1de: {  	v13 =	vxor.u32 $0x80000000, v13  }
0x1df: {  	(xrf0) =	vmax.scan.msk.u32 $0xffff, v13;
	_ =	sdelay $0x5  }
0x1e0: {  	v13, _, _ =	vpop (xrf0)  }
0x1e1: {  	(v2sf) =	vpush v13, $0xF;
	_ =	sdelay $0xb  }
0x1e2: {  	s2 =	sshrl.u32 s31, $0x3;
	s31 =	smov.u32 s4  }
0x1e3: {  	s2 =	smul.u32 $0x3000, s2  }
0x1e4: {  	s22 =	sadd.s32 $0x80, s22  }
0x1e5: {  	s7 =	sand.u32 $0x380, s22;
	s2 =	sshra.s32 s2, $0x2;
	s23 =	spop (v2sf)  }
0x1e6: {  	s7 =	sor.u32 s7, s2;
	s25 =	ssub.s32 s23, s6  }
0x1e7: {  	v13 =	vld [tilespmem:s7+$0x7A00];
	s2 =	sshrl.u32 s25, $0x3  }
0x1e8: {  	s2 =	smul.u32 $0x3000, s2  }
0x1e9: {  	s23 =	sshll.u32 s23, $0x7  }
0x1ea: {  	s23 =	sand.u32 $0x380, s23;
	s2 =	sshra.s32 s2, $0x2  }
0x1eb: {  	s2 =	sor.u32 s23, s2  }
0x1ec: {  	[tilespmem:s2+$0xEC00] =	vst.add.f32.msk $0xffff, v13  }
0x1ed: {  	v13 =	vld [tilespmem:s7+$0x7A10];
	_ =	sdelay $0x4  }
0x1ee: {  	[tilespmem:s2+$0xEC10] =	vst.add.f32.msk $0xffff, v13  }
0x1ef: {  	v13 =	vld [tilespmem:s7+$0x7A20];
	_ =	sdelay $0x4  }
0x1f0: {  	[tilespmem:s2+$0xEC20] =	vst.add.f32.msk $0xffff, v13  }
0x1f1: {  	v13 =	vld [tilespmem:s7+$0x7A30];
	_ =	sdelay $0x4  }
0x1f2: {  	[tilespmem:s2+$0xEC30] =	vst.add.f32.msk $0xffff, v13  }
0x1f3: {  	v13 =	vld [tilespmem:s7+$0x7A40];
	_ =	sdelay $0x4  }
0x1f4: {  	[tilespmem:s2+$0xEC40] =	vst.add.f32.msk $0xffff, v13  }
0x1f5: {  	v13 =	vld [tilespmem:s7+$0x7A50];
	_ =	sdelay $0x4  }
0x1f6: {  	[tilespmem:s2+$0xEC50] =	vst.add.f32.msk $0xffff, v13  }
0x1f7: {  	v13 =	vld [tilespmem:s7+$0x7A60];
	_ =	sdelay $0x4  }
0x1f8: {  	[tilespmem:s2+$0xEC60] =	vst.add.f32.msk $0xffff, v13  }
0x1f9: {  	v13 =	vld [tilespmem:s7+$0x7A70];
	_ =	sdelay $0x4  }
0x1fa: {  	[tilespmem:s2+$0xEC70] =	vst.add.f32.msk $0xffff, v13  }
0x1fb: {  	v13 =	vld [tilespmem:s7+$0x7E00];
	_ =	sdelay $0x4  }
0x1fc: {  	[tilespmem:s2+$0xF000] =	vst.add.f32.msk $0xffff, v13  }
0x1fd: {  	v13 =	vld [tilespmem:s7+$0x7E10];
	_ =	sdelay $0x4  }
0x1fe: {  	[tilespmem:s2+$0xF010] =	vst.add.f32.msk $0xffff, v13  }
0x1ff: {  	v13 =	vld [tilespmem:s7+$0x7E20];
	_ =	sdelay $0x4  }
0x200: {  	[tilespmem:s2+$0xF020] =	vst.add.f32.msk $0xffff, v13  }
0x201: {  	v13 =	vld [tilespmem:s7+$0x7E30];
	_ =	sdelay $0x4  }
0x202: {  	[tilespmem:s2+$0xF030] =	vst.add.f32.msk $0xffff, v13  }
0x203: {  	v13 =	vld [tilespmem:s7+$0x7E40];
	_ =	sdelay $0x4  }
0x204: {  	[tilespmem:s2+$0xF040] =	vst.add.f32.msk $0xffff, v13  }
0x205: {  	v13 =	vld [tilespmem:s7+$0x7E50];
	_ =	sdelay $0x4  }
0x206: {  	[tilespmem:s2+$0xF050] =	vst.add.f32.msk $0xffff, v13  }
0x207: {  	v13 =	vld [tilespmem:s7+$0x7E60];
	_ =	sdelay $0x4  }
0x208: {  	[tilespmem:s2+$0xF060] =	vst.add.f32.msk $0xffff, v13  }
0x209: {  	v13 =	vld [tilespmem:s7+$0x7E70];
	_ =	sdelay $0x4  }
0x20a: {  	[tilespmem:s2+$0xF070] =	vst.add.f32.msk $0xffff, v13  }
0x20b: {  	v13 =	vld [tilespmem:s7+$0x8200];
	_ =	sdelay $0x4  }
0x20c: {  	[tilespmem:s2+$0xF400] =	vst.add.f32.msk $0xffff, v13  }
0x20d: {  	v13 =	vld [tilespmem:s7+$0x8210];
	_ =	sdelay $0x4  }
0x20e: {  	[tilespmem:s2+$0xF410] =	vst.add.f32.msk $0xffff, v13  }
0x20f: {  	v13 =	vld [tilespmem:s7+$0x8220];
	_ =	sdelay $0x4  }
0x210: {  	[tilespmem:s2+$0xF420] =	vst.add.f32.msk $0xffff, v13  }
0x211: {  	v13 =	vld [tilespmem:s7+$0x8230];
	_ =	sdelay $0x4  }
0x212: {  	[tilespmem:s2+$0xF430] =	vst.add.f32.msk $0xffff, v13  }
0x213: {  	v13 =	vld [tilespmem:s7+$0x8240];
	_ =	sdelay $0x4  }
0x214: {  	[tilespmem:s2+$0xF440] =	vst.add.f32.msk $0xffff, v13  }
0x215: {  	v13 =	vld [tilespmem:s7+$0x8250];
	_ =	sdelay $0x4  }
0x216: {  	[tilespmem:s2+$0xF450] =	vst.add.f32.msk $0xffff, v13  }
0x217: {  	v13 =	vld [tilespmem:s7+$0x8260];
	_ =	sdelay $0x2  }
.Ltmp18:
0x218: {  	(pc) =	sbr.rel @p2 .LBB2_19-.Ltmp18, $4  }
0x219: {  	_ = 	snop  }
0x21a: {  	[tilespmem:s2+$0xF460] =	vst.add.f32.msk $0xffff, v13  }
0x21b: {  	v13 =	vld [tilespmem:s7+$0x8270]  }
0x21c: {  	s4 =	sadd.s32 $0x1, s4;
	v14 =	vmov s31  }
0x21d: {  	_ =	sdelay $0x2  }
0x21e: {  	[tilespmem:s2+$0xF470] =	vst.add.f32.msk $0xffff, v13  }
0x21f: {  	v13 =	vld.idx.msk [tilespmem:v14+s20+$0x0], $0xffff;
	_ =	sdelay $0x4  }
0x220: {  	v13 =	vxor.u32 $0x80000000, v13  }
0x221: {  	(xrf0) =	vmax.scan.msk.u32 $0xffff, v13;
	_ =	sdelay $0x5  }
0x222: {  	v13, _, _ =	vpop (xrf0)  }
0x223: {  	(v2sf) =	vpush v13, $0xF;
	_ =	sdelay $0xb  }
0x224: {  	s23 =	sshrl.u32 s31, $0x3  }
0x225: {  	s2 =	smul.u32 $0x3000, s23  }
0x226: {  	s4 =	sadd.s32 $0x80, s22  }
0x227: {  	s4 =	sand.u32 $0x380, s4;
	s2 =	sshra.s32 s2, $0x2;
	s7 =	spop (v2sf)  }
0x228: {  	s2 =	sor.u32 s4, s2;
	s25 =	ssub.s32 s7, s6  }
0x229: {  	v13 =	vld [tilespmem:s2+$0x7A00];
	s31 =	sshrl.u32 s25, $0x3  }
0x22a: {  	s4 =	smul.u32 $0x3000, s31  }
0x22b: {  	s7 =	sshll.u32 s7, $0x7  }
0x22c: {  	s7 =	sand.u32 $0x380, s7;
	s4 =	sshra.s32 s4, $0x2  }
0x22d: {  	s4 =	sor.u32 s7, s4  }
0x22e: {  	[tilespmem:s4+$0xEC00] =	vst.add.f32.msk $0xffff, v13  }
0x22f: {  	v13 =	vld [tilespmem:s2+$0x7A10];
	_ =	sdelay $0x4  }
0x230: {  	[tilespmem:s4+$0xEC10] =	vst.add.f32.msk $0xffff, v13  }
0x231: {  	v13 =	vld [tilespmem:s2+$0x7A20];
	_ =	sdelay $0x4  }
0x232: {  	[tilespmem:s4+$0xEC20] =	vst.add.f32.msk $0xffff, v13  }
0x233: {  	v13 =	vld [tilespmem:s2+$0x7A30];
	_ =	sdelay $0x4  }
0x234: {  	[tilespmem:s4+$0xEC30] =	vst.add.f32.msk $0xffff, v13  }
0x235: {  	v13 =	vld [tilespmem:s2+$0x7A40];
	_ =	sdelay $0x4  }
0x236: {  	[tilespmem:s4+$0xEC40] =	vst.add.f32.msk $0xffff, v13  }
0x237: {  	v13 =	vld [tilespmem:s2+$0x7A50];
	_ =	sdelay $0x4  }
0x238: {  	[tilespmem:s4+$0xEC50] =	vst.add.f32.msk $0xffff, v13  }
0x239: {  	v13 =	vld [tilespmem:s2+$0x7A60];
	_ =	sdelay $0x4  }
0x23a: {  	[tilespmem:s4+$0xEC60] =	vst.add.f32.msk $0xffff, v13  }
0x23b: {  	v13 =	vld [tilespmem:s2+$0x7A70];
	_ =	sdelay $0x4  }
0x23c: {  	[tilespmem:s4+$0xEC70] =	vst.add.f32.msk $0xffff, v13  }
0x23d: {  	v13 =	vld [tilespmem:s2+$0x7E00];
	_ =	sdelay $0x4  }
0x23e: {  	[tilespmem:s4+$0xF000] =	vst.add.f32.msk $0xffff, v13  }
0x23f: {  	v13 =	vld [tilespmem:s2+$0x7E10];
	_ =	sdelay $0x4  }
0x240: {  	[tilespmem:s4+$0xF010] =	vst.add.f32.msk $0xffff, v13  }
0x241: {  	v13 =	vld [tilespmem:s2+$0x7E20];
	_ =	sdelay $0x4  }
0x242: {  	[tilespmem:s4+$0xF020] =	vst.add.f32.msk $0xffff, v13  }
0x243: {  	v13 =	vld [tilespmem:s2+$0x7E30];
	_ =	sdelay $0x4  }
0x244: {  	[tilespmem:s4+$0xF030] =	vst.add.f32.msk $0xffff, v13  }
0x245: {  	v13 =	vld [tilespmem:s2+$0x7E40];
	_ =	sdelay $0x4  }
0x246: {  	[tilespmem:s4+$0xF040] =	vst.add.f32.msk $0xffff, v13  }
0x247: {  	v13 =	vld [tilespmem:s2+$0x7E50];
	_ =	sdelay $0x4  }
0x248: {  	[tilespmem:s4+$0xF050] =	vst.add.f32.msk $0xffff, v13  }
0x249: {  	v13 =	vld [tilespmem:s2+$0x7E60];
	_ =	sdelay $0x4  }
0x24a: {  	[tilespmem:s4+$0xF060] =	vst.add.f32.msk $0xffff, v13  }
0x24b: {  	v13 =	vld [tilespmem:s2+$0x7E70];
	_ =	sdelay $0x4  }
0x24c: {  	[tilespmem:s4+$0xF070] =	vst.add.f32.msk $0xffff, v13  }
0x24d: {  	v13 =	vld [tilespmem:s2+$0x8200];
	_ =	sdelay $0x4  }
0x24e: {  	[tilespmem:s4+$0xF400] =	vst.add.f32.msk $0xffff, v13  }
0x24f: {  	v13 =	vld [tilespmem:s2+$0x8210];
	_ =	sdelay $0x4  }
0x250: {  	[tilespmem:s4+$0xF410] =	vst.add.f32.msk $0xffff, v13  }
0x251: {  	v13 =	vld [tilespmem:s2+$0x8220];
	_ =	sdelay $0x4  }
0x252: {  	[tilespmem:s4+$0xF420] =	vst.add.f32.msk $0xffff, v13  }
0x253: {  	v13 =	vld [tilespmem:s2+$0x8230];
	_ =	sdelay $0x4  }
0x254: {  	[tilespmem:s4+$0xF430] =	vst.add.f32.msk $0xffff, v13  }
0x255: {  	v13 =	vld [tilespmem:s2+$0x8240];
	_ =	sdelay $0x4  }
0x256: {  	[tilespmem:s4+$0xF440] =	vst.add.f32.msk $0xffff, v13  }
0x257: {  	v13 =	vld [tilespmem:s2+$0x8250];
	_ =	sdelay $0x4  }
0x258: {  	[tilespmem:s4+$0xF450] =	vst.add.f32.msk $0xffff, v13  }
0x259: {  	v13 =	vld [tilespmem:s2+$0x8260];
	_ =	sdelay $0x4  }
0x25a: {  	[tilespmem:s4+$0xF460] =	vst.add.f32.msk $0xffff, v13  }
0x25b: {  	v13 =	vld [tilespmem:s2+$0x8270];
	_ =	sdelay $0x4  }
0x25c: {  	[tilespmem:s4+$0xF470] =	vst.add.f32.msk $0xffff, v13  }
0x25d: {  	v13 =	vld [tilespmem:$0x1C440]  }
0x25e: {  	v14 =	vld [tilespmem:$0x1C4C0]  }
.Ltmp19:
0x25f: {  	_ = 	snop;
	(pc) =	sbr.rel .LBB2_21-.Ltmp19, $3  }
0x260: {  	_ =	sdelay $0x1  }
0x261: {  	[tilespmem:$0x1C400] =	vst v13  }
0x262: {  	[tilespmem:$0x1C480] =	vst v14  }
.LBB2_24:
0x263: {  	v10 =	vld [tilespmem:$0x1C400];
	_ =	sdelay $0x2  }
0x264: {  	v11 =	vmov s0  }
0x265: {  	vm2 =	vgt.s32 v11, v0  }
0x266: {  	v10 =	vnsel vm2, $0x0, v10  }
0x267: {  	v12 =	vshrl.u32 v10, $0x3  }
0x268: {  	v12 =	vmul.u32 $0x18, v12  }
0x269: {  	v13 =	vld [tilespmem:$0x1C410];
	v14 =	vand.u32 $0x7, v10  }
0x26a: {  	v15 =	vld [tilespmem:$0x1C420];
	v12 =	vor.u32 v14, v12  }
0x26b: {  	v63 =	vld [tilespmem:$0x1C430];
	v16 =	vperm.xlane v12, v3;
	_ =	sdelay $0x1  }
0x26c: {  	vm2 =	vgt.s32 v11, v7;
	v16 =	vadd.s32 v4, v16  }
0x26d: {  	[tilespmem:$0x7980] =	vst v10;
	v10 =	vnsel vm2, $0x0, v13;
	vm2 =	vgt.s32 v11, v8  }
0x26e: {  	[tilespmem:$0x7990] =	vst v10;
	v10 =	vnsel vm2, $0x0, v15;
	vm2 =	vgt.s32 v11, v9;
	v11 =	vperm.xlane v12, v5  }
0x26f: {  	[tilespmem:$0x79A0] =	vst v10;
	v10 =	vnsel vm2, $0x0, v63  }
0x270: {  	s2 =	simm.s32 $0x0;
	[tilespmem:$0x79B0] =	vst v10;
	v10 =	vadd.s32 v4, v11  }
0x271: {  	[tilespmem:s26], [sflag:$0x1] =	stream.indirect_vreg.gather [hbm4b:s1+s2], $0x80, v16, vm0, $0xb8;
	[tilespmem:$0x1C680] =	vst v63  }
0x272: {  	s4 =	simm.s32 $0x8200  }
0x273: {  	[tilespmem:s4], [sflag:$0x1] =	stream.indirect_vreg.gather [hbm4b:s8+s2], $0x80, v16, vm1, $0xb8;
	[tilespmem:$0x1C680] =	vst v63  }
0x274: {  	_ = 	snop  }
0x275: {  	[tilespmem:s28], [sflag:$0x1] =	stream.indirect_vreg.gather [hbm4b:s1+s2], $0x80, v10, vm0, $0xb8;
	[tilespmem:$0x1C680] =	vst v63  }
0x276: {  	_ = 	snop  }
0x277: {  	[tilespmem:s29], [sflag:$0x1] =	stream.indirect_vreg.gather [hbm4b:s8+s2], $0x80, v10, vm1, $0xb8;
	[tilespmem:$0x1C680] =	vst v63  }
0x278: {  	v10 =	vld [tilespmem:$0x7990];
	_ =	sdelay $0x4  }
0x279: {  	v11 =	vshrl.u32 v10, $0x3  }
0x27a: {  	v11 =	vmul.u32 $0x18, v11  }
0x27b: {  	v10 =	vand.u32 $0x7, v10  }
0x27c: {  	v10 =	vor.u32 v10, v11  }
0x27d: {  	v11 =	vperm.xlane v10, v3;
	_ =	sdelay $0x1  }
0x27e: {  	v11 =	vadd.s32 v4, v11;
	_ =	sdelay $0x1  }
0x27f: {  	v10 =	vperm.xlane v10, v5;
	_ =	sdelay $0x1  }
0x280: {  	v10 =	vadd.s32 v4, v10  }
0x281: {  	[tilespmem:s10], [sflag:$0x1] =	stream.indirect_vreg.gather [hbm4b:s1+s2], $0x80, v11, vm0, $0xb8;
	[tilespmem:$0x1C680] =	vst v63  }
0x282: {  	_ = 	snop  }
0x283: {  	[tilespmem:s11], [sflag:$0x1] =	stream.indirect_vreg.gather [hbm4b:s8+s2], $0x80, v11, vm1, $0xb8;
	[tilespmem:$0x1C680] =	vst v63  }
0x284: {  	_ = 	snop  }
0x285: {  	[tilespmem:s12], [sflag:$0x1] =	stream.indirect_vreg.gather [hbm4b:s1+s2], $0x80, v10, vm0, $0xb8;
	[tilespmem:$0x1C680] =	vst v63  }
0x286: {  	_ = 	snop  }
0x287: {  	[tilespmem:s14], [sflag:$0x1] =	stream.indirect_vreg.gather [hbm4b:s8+s2], $0x80, v10, vm1, $0xb8;
	[tilespmem:$0x1C680] =	vst v63  }
0x288: {  	v10 =	vld [tilespmem:$0x79A0];
	_ =	sdelay $0x4  }
0x289: {  	v11 =	vshrl.u32 v10, $0x3  }
0x28a: {  	v11 =	vmul.u32 $0x18, v11  }
0x28b: {  	v10 =	vand.u32 $0x7, v10  }
0x28c: {  	v10 =	vor.u32 v10, v11  }
0x28d: {  	v11 =	vperm.xlane v10, v3;
	_ =	sdelay $0x1  }
0x28e: {  	v11 =	vadd.s32 v4, v11;
	_ =	sdelay $0x1  }
0x28f: {  	v10 =	vperm.xlane v10, v5;
	_ =	sdelay $0x1  }
0x290: {  	v10 =	vadd.s32 v4, v10  }
0x291: {  	[tilespmem:s15], [sflag:$0x1] =	stream.indirect_vreg.gather [hbm4b:s1+s2], $0x80, v11, vm0, $0xb8;
	[tilespmem:$0x1C680] =	vst v63  }
0x292: {  	_ = 	snop  }
0x293: {  	[tilespmem:s16], [sflag:$0x1] =	stream.indirect_vreg.gather [hbm4b:s8+s2], $0x80, v11, vm1, $0xb8;
	[tilespmem:$0x1C680] =	vst v63  }
0x294: {  	_ = 	snop  }
0x295: {  	[tilespmem:s18], [sflag:$0x1] =	stream.indirect_vreg.gather [hbm4b:s1+s2], $0x80, v10, vm0, $0xb8;
	[tilespmem:$0x1C680] =	vst v63  }
0x296: {  	_ = 	snop  }
0x297: {  	[tilespmem:s19], [sflag:$0x1] =	stream.indirect_vreg.gather [hbm4b:s8+s2], $0x80, v10, vm1, $0xb8;
	[tilespmem:$0x1C680] =	vst v63  }
0x298: {  	v10 =	vld [tilespmem:$0x79B0];
	_ =	sdelay $0x4  }
0x299: {  	v11 =	vshrl.u32 v10, $0x3  }
0x29a: {  	v11 =	vmul.u32 $0x18, v11  }
0x29b: {  	v10 =	vand.u32 $0x7, v10  }
0x29c: {  	v10 =	vor.u32 v10, v11  }
0x29d: {  	v11 =	vperm.xlane v10, v3;
	_ =	sdelay $0x1  }
0x29e: {  	v11 =	vadd.s32 v4, v11;
	_ =	sdelay $0x1  }
0x29f: {  	v10 =	vperm.xlane v10, v5;
	_ =	sdelay $0x1  }
0x2a0: {  	v10 =	vadd.s32 v4, v10  }
0x2a1: {  	[tilespmem:s21], [sflag:$0x1] =	stream.indirect_vreg.gather [hbm4b:s1+s2], $0x80, v11, vm0, $0xb8;
	[tilespmem:$0x1C680] =	vst v63  }
0x2a2: {  	_ = 	snop  }
0x2a3: {  	[tilespmem:s24], [sflag:$0x1] =	stream.indirect_vreg.gather [hbm4b:s8+s2], $0x80, v11, vm1, $0xb8;
	[tilespmem:$0x1C680] =	vst v63  }
0x2a4: {  	_ = 	snop  }
0x2a5: {  	[tilespmem:s3], [sflag:$0x1] =	stream.indirect_vreg.gather [hbm4b:s1+s2], $0x80, v10, vm0, $0xb8;
	[tilespmem:$0x1C680] =	vst v63  }
.Ltmp20:
0x2a6: {  	_ = 	snop;
	(pc) =	sbr.rel .LBB2_25-.Ltmp20, $4  }
0x2a7: {  	[tilespmem:s17], [sflag:$0x1] =	stream.indirect_vreg.gather [hbm4b:s8+s2], $0x80, v10, vm1, $0xb8;
	[tilespmem:$0x1C680] =	vst v63  }
0x2a8: {  	_ =	swait.ge [sflag:s30], $0x6000  }
0x2a9: {  	[sflag:s30] =	ssyncset.done $0x0  }
0x2aa: {  	s4 =	simm.s32 $0x0;
	[sflag:s30] =	ssyncadd.s32 $0xFFFFA000  }
.LBB2_27:
0x2ab: {  	s4 =	sadd.s32 $0x1, s4  }
0x2ac: {  	p1 =	sne.s32 s4, $0x40  }
.Ltmp21:
0x2ad: {  	_ = 	snop;
	(pc) =	sbr.rel @!p1 .LBB2_28-.Ltmp21, $2  }
0x2ae: {  	_ =	sdelay $0x2  }
0x2af: {  	s2 =	sadd.s32 $0x80, s2  }
.LBB2_25:
0x2b0: {  	p1 =	sge.s32 s4, s0  }
.Ltmp22:
0x2b1: {  	_ = 	snop;
	(pc) =	sbr.rel @p1 .LBB2_27-.Ltmp22, $1  }
0x2b2: {  	_ =	sdelay $0x3  }
0x2b3: {  	v10 =	vmov s4;
	_ =	sdelay $0x4  }
0x2b4: {  	v10 =	vld.idx.msk [tilespmem:v10+s20+$0x0], $0xffff;
	_ =	sdelay $0x4  }
0x2b5: {  	v10 =	vxor.u32 $0x80000000, v10  }
0x2b6: {  	(xrf0) =	vmax.scan.msk.u32 $0xffff, v10;
	_ =	sdelay $0x5  }
0x2b7: {  	v10, _, _ =	vpop (xrf0)  }
0x2b8: {  	(v2sf) =	vpush v10, $0xF;
	_ =	sdelay $0xb  }
0x2b9: {  	s5 =	sshrl.u32 s4, $0x3  }
0x2ba: {  	s5 =	smul.u32 $0x3000, s5;
	_ =	sdelay $0x1  }
0x2bb: {  	s9 =	sand.u32 $0x380, s2;
	s5 =	sshra.s32 s5, $0x2;
	s7 =	spop (v2sf)  }
0x2bc: {  	s5 =	sor.u32 s9, s5;
	s13 =	ssub.s32 s7, s6  }
0x2bd: {  	v10 =	vld [tilespmem:s5+$0x7A00];
	s31 =	sshrl.u32 s13, $0x3  }
0x2be: {  	s9 =	smul.u32 $0x3000, s31  }
0x2bf: {  	s7 =	sshll.u32 s7, $0x7  }
0x2c0: {  	s7 =	sand.u32 $0x380, s7;
	s9 =	sshra.s32 s9, $0x2  }
0x2c1: {  	s7 =	sor.u32 s7, s9  }
0x2c2: {  	[tilespmem:s7+$0xEC00] =	vst.add.f32.msk $0xffff, v10  }
0x2c3: {  	v10 =	vld [tilespmem:s5+$0x7A10];
	_ =	sdelay $0x4  }
0x2c4: {  	[tilespmem:s7+$0xEC10] =	vst.add.f32.msk $0xffff, v10  }
0x2c5: {  	v10 =	vld [tilespmem:s5+$0x7A20];
	_ =	sdelay $0x4  }
0x2c6: {  	[tilespmem:s7+$0xEC20] =	vst.add.f32.msk $0xffff, v10  }
0x2c7: {  	v10 =	vld [tilespmem:s5+$0x7A30];
	_ =	sdelay $0x4  }
0x2c8: {  	[tilespmem:s7+$0xEC30] =	vst.add.f32.msk $0xffff, v10  }
0x2c9: {  	v10 =	vld [tilespmem:s5+$0x7A40];
	_ =	sdelay $0x4  }
0x2ca: {  	[tilespmem:s7+$0xEC40] =	vst.add.f32.msk $0xffff, v10  }
0x2cb: {  	v10 =	vld [tilespmem:s5+$0x7A50];
	_ =	sdelay $0x4  }
0x2cc: {  	[tilespmem:s7+$0xEC50] =	vst.add.f32.msk $0xffff, v10  }
0x2cd: {  	v10 =	vld [tilespmem:s5+$0x7A60];
	_ =	sdelay $0x4  }
0x2ce: {  	[tilespmem:s7+$0xEC60] =	vst.add.f32.msk $0xffff, v10  }
0x2cf: {  	v10 =	vld [tilespmem:s5+$0x7A70];
	_ =	sdelay $0x4  }
0x2d0: {  	[tilespmem:s7+$0xEC70] =	vst.add.f32.msk $0xffff, v10  }
0x2d1: {  	v10 =	vld [tilespmem:s5+$0x7E00];
	_ =	sdelay $0x4  }
0x2d2: {  	[tilespmem:s7+$0xF000] =	vst.add.f32.msk $0xffff, v10  }
0x2d3: {  	v10 =	vld [tilespmem:s5+$0x7E10];
	_ =	sdelay $0x4  }
0x2d4: {  	[tilespmem:s7+$0xF010] =	vst.add.f32.msk $0xffff, v10  }
0x2d5: {  	v10 =	vld [tilespmem:s5+$0x7E20];
	_ =	sdelay $0x4  }
0x2d6: {  	[tilespmem:s7+$0xF020] =	vst.add.f32.msk $0xffff, v10  }
0x2d7: {  	v10 =	vld [tilespmem:s5+$0x7E30];
	_ =	sdelay $0x4  }
0x2d8: {  	[tilespmem:s7+$0xF030] =	vst.add.f32.msk $0xffff, v10  }
0x2d9: {  	v10 =	vld [tilespmem:s5+$0x7E40];
	_ =	sdelay $0x4  }
0x2da: {  	[tilespmem:s7+$0xF040] =	vst.add.f32.msk $0xffff, v10  }
0x2db: {  	v10 =	vld [tilespmem:s5+$0x7E50];
	_ =	sdelay $0x4  }
0x2dc: {  	[tilespmem:s7+$0xF050] =	vst.add.f32.msk $0xffff, v10  }
0x2dd: {  	v10 =	vld [tilespmem:s5+$0x7E60];
	_ =	sdelay $0x4  }
0x2de: {  	[tilespmem:s7+$0xF060] =	vst.add.f32.msk $0xffff, v10  }
0x2df: {  	v10 =	vld [tilespmem:s5+$0x7E70];
	_ =	sdelay $0x4  }
0x2e0: {  	[tilespmem:s7+$0xF070] =	vst.add.f32.msk $0xffff, v10  }
0x2e1: {  	v10 =	vld [tilespmem:s5+$0x8200];
	_ =	sdelay $0x4  }
0x2e2: {  	[tilespmem:s7+$0xF400] =	vst.add.f32.msk $0xffff, v10  }
0x2e3: {  	v10 =	vld [tilespmem:s5+$0x8210];
	_ =	sdelay $0x4  }
0x2e4: {  	[tilespmem:s7+$0xF410] =	vst.add.f32.msk $0xffff, v10  }
0x2e5: {  	v10 =	vld [tilespmem:s5+$0x8220];
	_ =	sdelay $0x4  }
0x2e6: {  	[tilespmem:s7+$0xF420] =	vst.add.f32.msk $0xffff, v10  }
0x2e7: {  	v10 =	vld [tilespmem:s5+$0x8230];
	_ =	sdelay $0x4  }
0x2e8: {  	[tilespmem:s7+$0xF430] =	vst.add.f32.msk $0xffff, v10  }
0x2e9: {  	v10 =	vld [tilespmem:s5+$0x8240];
	_ =	sdelay $0x4  }
0x2ea: {  	[tilespmem:s7+$0xF440] =	vst.add.f32.msk $0xffff, v10  }
0x2eb: {  	v10 =	vld [tilespmem:s5+$0x8250];
	_ =	sdelay $0x4  }
0x2ec: {  	[tilespmem:s7+$0xF450] =	vst.add.f32.msk $0xffff, v10  }
0x2ed: {  	v10 =	vld [tilespmem:s5+$0x8260];
	_ =	sdelay $0x4  }
0x2ee: {  	[tilespmem:s7+$0xF460] =	vst.add.f32.msk $0xffff, v10  }
0x2ef: {  	v10 =	vld [tilespmem:s5+$0x8270]  }
.Ltmp23:
0x2f0: {  	_ = 	snop;
	(pc) =	sbr.rel .LBB2_27-.Ltmp23, $2  }
0x2f1: {  	_ =	sdelay $0x2  }
0x2f2: {  	[tilespmem:s7+$0xF470] =	vst.add.f32.msk $0xffff, v10  }
.LBB2_30:
0x2f3: {  	_ =	sfence.sel $0x180000  }
0x2f4: {  	[bflag:$0x0] =	sbarrier.arrive $0xFFFF  }
0x2f5: {  	_ =	strace $0x90000047  }
0x2f6: {  	s0 =	stileid.u32;
	[bflag:$0x2] =	sbarrier.arrive $0xFFFF  }
0x2f7: {  	p0 =	sne.s32 s0, $0x0;
	s0 =	rddreg [dreg:$0xa]  }
0x2f8: {  	s0 =	sadd.s32 @!p0 $0x100000, s0  }
0x2f9: {  	[sflag:s0] =	ssyncadd.tile.s32 @!p0 $0x1;
	_ =	shalt  }
.Lfunc_end2:
_tile_overlayer_lowered:
.L_overlay_start_2:
0x2fa: {  	(tag) =	ssettag $0x2  }
0x2fb: {  	s0 =	rddreg [dreg:$0x0];
	s2 =	stileid.u32  }
0x2fc: {  	s1 =	rddreg [dreg:$0x1];
	p0 =	sne.s32 s2, $0x0  }
0x2fd: {  	s3 =	rddreg [dreg:$0x2];
	[bflag:$0x3] =	sbarrier.arrive $0xFFFF;
	s2 =	simm.s32 @!p0 $0x1C02  }
0x2fe: {  	[timem:s3], [sflag:s2] =	dma.local @!p0 [hbm:s0], s1  }
0x2ff: {  	s0 =	simm.s32 @!p0 $0x2  }
0x300: {  	_ =	swait.ge @!p0 [sflag:s0], s1  }
0x301: {  	s1 =	ssub.s32 @!p0 $0x0, s1;
	[sflag:s0] =	ssyncset.done @!p0 $0x0  }
0x302: {  	[sflag:s0] =	ssyncadd.s32 @!p0 s1  }
0x303: {  	[bflag:$0x3] =	sbarrier.arrive $0xFFFF  }
0x304: {  	_ =	shalt  }

</sc_bundles>
